<compile_context>
chip_gen: v7x
topology: tpu7x:2x2x1
jax: 0.10.2.dev20260603
libtpu: 0.0.44.dev20260713+nightly
codegen_flags: <defaults>
</compile_context>

<pallas_src>
import functools

import jax
import jax.numpy as jnp
from jax import lax
from jax.experimental import pallas as pl
from jax.experimental.pallas import tpu as pltpu
from jax.experimental.pallas import tpu_sc as plsc

B, H, W = 8, 512, 512
N = B * H * W
NW = N // 2
SHIFT = 15
BIN_BASE = 27392
NB = 6144
NTILES = 32
WPT = NW // NTILES
UNROLL = 32
EPS = 1e-6
NEG_RATIO = 3.0


def _bce_body(pred_ref, gt_ref, mask_ref, packed_ref, part_ref):
    eps = jnp.float32(EPS)
    pred = pred_ref[...]
    gt = gt_ref[...]
    mask = mask_ref[...]
    p = jnp.clip(pred, eps, 1.0 - eps)
    loss = -jnp.log(jnp.where(gt > 0.5, p, 1.0 - p))
    positive = gt * mask
    negative = mask - positive
    bits = lax.bitcast_convert_type(negative * loss, jnp.int32)
    bin_ = jnp.maximum(lax.shift_right_logical(bits, SHIFT) - BIN_BASE, 0)
    packed_ref[...] = jnp.concatenate(
        [bin_[:, :, 0:128] | (bin_[:, :, 128:256] << 16),
         bin_[:, :, 256:384] | (bin_[:, :, 384:512] << 16)], axis=1)
    pos_sum = jnp.sum(positive * loss)
    pos_cnt = jnp.sum(positive)
    neg_cnt = jnp.sum(mask) - pos_cnt
    lane = lax.broadcasted_iota(jnp.int32, (1, 1, 128), 2)
    part_ref[...] = (jnp.where(lane == 0, pos_sum, 0.0)
                     + jnp.where(lane == 1, pos_cnt, 0.0)
                     + jnp.where(lane == 2, neg_cnt, 0.0))


GRID = 4
RB = B * H // GRID


def _bce_call(pred, gt, mask):
    spec_img = pl.BlockSpec((1, RB, W), lambda i: (i, 0, 0))
    return pl.pallas_call(
        _bce_body,
        grid=(GRID,),
        in_specs=[spec_img, spec_img, spec_img],
        out_specs=[pl.BlockSpec((1, 2 * RB, 128), lambda i: (i, 0, 0)),
                   pl.BlockSpec((1, 1, 128), lambda i: (i, 0, 0))],
        out_shape=[
            jax.ShapeDtypeStruct((GRID, 2 * RB, 128), jnp.int32),
            jax.ShapeDtypeStruct((GRID, 1, 128), jnp.float32),
        ],
    )(pred.reshape(GRID, RB, W), gt.reshape(GRID, RB, W),
      mask.reshape(GRID, RB, W))


def _sc_hist_body(packed_hbm, counts_out, buf0, buf1, hist_c, sem0, sem1):
    nc = 2
    wid = lax.axis_index("s") * nc + lax.axis_index("c")
    half = WPT // 2
    base = wid * WPT
    cp0 = pltpu.async_copy(packed_hbm.at[pl.ds(base, half)], buf0, sem0)
    cp1 = pltpu.async_copy(packed_hbm.at[pl.ds(base + half, half)], buf1, sem1)

    zeros16 = jnp.zeros((16,), jnp.float32)

    def zero_body(i, carry):
        for u in range(8):
            hist_c[pl.ds((i * 8 + u) * 16, 16)] = zeros16
        return carry

    lax.fori_loop(0, NB // 128, zero_body, 0)

    ones = jnp.ones((16,), jnp.float32)

    for cp, buf in ((cp0, buf0), (cp1, buf1)):
        cp.wait()

        def step(j, carry, buf=buf):
            groups = []
            for u in range(UNROLL):
                w = buf[pl.ds((j * UNROLL + u) * 16, 16)]
                blo = w & 0xFFFF
                bhi = lax.shift_right_logical(w, 16)
                groups.append((blo, blo > 0, bhi, bhi > 0))
            for blo, mlo, bhi, mhi in groups:
                plsc.addupdate_scatter(hist_c, [blo], ones, mask=mlo)
                plsc.addupdate_scatter(hist_c, [bhi], ones, mask=mhi)
            return carry

        lax.fori_loop(0, half // (16 * UNROLL), step, 0)

    pltpu.sync_copy(hist_c, counts_out.at[wid])


def _sc_hist_call(packed_flat):
    mesh = plsc.VectorSubcoreMesh(core_axis_name="c", subcore_axis_name="s")
    fn = functools.partial(
        pl.kernel,
        out_type=jax.ShapeDtypeStruct((NTILES, NB), jnp.float32),
        mesh=mesh,
        scratch_types=[
            pltpu.VMEM((WPT // 2,), jnp.int32),
            pltpu.VMEM((WPT // 2,), jnp.int32),
            pltpu.VMEM((NB,), jnp.float32),
            pltpu.SemaphoreType.DMA,
            pltpu.SemaphoreType.DMA,
        ],
        compiler_params=pltpu.CompilerParams(needs_layout_passes=False),
    )(_sc_hist_body)
    return fn(packed_flat)


def _select_body(counts_ref, part_ref, out_ref):
    eps = jnp.float32(EPS)
    cnt = jnp.sum(counts_ref[...], axis=0)
    lane = lax.broadcasted_iota(jnp.int32, (GRID, 1, 128), 2)
    part = part_ref[...]
    pos_sum = jnp.sum(jnp.where(lane == 0, part, 0.0))
    pos_cnt = jnp.sum(jnp.where(lane == 1, part, 0.0))
    neg_cnt = jnp.sum(jnp.where(lane == 2, part, 0.0))
    k = jnp.minimum(neg_cnt, pos_cnt * NEG_RATIO)

    bin_id = lax.broadcasted_iota(jnp.int32, (8, NB), 1)
    gbin = bin_id + BIN_BASE
    scale = lax.bitcast_convert_type(
        jnp.left_shift((gbin >> 8) - 23, 23), jnp.float32)
    mid = scale * ((2.0 ** 23 + 2.0 ** 14)
                   + ((gbin & 255) << 15).astype(jnp.float32))
    sms = cnt * mid

    def search(i, lohi):
        lo, hi = lohi
        mid_ = (lo + hi) // 2
        c_ge = jnp.sum(jnp.where(bin_id >= mid_, cnt, 0.0))
        take_hi = c_ge >= k
        return (jnp.where(take_hi, mid_, lo), jnp.where(take_hi, hi, mid_))

    lo, hi = lax.fori_loop(0, 13, search, (jnp.int32(0), jnp.int32(NB)))
    c_above = jnp.sum(jnp.where(bin_id >= hi, cnt, 0.0))
    s_above = jnp.sum(jnp.where(bin_id >= hi, sms, 0.0))
    cb = jnp.sum(jnp.where(bin_id == lo, cnt, 0.0))
    sb = jnp.sum(jnp.where(bin_id == lo, sms, 0.0))
    partial = (k - c_above) * sb / jnp.maximum(cb, 1.0)
    neg_topk = s_above + partial
    bal = jnp.where(
        k > 0.0,
        (pos_sum + neg_topk) / (pos_cnt + k + eps),
        pos_sum / (pos_cnt + eps))
    olane = lax.broadcasted_iota(jnp.int32, (1, 128), 1)
    out_ref[...] = jnp.where(olane == 0, bal, 0.0)


def _select_call(counts, partials):
    return pl.pallas_call(
        _select_body,
        out_shape=jax.ShapeDtypeStruct((1, 128), jnp.float32),
    )(counts.reshape(NTILES // 8, 8, NB), partials)


def kernel(pred, gt, mask):
    packed, partials = _bce_call(pred, gt, mask)
    counts = _sc_hist_call(packed.reshape(NW))
    out = _select_call(counts, partials)
    return out[0, 0]

# --- scband reference (transcript-rebuilt; emitter-appended) ---
"""Pipeline reference for scband-balance-loss-79817672229018 (READ-ONLY COPY).

The authoritative reference and input builder live on the scoring server;
editing this copy changes nothing except your own understanding.
"""

import jax, jax.numpy as jnp
import numpy as np


def setup_inputs(seed: int = 0) -> dict:
    key = jax.random.key(seed)
    k1, k2, k3 = jax.random.split(key, 3)
    pred = jax.random.uniform(k1, (8, 512, 512), dtype=jnp.float32)
    gt = jax.random.randint(k2, (8, 512, 512), 0, 2).astype(jnp.float32)
    mask = jax.random.randint(k3, (8, 512, 512), 0, 2).astype(jnp.float32)
    return {"pred": pred, "gt": gt, "mask": mask}


def reference(pred, gt, mask):
    # BalanceLoss with main_loss_type='BCELoss' (elementwise BCE, reduction NONE)
    # followed by online hard negative mining: keep top-k negative-pixel losses
    # with k = min(#negative, 3 * #positive) via descending sort + slice.
    eps = 1e-06
    negative_ratio = 3
    p = jnp.clip(pred, eps, 1.0 - eps)
    loss = -(gt * jnp.log(p) + (1.0 - gt) * jnp.log(1.0 - p))
    positive = gt * mask
    negative = (1.0 - gt) * mask
    positive_count = jnp.sum(positive)
    negative_count = jnp.minimum(jnp.sum(negative), positive_count * negative_ratio)
    positive_loss = positive * loss
    negative_loss = (negative * loss).reshape(-1)
    sort_loss = jnp.sort(negative_loss)[::-1]
    idx = jnp.arange(sort_loss.shape[0], dtype=jnp.float32)
    neg_topk_sum = jnp.sum(jnp.where(idx < negative_count, sort_loss, 0.0))
    balance_loss = jnp.where(
        negative_count > 0,
        (jnp.sum(positive_loss) + neg_topk_sum) / (
            positive_count + negative_count + eps),
        jnp.sum(positive_loss) / (positive_count + eps))
    return balance_loss

if __name__ == "__main__":
    import jax
    _d = setup_inputs()
    print(jax.jit(kernel)(*tuple(_d.values())))

</pallas_src>

<mosaic_0001>
#map = affine_map<(d0, d1) -> (0)>
#map1 = affine_map<(d0, d1) -> (0, 0)>
module attributes {stable_mosaic.version = 14 : i64} {
  func.func @_sc_hist_body(%arg0: i32, %arg1: i32, %arg2: memref<1048576xi32, #tpu.memory_space<hbm>>, %arg3: memref<32x6144xf32, #tpu.memory_space<hbm>>, %arg4: memref<16384xi32, #tpu.memory_space<vmem>>, %arg5: memref<16384xi32, #tpu.memory_space<vmem>>, %arg6: memref<6144xf32, #tpu.memory_space<vmem>>, %arg7: memref<!tpu.dma_semaphore, #tpu.memory_space<semaphore_mem>>, %arg8: memref<!tpu.dma_semaphore, #tpu.memory_space<semaphore_mem>>) attributes {dimension_semantics = [#tpu.dimension_semantics<core_parallel>, #tpu.dimension_semantics<subcore_parallel>], iteration_bounds = array<i64: 2, 16>, scalar_prefetch = 0 : i64, scratch_operands = 5 : i64, tpu.core_type = #tpu.core_type<sc_vector_subcore>, window_params = [{transform_indices = #map}, {transform_indices = #map1}]} {
    %mul3A = arith.constant 2 : i32
    %mul3A_0 = arith.muli %arg1, %mul3A : i32
    %add3A = arith.addi %mul3A_0, %arg0 : i32
    %mul3A_1 = arith.constant 32768 : i32
    %mul3A_2 = arith.muli %add3A, %mul3A_1 : i32
    %dma_start3A = tpu.memref_slice %arg2[%mul3A_2] : memref<1048576xi32, #tpu.memory_space<hbm>> -> memref<16384xi32, #tpu.memory_space<hbm>>
    %dma_start3A_3 = tpu.memref_slice %arg2[%mul3A_2] : memref<1048576xi32, #tpu.memory_space<hbm>> -> memref<16384xi32, #tpu.memory_space<hbm>>
    tpu.enqueue_dma source(%dma_start3A_3 : memref<16384xi32, #tpu.memory_space<hbm>>) target(%arg4 : memref<16384xi32, #tpu.memory_space<vmem>>) target_semaphore(%arg7 : memref<!tpu.dma_semaphore, #tpu.memory_space<semaphore_mem>>)
    %add3A_4 = arith.constant 16384 : i32
    %add3A_5 = arith.addi %mul3A_2, %add3A_4 : i32
    %dma_start3A_6 = tpu.memref_slice %arg2[%add3A_5] : memref<1048576xi32, #tpu.memory_space<hbm>> -> memref<16384xi32, #tpu.memory_space<hbm>>
    %dma_start3A_7 = tpu.memref_slice %arg2[%add3A_5] : memref<1048576xi32, #tpu.memory_space<hbm>> -> memref<16384xi32, #tpu.memory_space<hbm>>
    tpu.enqueue_dma source(%dma_start3A_7 : memref<16384xi32, #tpu.memory_space<hbm>>) target(%arg5 : memref<16384xi32, #tpu.memory_space<vmem>>) target_semaphore(%arg8 : memref<!tpu.dma_semaphore, #tpu.memory_space<semaphore_mem>>)
    %broadcast_in_dim3A = arith.constant 0.000000e+00 : f32
    %broadcast_in_dim3A_8 = vector.broadcast %broadcast_in_dim3A : f32 to vector<16xf32>
    %scan3A = arith.constant 0 : i32
    %scan3A_9 = arith.constant 0 : i32
    %scan3A_10 = arith.constant 48 : i32
    %scan3A_11 = arith.addi %scan3A_9, %scan3A_10 : i32
    %scan3A_12 = arith.constant 1 : i32
    scf.for %scan3A_31 = %scan3A_9 to %scan3A_11 step %scan3A_12  : i32 {
      %mul3A_32 = arith.constant 8 : i32
      %mul3A_33 = arith.muli %scan3A_31, %mul3A_32 : i32
      %add3A_34 = arith.constant 0 : i32
      %add3A_35 = arith.addi %mul3A_33, %add3A_34 : i32
      %mul3A_36 = arith.constant 16 : i32
      %mul3A_37 = arith.muli %add3A_35, %mul3A_36 : i32
      %swap3A = arith.index_cast %mul3A_37 : i32 to index
      %swap3A_38 = tpu.vector_load %arg6[%swap3A] {strides = array<i32>} : memref<6144xf32, #tpu.memory_space<vmem>>, vector<16xf32>,
      tpu.vector_store %arg6[%swap3A], %broadcast_in_dim3A_8 {strides = array<i32>} : memref<6144xf32, #tpu.memory_space<vmem>>, vector<16xf32>,
      %mul3A_39 = arith.constant 8 : i32
      %mul3A_40 = arith.muli %scan3A_31, %mul3A_39 : i32
      %add3A_41 = arith.constant 1 : i32
      %add3A_42 = arith.addi %mul3A_40, %add3A_41 : i32
      %mul3A_43 = arith.constant 16 : i32
      %mul3A_44 = arith.muli %add3A_42, %mul3A_43 : i32
      %swap3A_45 = arith.index_cast %mul3A_44 : i32 to index
      %swap3A_46 = tpu.vector_load %arg6[%swap3A_45] {strides = array<i32>} : memref<6144xf32, #tpu.memory_space<vmem>>, vector<16xf32>,
      tpu.vector_store %arg6[%swap3A_45], %broadcast_in_dim3A_8 {strides = array<i32>} : memref<6144xf32, #tpu.memory_space<vmem>>, vector<16xf32>,
      %mul3A_47 = arith.constant 8 : i32
      %mul3A_48 = arith.muli %scan3A_31, %mul3A_47 : i32
      %add3A_49 = arith.constant 2 : i32
      %add3A_50 = arith.addi %mul3A_48, %add3A_49 : i32
      %mul3A_51 = arith.constant 16 : i32
      %mul3A_52 = arith.muli %add3A_50, %mul3A_51 : i32
      %swap3A_53 = arith.index_cast %mul3A_52 : i32 to index
      %swap3A_54 = tpu.vector_load %arg6[%swap3A_53] {strides = array<i32>} : memref<6144xf32, #tpu.memory_space<vmem>>, vector<16xf32>,
      tpu.vector_store %arg6[%swap3A_53], %broadcast_in_dim3A_8 {strides = array<i32>} : memref<6144xf32, #tpu.memory_space<vmem>>, vector<16xf32>,
      %mul3A_55 = arith.constant 8 : i32
      %mul3A_56 = arith.muli %scan3A_31, %mul3A_55 : i32
      %add3A_57 = arith.constant 3 : i32
      %add3A_58 = arith.addi %mul3A_56, %add3A_57 : i32
      %mul3A_59 = arith.constant 16 : i32
      %mul3A_60 = arith.muli %add3A_58, %mul3A_59 : i32
      %swap3A_61 = arith.index_cast %mul3A_60 : i32 to index
      %swap3A_62 = tpu.vector_load %arg6[%swap3A_61] {strides = array<i32>} : memref<6144xf32, #tpu.memory_space<vmem>>, vector<16xf32>,
      tpu.vector_store %arg6[%swap3A_61], %broadcast_in_dim3A_8 {strides = array<i32>} : memref<6144xf32, #tpu.memory_space<vmem>>, vector<16xf32>,
      %mul3A_63 = arith.constant 8 : i32
      %mul3A_64 = arith.muli %scan3A_31, %mul3A_63 : i32
      %add3A_65 = arith.constant 4 : i32
      %add3A_66 = arith.addi %mul3A_64, %add3A_65 : i32
      %mul3A_67 = arith.constant 16 : i32
      %mul3A_68 = arith.muli %add3A_66, %mul3A_67 : i32
      %swap3A_69 = arith.index_cast %mul3A_68 : i32 to index
      %swap3A_70 = tpu.vector_load %arg6[%swap3A_69] {strides = array<i32>} : memref<6144xf32, #tpu.memory_space<vmem>>, vector<16xf32>,
      tpu.vector_store %arg6[%swap3A_69], %broadcast_in_dim3A_8 {strides = array<i32>} : memref<6144xf32, #tpu.memory_space<vmem>>, vector<16xf32>,
      %mul3A_71 = arith.constant 8 : i32
      %mul3A_72 = arith.muli %scan3A_31, %mul3A_71 : i32
      %add3A_73 = arith.constant 5 : i32
      %add3A_74 = arith.addi %mul3A_72, %add3A_73 : i32
      %mul3A_75 = arith.constant 16 : i32
      %mul3A_76 = arith.muli %add3A_74, %mul3A_75 : i32
      %swap3A_77 = arith.index_cast %mul3A_76 : i32 to index
      %swap3A_78 = tpu.vector_load %arg6[%swap3A_77] {strides = array<i32>} : memref<6144xf32, #tpu.memory_space<vmem>>, vector<16xf32>,
      tpu.vector_store %arg6[%swap3A_77], %broadcast_in_dim3A_8 {strides = array<i32>} : memref<6144xf32, #tpu.memory_space<vmem>>, vector<16xf32>,
      %mul3A_79 = arith.constant 8 : i32
      %mul3A_80 = arith.muli %scan3A_31, %mul3A_79 : i32
      %add3A_81 = arith.constant 6 : i32
      %add3A_82 = arith.addi %mul3A_80, %add3A_81 : i32
      %mul3A_83 = arith.constant 16 : i32
      %mul3A_84 = arith.muli %add3A_82, %mul3A_83 : i32
      %swap3A_85 = arith.index_cast %mul3A_84 : i32 to index
      %swap3A_86 = tpu.vector_load %arg6[%swap3A_85] {strides = array<i32>} : memref<6144xf32, #tpu.memory_space<vmem>>, vector<16xf32>,
      tpu.vector_store %arg6[%swap3A_85], %broadcast_in_dim3A_8 {strides = array<i32>} : memref<6144xf32, #tpu.memory_space<vmem>>, vector<16xf32>,
      %mul3A_87 = arith.constant 8 : i32
      %mul3A_88 = arith.muli %scan3A_31, %mul3A_87 : i32
      %add3A_89 = arith.constant 7 : i32
      %add3A_90 = arith.addi %mul3A_88, %add3A_89 : i32
      %mul3A_91 = arith.constant 16 : i32
      %mul3A_92 = arith.muli %add3A_90, %mul3A_91 : i32
      %swap3A_93 = arith.index_cast %mul3A_92 : i32 to index
      %swap3A_94 = tpu.vector_load %arg6[%swap3A_93] {strides = array<i32>} : memref<6144xf32, #tpu.memory_space<vmem>>, vector<16xf32>,
      tpu.vector_store %arg6[%swap3A_93], %broadcast_in_dim3A_8 {strides = array<i32>} : memref<6144xf32, #tpu.memory_space<vmem>>, vector<16xf32>,
    }
    %scan3A_13 = arith.constant 48 : i32
    %broadcast_in_dim3A_14 = arith.constant 1.000000e+00 : f32
    %broadcast_in_dim3A_15 = vector.broadcast %broadcast_in_dim3A_14 : f32 to vector<16xf32>
    %dma_wait3A = tpu.memref_slice %arg2[%mul3A_2] : memref<1048576xi32, #tpu.memory_space<hbm>> -> memref<16384xi32, #tpu.memory_space<hbm>>
    %dma_wait3A_16 = tpu.memref_slice %arg2[%mul3A_2] : memref<1048576xi32, #tpu.memory_space<hbm>> -> memref<16384xi32, #tpu.memory_space<hbm>>
    tpu.wait_dma2 semaphore(%arg7 : memref<!tpu.dma_semaphore, #tpu.memory_space<semaphore_mem>>) src(%dma_wait3A_16 : memref<16384xi32, #tpu.memory_space<hbm>>) dst(%arg4 : memref<16384xi32, #tpu.memory_space<vmem>>)
    %scan3A_17 = arith.constant 0 : i32
    %scan3A_18 = arith.constant 0 : i32
    %scan3A_19 = arith.constant 32 : i32
    %scan3A_20 = arith.addi %scan3A_18, %scan3A_19 : i32
    %scan3A_21 = arith.constant 1 : i32
    scf.for %scan3A_31 = %scan3A_18 to %scan3A_20 step %scan3A_21  : i32 {
      %mul3A_32 = arith.constant 32 : i32
      %mul3A_33 = arith.muli %scan3A_31, %mul3A_32 : i32
      %add3A_34 = arith.constant 0 : i32
      %add3A_35 = arith.addi %mul3A_33, %add3A_34 : i32
      %mul3A_36 = arith.constant 16 : i32
      %mul3A_37 = arith.muli %add3A_35, %mul3A_36 : i32
      %get3A = arith.index_cast %mul3A_37 : i32 to index
      %get3A_38 = tpu.vector_load %arg4[%get3A] {strides = array<i32>} : memref<16384xi32, #tpu.memory_space<vmem>>, vector<16xi32>,
      %and3A = arith.constant 65535 : i32
      %and3A_39 = vector.broadcast %and3A : i32 to vector<16xi32>
      %and3A_40 = arith.andi %get3A_38, %and3A_39 : vector<16xi32>
      %shift_right_logical3A = arith.constant 16 : i32
      %shift_right_logical3A_41 = vector.broadcast %shift_right_logical3A : i32 to vector<16xi32>
      %shift_right_logical3A_42 = arith.shrui %get3A_38, %shift_right_logical3A_41 : vector<16xi32>
      %gt3A = arith.constant 0 : i32
      %gt3A_43 = vector.broadcast %gt3A : i32 to vector<16xi32>
      %gt3A_44 = arith.cmpi sgt, %and3A_40, %gt3A_43 : vector<16xi32>
      %gt3A_45 = arith.constant 0 : i32
      %gt3A_46 = vector.broadcast %gt3A_45 : i32 to vector<16xi32>
      %gt3A_47 = arith.cmpi sgt, %shift_right_logical3A_42, %gt3A_46 : vector<16xi32>
      %mul3A_48 = arith.constant 32 : i32
      %mul3A_49 = arith.muli %scan3A_31, %mul3A_48 : i32
      %add3A_50 = arith.constant 1 : i32
      %add3A_51 = arith.addi %mul3A_49, %add3A_50 : i32
      %mul3A_52 = arith.constant 16 : i32
      %mul3A_53 = arith.muli %add3A_51, %mul3A_52 : i32
      %get3A_54 = arith.index_cast %mul3A_53 : i32 to index
      %get3A_55 = tpu.vector_load %arg4[%get3A_54] {strides = array<i32>} : memref<16384xi32, #tpu.memory_space<vmem>>, vector<16xi32>,
      %and3A_56 = arith.constant 65535 : i32
      %and3A_57 = vector.broadcast %and3A_56 : i32 to vector<16xi32>
      %and3A_58 = arith.andi %get3A_55, %and3A_57 : vector<16xi32>
      %shift_right_logical3A_59 = arith.constant 16 : i32
      %shift_right_logical3A_60 = vector.broadcast %shift_right_logical3A_59 : i32 to vector<16xi32>
      %shift_right_logical3A_61 = arith.shrui %get3A_55, %shift_right_logical3A_60 : vector<16xi32>
      %gt3A_62 = arith.constant 0 : i32
      %gt3A_63 = vector.broadcast %gt3A_62 : i32 to vector<16xi32>
      %gt3A_64 = arith.cmpi sgt, %and3A_58, %gt3A_63 : vector<16xi32>
      %gt3A_65 = arith.constant 0 : i32
      %gt3A_66 = vector.broadcast %gt3A_65 : i32 to vector<16xi32>
      %gt3A_67 = arith.cmpi sgt, %shift_right_logical3A_61, %gt3A_66 : vector<16xi32>
      %mul3A_68 = arith.constant 32 : i32
      %mul3A_69 = arith.muli %scan3A_31, %mul3A_68 : i32
      %add3A_70 = arith.constant 2 : i32
      %add3A_71 = arith.addi %mul3A_69, %add3A_70 : i32
      %mul3A_72 = arith.constant 16 : i32
      %mul3A_73 = arith.muli %add3A_71, %mul3A_72 : i32
      %get3A_74 = arith.index_cast %mul3A_73 : i32 to index
      %get3A_75 = tpu.vector_load %arg4[%get3A_74] {strides = array<i32>} : memref<16384xi32, #tpu.memory_space<vmem>>, vector<16xi32>,
      %and3A_76 = arith.constant 65535 : i32
      %and3A_77 = vector.broadcast %and3A_76 : i32 to vector<16xi32>
      %and3A_78 = arith.andi %get3A_75, %and3A_77 : vector<16xi32>
      %shift_right_logical3A_79 = arith.constant 16 : i32
      %shift_right_logical3A_80 = vector.broadcast %shift_right_logical3A_79 : i32 to vector<16xi32>
      %shift_right_logical3A_81 = arith.shrui %get3A_75, %shift_right_logical3A_80 : vector<16xi32>
      %gt3A_82 = arith.constant 0 : i32
      %gt3A_83 = vector.broadcast %gt3A_82 : i32 to vector<16xi32>
      %gt3A_84 = arith.cmpi sgt, %and3A_78, %gt3A_83 : vector<16xi32>
      %gt3A_85 = arith.constant 0 : i32
      %gt3A_86 = vector.broadcast %gt3A_85 : i32 to vector<16xi32>
      %gt3A_87 = arith.cmpi sgt, %shift_right_logical3A_81, %gt3A_86 : vector<16xi32>
      %mul3A_88 = arith.constant 32 : i32
      %mul3A_89 = arith.muli %scan3A_31, %mul3A_88 : i32
      %add3A_90 = arith.constant 3 : i32
      %add3A_91 = arith.addi %mul3A_89, %add3A_90 : i32
      %mul3A_92 = arith.constant 16 : i32
      %mul3A_93 = arith.muli %add3A_91, %mul3A_92 : i32
      %get3A_94 = arith.index_cast %mul3A_93 : i32 to index
      %get3A_95 = tpu.vector_load %arg4[%get3A_94] {strides = array<i32>} : memref<16384xi32, #tpu.memory_space<vmem>>, vector<16xi32>,
      %and3A_96 = arith.constant 65535 : i32
      %and3A_97 = vector.broadcast %and3A_96 : i32 to vector<16xi32>
      %and3A_98 = arith.andi %get3A_95, %and3A_97 : vector<16xi32>
      %shift_right_logical3A_99 = arith.constant 16 : i32
      %shift_right_logical3A_100 = vector.broadcast %shift_right_logical3A_99 : i32 to vector<16xi32>
      %shift_right_logical3A_101 = arith.shrui %get3A_95, %shift_right_logical3A_100 : vector<16xi32>
      %gt3A_102 = arith.constant 0 : i32
      %gt3A_103 = vector.broadcast %gt3A_102 : i32 to vector<16xi32>
      %gt3A_104 = arith.cmpi sgt, %and3A_98, %gt3A_103 : vector<16xi32>
      %gt3A_105 = arith.constant 0 : i32
      %gt3A_106 = vector.broadcast %gt3A_105 : i32 to vector<16xi32>
      %gt3A_107 = arith.cmpi sgt, %shift_right_logical3A_101, %gt3A_106 : vector<16xi32>
      %mul3A_108 = arith.constant 32 : i32
      %mul3A_109 = arith.muli %scan3A_31, %mul3A_108 : i32
      %add3A_110 = arith.constant 4 : i32
      %add3A_111 = arith.addi %mul3A_109, %add3A_110 : i32
      %mul3A_112 = arith.constant 16 : i32
      %mul3A_113 = arith.muli %add3A_111, %mul3A_112 : i32
      %get3A_114 = arith.index_cast %mul3A_113 : i32 to index
      %get3A_115 = tpu.vector_load %arg4[%get3A_114] {strides = array<i32>} : memref<16384xi32, #tpu.memory_space<vmem>>, vector<16xi32>,
      %and3A_116 = arith.constant 65535 : i32
      %and3A_117 = vector.broadcast %and3A_116 : i32 to vector<16xi32>
      %and3A_118 = arith.andi %get3A_115, %and3A_117 : vector<16xi32>
      %shift_right_logical3A_119 = arith.constant 16 : i32
      %shift_right_logical3A_120 = vector.broadcast %shift_right_logical3A_119 : i32 to vector<16xi32>
      %shift_right_logical3A_121 = arith.shrui %get3A_115, %shift_right_logical3A_120 : vector<16xi32>
      %gt3A_122 = arith.constant 0 : i32
      %gt3A_123 = vector.broadcast %gt3A_122 : i32 to vector<16xi32>
      %gt3A_124 = arith.cmpi sgt, %and3A_118, %gt3A_123 : vector<16xi32>
      %gt3A_125 = arith.constant 0 : i32
      %gt3A_126 = vector.broadcast %gt3A_125 : i32 to vector<16xi32>
      %gt3A_127 = arith.cmpi sgt, %shift_right_logical3A_121, %gt3A_126 : vector<16xi32>
      %mul3A_128 = arith.constant 32 : i32
      %mul3A_129 = arith.muli %scan3A_31, %mul3A_128 : i32
      %add3A_130 = arith.constant 5 : i32
      %add3A_131 = arith.addi %mul3A_129, %add3A_130 : i32
      %mul3A_132 = arith.constant 16 : i32
      %mul3A_133 = arith.muli %add3A_131, %mul3A_132 : i32
      %get3A_134 = arith.index_cast %mul3A_133 : i32 to index
      %get3A_135 = tpu.vector_load %arg4[%get3A_134] {strides = array<i32>} : memref<16384xi32, #tpu.memory_space<vmem>>, vector<16xi32>,
      %and3A_136 = arith.constant 65535 : i32
      %and3A_137 = vector.broadcast %and3A_136 : i32 to vector<16xi32>
      %and3A_138 = arith.andi %get3A_135, %and3A_137 : vector<16xi32>
      %shift_right_logical3A_139 = arith.constant 16 : i32
      %shift_right_logical3A_140 = vector.broadcast %shift_right_logical3A_139 : i32 to vector<16xi32>
      %shift_right_logical3A_141 = arith.shrui %get3A_135, %shift_right_logical3A_140 : vector<16xi32>
      %gt3A_142 = arith.constant 0 : i32
      %gt3A_143 = vector.broadcast %gt3A_142 : i32 to vector<16xi32>
      %gt3A_144 = arith.cmpi sgt, %and3A_138, %gt3A_143 : vector<16xi32>
      %gt3A_145 = arith.constant 0 : i32
      %gt3A_146 = vector.broadcast %gt3A_145 : i32 to vector<16xi32>
      %gt3A_147 = arith.cmpi sgt, %shift_right_logical3A_141, %gt3A_146 : vector<16xi32>
      %mul3A_148 = arith.constant 32 : i32
      %mul3A_149 = arith.muli %scan3A_31, %mul3A_148 : i32
      %add3A_150 = arith.constant 6 : i32
      %add3A_151 = arith.addi %mul3A_149, %add3A_150 : i32
      %mul3A_152 = arith.constant 16 : i32
      %mul3A_153 = arith.muli %add3A_151, %mul3A_152 : i32
      %get3A_154 = arith.index_cast %mul3A_153 : i32 to index
      %get3A_155 = tpu.vector_load %arg4[%get3A_154] {strides = array<i32>} : memref<16384xi32, #tpu.memory_space<vmem>>, vector<16xi32>,
      %and3A_156 = arith.constant 65535 : i32
      %and3A_157 = vector.broadcast %and3A_156 : i32 to vector<16xi32>
      %and3A_158 = arith.andi %get3A_155, %and3A_157 : vector<16xi32>
      %shift_right_logical3A_159 = arith.constant 16 : i32
      %shift_right_logical3A_160 = vector.broadcast %shift_right_logical3A_159 : i32 to vector<16xi32>
      %shift_right_logical3A_161 = arith.shrui %get3A_155, %shift_right_logical3A_160 : vector<16xi32>
      %gt3A_162 = arith.constant 0 : i32
      %gt3A_163 = vector.broadcast %gt3A_162 : i32 to vector<16xi32>
      %gt3A_164 = arith.cmpi sgt, %and3A_158, %gt3A_163 : vector<16xi32>
      %gt3A_165 = arith.constant 0 : i32
      %gt3A_166 = vector.broadcast %gt3A_165 : i32 to vector<16xi32>
      %gt3A_167 = arith.cmpi sgt, %shift_right_logical3A_161, %gt3A_166 : vector<16xi32>
      %mul3A_168 = arith.constant 32 : i32
      %mul3A_169 = arith.muli %scan3A_31, %mul3A_168 : i32
      %add3A_170 = arith.constant 7 : i32
      %add3A_171 = arith.addi %mul3A_169, %add3A_170 : i32
      %mul3A_172 = arith.constant 16 : i32
      %mul3A_173 = arith.muli %add3A_171, %mul3A_172 : i32
      %get3A_174 = arith.index_cast %mul3A_173 : i32 to index
      %get3A_175 = tpu.vector_load %arg4[%get3A_174] {strides = array<i32>} : memref<16384xi32, #tpu.memory_space<vmem>>, vector<16xi32>,
      %and3A_176 = arith.constant 65535 : i32
      %and3A_177 = vector.broadcast %and3A_176 : i32 to vector<16xi32>
      %and3A_178 = arith.andi %get3A_175, %and3A_177 : vector<16xi32>
      %shift_right_logical3A_179 = arith.constant 16 : i32
      %shift_right_logical3A_180 = vector.broadcast %shift_right_logical3A_179 : i32 to vector<16xi32>
      %shift_right_logical3A_181 = arith.shrui %get3A_175, %shift_right_logical3A_180 : vector<16xi32>
      %gt3A_182 = arith.constant 0 : i32
      %gt3A_183 = vector.broadcast %gt3A_182 : i32 to vector<16xi32>
      %gt3A_184 = arith.cmpi sgt, %and3A_178, %gt3A_183 : vector<16xi32>
      %gt3A_185 = arith.constant 0 : i32
      %gt3A_186 = vector.broadcast %gt3A_185 : i32 to vector<16xi32>
      %gt3A_187 = arith.cmpi sgt, %shift_right_logical3A_181, %gt3A_186 : vector<16xi32>
      %mul3A_188 = arith.constant 32 : i32
      %mul3A_189 = arith.muli %scan3A_31, %mul3A_188 : i32
      %add3A_190 = arith.constant 8 : i32
      %add3A_191 = arith.addi %mul3A_189, %add3A_190 : i32
      %mul3A_192 = arith.constant 16 : i32
      %mul3A_193 = arith.muli %add3A_191, %mul3A_192 : i32
      %get3A_194 = arith.index_cast %mul3A_193 : i32 to index
      %get3A_195 = tpu.vector_load %arg4[%get3A_194] {strides = array<i32>} : memref<16384xi32, #tpu.memory_space<vmem>>, vector<16xi32>,
      %and3A_196 = arith.constant 65535 : i32
      %and3A_197 = vector.broadcast %and3A_196 : i32 to vector<16xi32>
      %and3A_198 = arith.andi %get3A_195, %and3A_197 : vector<16xi32>
      %shift_right_logical3A_199 = arith.constant 16 : i32
      %shift_right_logical3A_200 = vector.broadcast %shift_right_logical3A_199 : i32 to vector<16xi32>
      %shift_right_logical3A_201 = arith.shrui %get3A_195, %shift_right_logical3A_200 : vector<16xi32>
      %gt3A_202 = arith.constant 0 : i32
      %gt3A_203 = vector.broadcast %gt3A_202 : i32 to vector<16xi32>
      %gt3A_204 = arith.cmpi sgt, %and3A_198, %gt3A_203 : vector<16xi32>
      %gt3A_205 = arith.constant 0 : i32
      %gt3A_206 = vector.broadcast %gt3A_205 : i32 to vector<16xi32>
      %gt3A_207 = arith.cmpi sgt, %shift_right_logical3A_201, %gt3A_206 : vector<16xi32>
      %mul3A_208 = arith.constant 32 : i32
      %mul3A_209 = arith.muli %scan3A_31, %mul3A_208 : i32
      %add3A_210 = arith.constant 9 : i32
      %add3A_211 = arith.addi %mul3A_209, %add3A_210 : i32
      %mul3A_212 = arith.constant 16 : i32
      %mul3A_213 = arith.muli %add3A_211, %mul3A_212 : i32
      %get3A_214 = arith.index_cast %mul3A_213 : i32 to index
      %get3A_215 = tpu.vector_load %arg4[%get3A_214] {strides = array<i32>} : memref<16384xi32, #tpu.memory_space<vmem>>, vector<16xi32>,
      %and3A_216 = arith.constant 65535 : i32
      %and3A_217 = vector.broadcast %and3A_216 : i32 to vector<16xi32>
      %and3A_218 = arith.andi %get3A_215, %and3A_217 : vector<16xi32>
      %shift_right_logical3A_219 = arith.constant 16 : i32
      %shift_right_logical3A_220 = vector.broadcast %shift_right_logical3A_219 : i32 to vector<16xi32>
      %shift_right_logical3A_221 = arith.shrui %get3A_215, %shift_right_logical3A_220 : vector<16xi32>
      %gt3A_222 = arith.constant 0 : i32
      %gt3A_223 = vector.broadcast %gt3A_222 : i32 to vector<16xi32>
      %gt3A_224 = arith.cmpi sgt, %and3A_218, %gt3A_223 : vector<16xi32>
      %gt3A_225 = arith.constant 0 : i32
      %gt3A_226 = vector.broadcast %gt3A_225 : i32 to vector<16xi32>
      %gt3A_227 = arith.cmpi sgt, %shift_right_logical3A_221, %gt3A_226 : vector<16xi32>
      %mul3A_228 = arith.constant 32 : i32
      %mul3A_229 = arith.muli %scan3A_31, %mul3A_228 : i32
      %add3A_230 = arith.constant 10 : i32
      %add3A_231 = arith.addi %mul3A_229, %add3A_230 : i32
      %mul3A_232 = arith.constant 16 : i32
      %mul3A_233 = arith.muli %add3A_231, %mul3A_232 : i32
      %get3A_234 = arith.index_cast %mul3A_233 : i32 to index
      %get3A_235 = tpu.vector_load %arg4[%get3A_234] {strides = array<i32>} : memref<16384xi32, #tpu.memory_space<vmem>>, vector<16xi32>,
      %and3A_236 = arith.constant 65535 : i32
      %and3A_237 = vector.broadcast %and3A_236 : i32 to vector<16xi32>
      %and3A_238 = arith.andi %get3A_235, %and3A_237 : vector<16xi32>
      %shift_right_logical3A_239 = arith.constant 16 : i32
      %shift_right_logical3A_240 = vector.broadcast %shift_right_logical3A_239 : i32 to vector<16xi32>
      %shift_right_logical3A_241 = arith.shrui %get3A_235, %shift_right_logical3A_240 : vector<16xi32>
      %gt3A_242 = arith.constant 0 : i32
      %gt3A_243 = vector.broadcast %gt3A_242 : i32 to vector<16xi32>
      %gt3A_244 = arith.cmpi sgt, %and3A_238, %gt3A_243 : vector<16xi32>
      %gt3A_245 = arith.constant 0 : i32
      %gt3A_246 = vector.broadcast %gt3A_245 : i32 to vector<16xi32>
      %gt3A_247 = arith.cmpi sgt, %shift_right_logical3A_241, %gt3A_246 : vector<16xi32>
      %mul3A_248 = arith.constant 32 : i32
      %mul3A_249 = arith.muli %scan3A_31, %mul3A_248 : i32
      %add3A_250 = arith.constant 11 : i32
      %add3A_251 = arith.addi %mul3A_249, %add3A_250 : i32
      %mul3A_252 = arith.constant 16 : i32
      %mul3A_253 = arith.muli %add3A_251, %mul3A_252 : i32
      %get3A_254 = arith.index_cast %mul3A_253 : i32 to index
      %get3A_255 = tpu.vector_load %arg4[%get3A_254] {strides = array<i32>} : memref<16384xi32, #tpu.memory_space<vmem>>, vector<16xi32>,
      %and3A_256 = arith.constant 65535 : i32
      %and3A_257 = vector.broadcast %and3A_256 : i32 to vector<16xi32>
      %and3A_258 = arith.andi %get3A_255, %and3A_257 : vector<16xi32>
      %shift_right_logical3A_259 = arith.constant 16 : i32
      %shift_right_logical3A_260 = vector.broadcast %shift_right_logical3A_259 : i32 to vector<16xi32>
      %shift_right_logical3A_261 = arith.shrui %get3A_255, %shift_right_logical3A_260 : vector<16xi32>
      %gt3A_262 = arith.constant 0 : i32
      %gt3A_263 = vector.broadcast %gt3A_262 : i32 to vector<16xi32>
      %gt3A_264 = arith.cmpi sgt, %and3A_258, %gt3A_263 : vector<16xi32>
      %gt3A_265 = arith.constant 0 : i32
      %gt3A_266 = vector.broadcast %gt3A_265 : i32 to vector<16xi32>
      %gt3A_267 = arith.cmpi sgt, %shift_right_logical3A_261, %gt3A_266 : vector<16xi32>
      %mul3A_268 = arith.constant 32 : i32
      %mul3A_269 = arith.muli %scan3A_31, %mul3A_268 : i32
      %add3A_270 = arith.constant 12 : i32
      %add3A_271 = arith.addi %mul3A_269, %add3A_270 : i32
      %mul3A_272 = arith.constant 16 : i32
      %mul3A_273 = arith.muli %add3A_271, %mul3A_272 : i32
      %get3A_274 = arith.index_cast %mul3A_273 : i32 to index
      %get3A_275 = tpu.vector_load %arg4[%get3A_274] {strides = array<i32>} : memref<16384xi32, #tpu.memory_space<vmem>>, vector<16xi32>,
      %and3A_276 = arith.constant 65535 : i32
      %and3A_277 = vector.broadcast %and3A_276 : i32 to vector<16xi32>
      %and3A_278 = arith.andi %get3A_275, %and3A_277 : vector<16xi32>
      %shift_right_logical3A_279 = arith.constant 16 : i32
      %shift_right_logical3A_280 = vector.broadcast %shift_right_logical3A_279 : i32 to vector<16xi32>
      %shift_right_logical3A_281 = arith.shrui %get3A_275, %shift_right_logical3A_280 : vector<16xi32>
      %gt3A_282 = arith.constant 0 : i32
      %gt3A_283 = vector.broadcast %gt3A_282 : i32 to vector<16xi32>
      %gt3A_284 = arith.cmpi sgt, %and3A_278, %gt3A_283 : vector<16xi32>
      %gt3A_285 = arith.constant 0 : i32
      %gt3A_286 = vector.broadcast %gt3A_285 : i32 to vector<16xi32>
      %gt3A_287 = arith.cmpi sgt, %shift_right_logical3A_281, %gt3A_286 : vector<16xi32>
      %mul3A_288 = arith.constant 32 : i32
      %mul3A_289 = arith.muli %scan3A_31, %mul3A_288 : i32
      %add3A_290 = arith.constant 13 : i32
      %add3A_291 = arith.addi %mul3A_289, %add3A_290 : i32
      %mul3A_292 = arith.constant 16 : i32
      %mul3A_293 = arith.muli %add3A_291, %mul3A_292 : i32
      %get3A_294 = arith.index_cast %mul3A_293 : i32 to index
      %get3A_295 = tpu.vector_load %arg4[%get3A_294] {strides = array<i32>} : memref<16384xi32, #tpu.memory_space<vmem>>, vector<16xi32>,
      %and3A_296 = arith.constant 65535 : i32
      %and3A_297 = vector.broadcast %and3A_296 : i32 to vector<16xi32>
      %and3A_298 = arith.andi %get3A_295, %and3A_297 : vector<16xi32>
      %shift_right_logical3A_299 = arith.constant 16 : i32
      %shift_right_logical3A_300 = vector.broadcast %shift_right_logical3A_299 : i32 to vector<16xi32>
      %shift_right_logical3A_301 = arith.shrui %get3A_295, %shift_right_logical3A_300 : vector<16xi32>
      %gt3A_302 = arith.constant 0 : i32
      %gt3A_303 = vector.broadcast %gt3A_302 : i32 to vector<16xi32>
      %gt3A_304 = arith.cmpi sgt, %and3A_298, %gt3A_303 : vector<16xi32>
      %gt3A_305 = arith.constant 0 : i32
      %gt3A_306 = vector.broadcast %gt3A_305 : i32 to vector<16xi32>
      %gt3A_307 = arith.cmpi sgt, %shift_right_logical3A_301, %gt3A_306 : vector<16xi32>
      %mul3A_308 = arith.constant 32 : i32
      %mul3A_309 = arith.muli %scan3A_31, %mul3A_308 : i32
      %add3A_310 = arith.constant 14 : i32
      %add3A_311 = arith.addi %mul3A_309, %add3A_310 : i32
      %mul3A_312 = arith.constant 16 : i32
      %mul3A_313 = arith.muli %add3A_311, %mul3A_312 : i32
      %get3A_314 = arith.index_cast %mul3A_313 : i32 to index
      %get3A_315 = tpu.vector_load %arg4[%get3A_314] {strides = array<i32>} : memref<16384xi32, #tpu.memory_space<vmem>>, vector<16xi32>,
      %and3A_316 = arith.constant 65535 : i32
      %and3A_317 = vector.broadcast %and3A_316 : i32 to vector<16xi32>
      %and3A_318 = arith.andi %get3A_315, %and3A_317 : vector<16xi32>
      %shift_right_logical3A_319 = arith.constant 16 : i32
      %shift_right_logical3A_320 = vector.broadcast %shift_right_logical3A_319 : i32 to vector<16xi32>
      %shift_right_logical3A_321 = arith.shrui %get3A_315, %shift_right_logical3A_320 : vector<16xi32>
      %gt3A_322 = arith.constant 0 : i32
      %gt3A_323 = vector.broadcast %gt3A_322 : i32 to vector<16xi32>
      %gt3A_324 = arith.cmpi sgt, %and3A_318, %gt3A_323 : vector<16xi32>
      %gt3A_325 = arith.constant 0 : i32
      %gt3A_326 = vector.broadcast %gt3A_325 : i32 to vector<16xi32>
      %gt3A_327 = arith.cmpi sgt, %shift_right_logical3A_321, %gt3A_326 : vector<16xi32>
      %mul3A_328 = arith.constant 32 : i32
      %mul3A_329 = arith.muli %scan3A_31, %mul3A_328 : i32
      %add3A_330 = arith.constant 15 : i32
      %add3A_331 = arith.addi %mul3A_329, %add3A_330 : i32
      %mul3A_332 = arith.constant 16 : i32
      %mul3A_333 = arith.muli %add3A_331, %mul3A_332 : i32
      %get3A_334 = arith.index_cast %mul3A_333 : i32 to index
      %get3A_335 = tpu.vector_load %arg4[%get3A_334] {strides = array<i32>} : memref<16384xi32, #tpu.memory_space<vmem>>, vector<16xi32>,
      %and3A_336 = arith.constant 65535 : i32
      %and3A_337 = vector.broadcast %and3A_336 : i32 to vector<16xi32>
      %and3A_338 = arith.andi %get3A_335, %and3A_337 : vector<16xi32>
      %shift_right_logical3A_339 = arith.constant 16 : i32
      %shift_right_logical3A_340 = vector.broadcast %shift_right_logical3A_339 : i32 to vector<16xi32>
      %shift_right_logical3A_341 = arith.shrui %get3A_335, %shift_right_logical3A_340 : vector<16xi32>
      %gt3A_342 = arith.constant 0 : i32
      %gt3A_343 = vector.broadcast %gt3A_342 : i32 to vector<16xi32>
      %gt3A_344 = arith.cmpi sgt, %and3A_338, %gt3A_343 : vector<16xi32>
      %gt3A_345 = arith.constant 0 : i32
      %gt3A_346 = vector.broadcast %gt3A_345 : i32 to vector<16xi32>
      %gt3A_347 = arith.cmpi sgt, %shift_right_logical3A_341, %gt3A_346 : vector<16xi32>
      %mul3A_348 = arith.constant 32 : i32
      %mul3A_349 = arith.muli %scan3A_31, %mul3A_348 : i32
      %add3A_350 = arith.constant 16 : i32
      %add3A_351 = arith.addi %mul3A_349, %add3A_350 : i32
      %mul3A_352 = arith.constant 16 : i32
      %mul3A_353 = arith.muli %add3A_351, %mul3A_352 : i32
      %get3A_354 = arith.index_cast %mul3A_353 : i32 to index
      %get3A_355 = tpu.vector_load %arg4[%get3A_354] {strides = array<i32>} : memref<16384xi32, #tpu.memory_space<vmem>>, vector<16xi32>,
      %and3A_356 = arith.constant 65535 : i32
      %and3A_357 = vector.broadcast %and3A_356 : i32 to vector<16xi32>
      %and3A_358 = arith.andi %get3A_355, %and3A_357 : vector<16xi32>
      %shift_right_logical3A_359 = arith.constant 16 : i32
      %shift_right_logical3A_360 = vector.broadcast %shift_right_logical3A_359 : i32 to vector<16xi32>
      %shift_right_logical3A_361 = arith.shrui %get3A_355, %shift_right_logical3A_360 : vector<16xi32>
      %gt3A_362 = arith.constant 0 : i32
      %gt3A_363 = vector.broadcast %gt3A_362 : i32 to vector<16xi32>
      %gt3A_364 = arith.cmpi sgt, %and3A_358, %gt3A_363 : vector<16xi32>
      %gt3A_365 = arith.constant 0 : i32
      %gt3A_366 = vector.broadcast %gt3A_365 : i32 to vector<16xi32>
      %gt3A_367 = arith.cmpi sgt, %shift_right_logical3A_361, %gt3A_366 : vector<16xi32>
      %mul3A_368 = arith.constant 32 : i32
      %mul3A_369 = arith.muli %scan3A_31, %mul3A_368 : i32
      %add3A_370 = arith.constant 17 : i32
      %add3A_371 = arith.addi %mul3A_369, %add3A_370 : i32
      %mul3A_372 = arith.constant 16 : i32
      %mul3A_373 = arith.muli %add3A_371, %mul3A_372 : i32
      %get3A_374 = arith.index_cast %mul3A_373 : i32 to index
      %get3A_375 = tpu.vector_load %arg4[%get3A_374] {strides = array<i32>} : memref<16384xi32, #tpu.memory_space<vmem>>, vector<16xi32>,
      %and3A_376 = arith.constant 65535 : i32
      %and3A_377 = vector.broadcast %and3A_376 : i32 to vector<16xi32>
      %and3A_378 = arith.andi %get3A_375, %and3A_377 : vector<16xi32>
      %shift_right_logical3A_379 = arith.constant 16 : i32
      %shift_right_logical3A_380 = vector.broadcast %shift_right_logical3A_379 : i32 to vector<16xi32>
      %shift_right_logical3A_381 = arith.shrui %get3A_375, %shift_right_logical3A_380 : vector<16xi32>
      %gt3A_382 = arith.constant 0 : i32
      %gt3A_383 = vector.broadcast %gt3A_382 : i32 to vector<16xi32>
      %gt3A_384 = arith.cmpi sgt, %and3A_378, %gt3A_383 : vector<16xi32>
      %gt3A_385 = arith.constant 0 : i32
      %gt3A_386 = vector.broadcast %gt3A_385 : i32 to vector<16xi32>
      %gt3A_387 = arith.cmpi sgt, %shift_right_logical3A_381, %gt3A_386 : vector<16xi32>
      %mul3A_388 = arith.constant 32 : i32
      %mul3A_389 = arith.muli %scan3A_31, %mul3A_388 : i32
      %add3A_390 = arith.constant 18 : i32
      %add3A_391 = arith.addi %mul3A_389, %add3A_390 : i32
      %mul3A_392 = arith.constant 16 : i32
      %mul3A_393 = arith.muli %add3A_391, %mul3A_392 : i32
      %get3A_394 = arith.index_cast %mul3A_393 : i32 to index
      %get3A_395 = tpu.vector_load %arg4[%get3A_394] {strides = array<i32>} : memref<16384xi32, #tpu.memory_space<vmem>>, vector<16xi32>,
      %and3A_396 = arith.constant 65535 : i32
      %and3A_397 = vector.broadcast %and3A_396 : i32 to vector<16xi32>
      %and3A_398 = arith.andi %get3A_395, %and3A_397 : vector<16xi32>
      %shift_right_logical3A_399 = arith.constant 16 : i32
      %shift_right_logical3A_400 = vector.broadcast %shift_right_logical3A_399 : i32 to vector<16xi32>
      %shift_right_logical3A_401 = arith.shrui %get3A_395, %shift_right_logical3A_400 : vector<16xi32>
      %gt3A_402 = arith.constant 0 : i32
      %gt3A_403 = vector.broadcast %gt3A_402 : i32 to vector<16xi32>
      %gt3A_404 = arith.cmpi sgt, %and3A_398, %gt3A_403 : vector<16xi32>
      %gt3A_405 = arith.constant 0 : i32
      %gt3A_406 = vector.broadcast %gt3A_405 : i32 to vector<16xi32>
      %gt3A_407 = arith.cmpi sgt, %shift_right_logical3A_401, %gt3A_406 : vector<16xi32>
      %mul3A_408 = arith.constant 32 : i32
      %mul3A_409 = arith.muli %scan3A_31, %mul3A_408 : i32
      %add3A_410 = arith.constant 19 : i32
      %add3A_411 = arith.addi %mul3A_409, %add3A_410 : i32
      %mul3A_412 = arith.constant 16 : i32
      %mul3A_413 = arith.muli %add3A_411, %mul3A_412 : i32
      %get3A_414 = arith.index_cast %mul3A_413 : i32 to index
      %get3A_415 = tpu.vector_load %arg4[%get3A_414] {strides = array<i32>} : memref<16384xi32, #tpu.memory_space<vmem>>, vector<16xi32>,
      %and3A_416 = arith.constant 65535 : i32
      %and3A_417 = vector.broadcast %and3A_416 : i32 to vector<16xi32>
      %and3A_418 = arith.andi %get3A_415, %and3A_417 : vector<16xi32>
      %shift_right_logical3A_419 = arith.constant 16 : i32
      %shift_right_logical3A_420 = vector.broadcast %shift_right_logical3A_419 : i32 to vector<16xi32>
      %shift_right_logical3A_421 = arith.shrui %get3A_415, %shift_right_logical3A_420 : vector<16xi32>
      %gt3A_422 = arith.constant 0 : i32
      %gt3A_423 = vector.broadcast %gt3A_422 : i32 to vector<16xi32>
      %gt3A_424 = arith.cmpi sgt, %and3A_418, %gt3A_423 : vector<16xi32>
      %gt3A_425 = arith.constant 0 : i32
      %gt3A_426 = vector.broadcast %gt3A_425 : i32 to vector<16xi32>
      %gt3A_427 = arith.cmpi sgt, %shift_right_logical3A_421, %gt3A_426 : vector<16xi32>
      %mul3A_428 = arith.constant 32 : i32
      %mul3A_429 = arith.muli %scan3A_31, %mul3A_428 : i32
      %add3A_430 = arith.constant 20 : i32
      %add3A_431 = arith.addi %mul3A_429, %add3A_430 : i32
      %mul3A_432 = arith.constant 16 : i32
      %mul3A_433 = arith.muli %add3A_431, %mul3A_432 : i32
      %get3A_434 = arith.index_cast %mul3A_433 : i32 to index
      %get3A_435 = tpu.vector_load %arg4[%get3A_434] {strides = array<i32>} : memref<16384xi32, #tpu.memory_space<vmem>>, vector<16xi32>,
      %and3A_436 = arith.constant 65535 : i32
      %and3A_437 = vector.broadcast %and3A_436 : i32 to vector<16xi32>
      %and3A_438 = arith.andi %get3A_435, %and3A_437 : vector<16xi32>
      %shift_right_logical3A_439 = arith.constant 16 : i32
      %shift_right_logical3A_440 = vector.broadcast %shift_right_logical3A_439 : i32 to vector<16xi32>
      %shift_right_logical3A_441 = arith.shrui %get3A_435, %shift_right_logical3A_440 : vector<16xi32>
      %gt3A_442 = arith.constant 0 : i32
      %gt3A_443 = vector.broadcast %gt3A_442 : i32 to vector<16xi32>
      %gt3A_444 = arith.cmpi sgt, %and3A_438, %gt3A_443 : vector<16xi32>
      %gt3A_445 = arith.constant 0 : i32
      %gt3A_446 = vector.broadcast %gt3A_445 : i32 to vector<16xi32>
      %gt3A_447 = arith.cmpi sgt, %shift_right_logical3A_441, %gt3A_446 : vector<16xi32>
      %mul3A_448 = arith.constant 32 : i32
      %mul3A_449 = arith.muli %scan3A_31, %mul3A_448 : i32
      %add3A_450 = arith.constant 21 : i32
      %add3A_451 = arith.addi %mul3A_449, %add3A_450 : i32
      %mul3A_452 = arith.constant 16 : i32
      %mul3A_453 = arith.muli %add3A_451, %mul3A_452 : i32
      %get3A_454 = arith.index_cast %mul3A_453 : i32 to index
      %get3A_455 = tpu.vector_load %arg4[%get3A_454] {strides = array<i32>} : memref<16384xi32, #tpu.memory_space<vmem>>, vector<16xi32>,
      %and3A_456 = arith.constant 65535 : i32
      %and3A_457 = vector.broadcast %and3A_456 : i32 to vector<16xi32>
      %and3A_458 = arith.andi %get3A_455, %and3A_457 : vector<16xi32>
      %shift_right_logical3A_459 = arith.constant 16 : i32
      %shift_right_logical3A_460 = vector.broadcast %shift_right_logical3A_459 : i32 to vector<16xi32>
      %shift_right_logical3A_461 = arith.shrui %get3A_455, %shift_right_logical3A_460 : vector<16xi32>
      %gt3A_462 = arith.constant 0 : i32
      %gt3A_463 = vector.broadcast %gt3A_462 : i32 to vector<16xi32>
      %gt3A_464 = arith.cmpi sgt, %and3A_458, %gt3A_463 : vector<16xi32>
      %gt3A_465 = arith.constant 0 : i32
      %gt3A_466 = vector.broadcast %gt3A_465 : i32 to vector<16xi32>
      %gt3A_467 = arith.cmpi sgt, %shift_right_logical3A_461, %gt3A_466 : vector<16xi32>
      %mul3A_468 = arith.constant 32 : i32
      %mul3A_469 = arith.muli %scan3A_31, %mul3A_468 : i32
      %add3A_470 = arith.constant 22 : i32
      %add3A_471 = arith.addi %mul3A_469, %add3A_470 : i32
      %mul3A_472 = arith.constant 16 : i32
      %mul3A_473 = arith.muli %add3A_471, %mul3A_472 : i32
      %get3A_474 = arith.index_cast %mul3A_473 : i32 to index
      %get3A_475 = tpu.vector_load %arg4[%get3A_474] {strides = array<i32>} : memref<16384xi32, #tpu.memory_space<vmem>>, vector<16xi32>,
      %and3A_476 = arith.constant 65535 : i32
      %and3A_477 = vector.broadcast %and3A_476 : i32 to vector<16xi32>
      %and3A_478 = arith.andi %get3A_475, %and3A_477 : vector<16xi32>
      %shift_right_logical3A_479 = arith.constant 16 : i32
      %shift_right_logical3A_480 = vector.broadcast %shift_right_logical3A_479 : i32 to vector<16xi32>
      %shift_right_logical3A_481 = arith.shrui %get3A_475, %shift_right_logical3A_480 : vector<16xi32>
      %gt3A_482 = arith.constant 0 : i32
      %gt3A_483 = vector.broadcast %gt3A_482 : i32 to vector<16xi32>
      %gt3A_484 = arith.cmpi sgt, %and3A_478, %gt3A_483 : vector<16xi32>
      %gt3A_485 = arith.constant 0 : i32
      %gt3A_486 = vector.broadcast %gt3A_485 : i32 to vector<16xi32>
      %gt3A_487 = arith.cmpi sgt, %shift_right_logical3A_481, %gt3A_486 : vector<16xi32>
      %mul3A_488 = arith.constant 32 : i32
      %mul3A_489 = arith.muli %scan3A_31, %mul3A_488 : i32
      %add3A_490 = arith.constant 23 : i32
      %add3A_491 = arith.addi %mul3A_489, %add3A_490 : i32
      %mul3A_492 = arith.constant 16 : i32
      %mul3A_493 = arith.muli %add3A_491, %mul3A_492 : i32
      %get3A_494 = arith.index_cast %mul3A_493 : i32 to index
      %get3A_495 = tpu.vector_load %arg4[%get3A_494] {strides = array<i32>} : memref<16384xi32, #tpu.memory_space<vmem>>, vector<16xi32>,
      %and3A_496 = arith.constant 65535 : i32
      %and3A_497 = vector.broadcast %and3A_496 : i32 to vector<16xi32>
      %and3A_498 = arith.andi %get3A_495, %and3A_497 : vector<16xi32>
      %shift_right_logical3A_499 = arith.constant 16 : i32
      %shift_right_logical3A_500 = vector.broadcast %shift_right_logical3A_499 : i32 to vector<16xi32>
      %shift_right_logical3A_501 = arith.shrui %get3A_495, %shift_right_logical3A_500 : vector<16xi32>
      %gt3A_502 = arith.constant 0 : i32
      %gt3A_503 = vector.broadcast %gt3A_502 : i32 to vector<16xi32>
      %gt3A_504 = arith.cmpi sgt, %and3A_498, %gt3A_503 : vector<16xi32>
      %gt3A_505 = arith.constant 0 : i32
      %gt3A_506 = vector.broadcast %gt3A_505 : i32 to vector<16xi32>
      %gt3A_507 = arith.cmpi sgt, %shift_right_logical3A_501, %gt3A_506 : vector<16xi32>
      %mul3A_508 = arith.constant 32 : i32
      %mul3A_509 = arith.muli %scan3A_31, %mul3A_508 : i32
      %add3A_510 = arith.constant 24 : i32
      %add3A_511 = arith.addi %mul3A_509, %add3A_510 : i32
      %mul3A_512 = arith.constant 16 : i32
      %mul3A_513 = arith.muli %add3A_511, %mul3A_512 : i32
      %get3A_514 = arith.index_cast %mul3A_513 : i32 to index
      %get3A_515 = tpu.vector_load %arg4[%get3A_514] {strides = array<i32>} : memref<16384xi32, #tpu.memory_space<vmem>>, vector<16xi32>,
      %and3A_516 = arith.constant 65535 : i32
      %and3A_517 = vector.broadcast %and3A_516 : i32 to vector<16xi32>
      %and3A_518 = arith.andi %get3A_515, %and3A_517 : vector<16xi32>
      %shift_right_logical3A_519 = arith.constant 16 : i32
      %shift_right_logical3A_520 = vector.broadcast %shift_right_logical3A_519 : i32 to vector<16xi32>
      %shift_right_logical3A_521 = arith.shrui %get3A_515, %shift_right_logical3A_520 : vector<16xi32>
      %gt3A_522 = arith.constant 0 : i32
      %gt3A_523 = vector.broadcast %gt3A_522 : i32 to vector<16xi32>
      %gt3A_524 = arith.cmpi sgt, %and3A_518, %gt3A_523 : vector<16xi32>
      %gt3A_525 = arith.constant 0 : i32
      %gt3A_526 = vector.broadcast %gt3A_525 : i32 to vector<16xi32>
      %gt3A_527 = arith.cmpi sgt, %shift_right_logical3A_521, %gt3A_526 : vector<16xi32>
      %mul3A_528 = arith.constant 32 : i32
      %mul3A_529 = arith.muli %scan3A_31, %mul3A_528 : i32
      %add3A_530 = arith.constant 25 : i32
      %add3A_531 = arith.addi %mul3A_529, %add3A_530 : i32
      %mul3A_532 = arith.constant 16 : i32
      %mul3A_533 = arith.muli %add3A_531, %mul3A_532 : i32
      %get3A_534 = arith.index_cast %mul3A_533 : i32 to index
      %get3A_535 = tpu.vector_load %arg4[%get3A_534] {strides = array<i32>} : memref<16384xi32, #tpu.memory_space<vmem>>, vector<16xi32>,
      %and3A_536 = arith.constant 65535 : i32
      %and3A_537 = vector.broadcast %and3A_536 : i32 to vector<16xi32>
      %and3A_538 = arith.andi %get3A_535, %and3A_537 : vector<16xi32>
      %shift_right_logical3A_539 = arith.constant 16 : i32
      %shift_right_logical3A_540 = vector.broadcast %shift_right_logical3A_539 : i32 to vector<16xi32>
      %shift_right_logical3A_541 = arith.shrui %get3A_535, %shift_right_logical3A_540 : vector<16xi32>
      %gt3A_542 = arith.constant 0 : i32
      %gt3A_543 = vector.broadcast %gt3A_542 : i32 to vector<16xi32>
      %gt3A_544 = arith.cmpi sgt, %and3A_538, %gt3A_543 : vector<16xi32>
      %gt3A_545 = arith.constant 0 : i32
      %gt3A_546 = vector.broadcast %gt3A_545 : i32 to vector<16xi32>
      %gt3A_547 = arith.cmpi sgt, %shift_right_logical3A_541, %gt3A_546 : vector<16xi32>
      %mul3A_548 = arith.constant 32 : i32
      %mul3A_549 = arith.muli %scan3A_31, %mul3A_548 : i32
      %add3A_550 = arith.constant 26 : i32
      %add3A_551 = arith.addi %mul3A_549, %add3A_550 : i32
      %mul3A_552 = arith.constant 16 : i32
      %mul3A_553 = arith.muli %add3A_551, %mul3A_552 : i32
      %get3A_554 = arith.index_cast %mul3A_553 : i32 to index
      %get3A_555 = tpu.vector_load %arg4[%get3A_554] {strides = array<i32>} : memref<16384xi32, #tpu.memory_space<vmem>>, vector<16xi32>,
      %and3A_556 = arith.constant 65535 : i32
      %and3A_557 = vector.broadcast %and3A_556 : i32 to vector<16xi32>
      %and3A_558 = arith.andi %get3A_555, %and3A_557 : vector<16xi32>
      %shift_right_logical3A_559 = arith.constant 16 : i32
      %shift_right_logical3A_560 = vector.broadcast %shift_right_logical3A_559 : i32 to vector<16xi32>
      %shift_right_logical3A_561 = arith.shrui %get3A_555, %shift_right_logical3A_560 : vector<16xi32>
      %gt3A_562 = arith.constant 0 : i32
      %gt3A_563 = vector.broadcast %gt3A_562 : i32 to vector<16xi32>
      %gt3A_564 = arith.cmpi sgt, %and3A_558, %gt3A_563 : vector<16xi32>
      %gt3A_565 = arith.constant 0 : i32
      %gt3A_566 = vector.broadcast %gt3A_565 : i32 to vector<16xi32>
      %gt3A_567 = arith.cmpi sgt, %shift_right_logical3A_561, %gt3A_566 : vector<16xi32>
      %mul3A_568 = arith.constant 32 : i32
      %mul3A_569 = arith.muli %scan3A_31, %mul3A_568 : i32
      %add3A_570 = arith.constant 27 : i32
      %add3A_571 = arith.addi %mul3A_569, %add3A_570 : i32
      %mul3A_572 = arith.constant 16 : i32
      %mul3A_573 = arith.muli %add3A_571, %mul3A_572 : i32
      %get3A_574 = arith.index_cast %mul3A_573 : i32 to index
      %get3A_575 = tpu.vector_load %arg4[%get3A_574] {strides = array<i32>} : memref<16384xi32, #tpu.memory_space<vmem>>, vector<16xi32>,
      %and3A_576 = arith.constant 65535 : i32
      %and3A_577 = vector.broadcast %and3A_576 : i32 to vector<16xi32>
      %and3A_578 = arith.andi %get3A_575, %and3A_577 : vector<16xi32>
      %shift_right_logical3A_579 = arith.constant 16 : i32
      %shift_right_logical3A_580 = vector.broadcast %shift_right_logical3A_579 : i32 to vector<16xi32>
      %shift_right_logical3A_581 = arith.shrui %get3A_575, %shift_right_logical3A_580 : vector<16xi32>
      %gt3A_582 = arith.constant 0 : i32
      %gt3A_583 = vector.broadcast %gt3A_582 : i32 to vector<16xi32>
      %gt3A_584 = arith.cmpi sgt, %and3A_578, %gt3A_583 : vector<16xi32>
      %gt3A_585 = arith.constant 0 : i32
      %gt3A_586 = vector.broadcast %gt3A_585 : i32 to vector<16xi32>
      %gt3A_587 = arith.cmpi sgt, %shift_right_logical3A_581, %gt3A_586 : vector<16xi32>
      %mul3A_588 = arith.constant 32 : i32
      %mul3A_589 = arith.muli %scan3A_31, %mul3A_588 : i32
      %add3A_590 = arith.constant 28 : i32
      %add3A_591 = arith.addi %mul3A_589, %add3A_590 : i32
      %mul3A_592 = arith.constant 16 : i32
      %mul3A_593 = arith.muli %add3A_591, %mul3A_592 : i32
      %get3A_594 = arith.index_cast %mul3A_593 : i32 to index
      %get3A_595 = tpu.vector_load %arg4[%get3A_594] {strides = array<i32>} : memref<16384xi32, #tpu.memory_space<vmem>>, vector<16xi32>,
      %and3A_596 = arith.constant 65535 : i32
      %and3A_597 = vector.broadcast %and3A_596 : i32 to vector<16xi32>
      %and3A_598 = arith.andi %get3A_595, %and3A_597 : vector<16xi32>
      %shift_right_logical3A_599 = arith.constant 16 : i32
      %shift_right_logical3A_600 = vector.broadcast %shift_right_logical3A_599 : i32 to vector<16xi32>
      %shift_right_logical3A_601 = arith.shrui %get3A_595, %shift_right_logical3A_600 : vector<16xi32>
      %gt3A_602 = arith.constant 0 : i32
      %gt3A_603 = vector.broadcast %gt3A_602 : i32 to vector<16xi32>
      %gt3A_604 = arith.cmpi sgt, %and3A_598, %gt3A_603 : vector<16xi32>
      %gt3A_605 = arith.constant 0 : i32
      %gt3A_606 = vector.broadcast %gt3A_605 : i32 to vector<16xi32>
      %gt3A_607 = arith.cmpi sgt, %shift_right_logical3A_601, %gt3A_606 : vector<16xi32>
      %mul3A_608 = arith.constant 32 : i32
      %mul3A_609 = arith.muli %scan3A_31, %mul3A_608 : i32
      %add3A_610 = arith.constant 29 : i32
      %add3A_611 = arith.addi %mul3A_609, %add3A_610 : i32
      %mul3A_612 = arith.constant 16 : i32
      %mul3A_613 = arith.muli %add3A_611, %mul3A_612 : i32
      %get3A_614 = arith.index_cast %mul3A_613 : i32 to index
      %get3A_615 = tpu.vector_load %arg4[%get3A_614] {strides = array<i32>} : memref<16384xi32, #tpu.memory_space<vmem>>, vector<16xi32>,
      %and3A_616 = arith.constant 65535 : i32
      %and3A_617 = vector.broadcast %and3A_616 : i32 to vector<16xi32>
      %and3A_618 = arith.andi %get3A_615, %and3A_617 : vector<16xi32>
      %shift_right_logical3A_619 = arith.constant 16 : i32
      %shift_right_logical3A_620 = vector.broadcast %shift_right_logical3A_619 : i32 to vector<16xi32>
      %shift_right_logical3A_621 = arith.shrui %get3A_615, %shift_right_logical3A_620 : vector<16xi32>
      %gt3A_622 = arith.constant 0 : i32
      %gt3A_623 = vector.broadcast %gt3A_622 : i32 to vector<16xi32>
      %gt3A_624 = arith.cmpi sgt, %and3A_618, %gt3A_623 : vector<16xi32>
      %gt3A_625 = arith.constant 0 : i32
      %gt3A_626 = vector.broadcast %gt3A_625 : i32 to vector<16xi32>
      %gt3A_627 = arith.cmpi sgt, %shift_right_logical3A_621, %gt3A_626 : vector<16xi32>
      %mul3A_628 = arith.constant 32 : i32
      %mul3A_629 = arith.muli %scan3A_31, %mul3A_628 : i32
      %add3A_630 = arith.constant 30 : i32
      %add3A_631 = arith.addi %mul3A_629, %add3A_630 : i32
      %mul3A_632 = arith.constant 16 : i32
      %mul3A_633 = arith.muli %add3A_631, %mul3A_632 : i32
      %get3A_634 = arith.index_cast %mul3A_633 : i32 to index
      %get3A_635 = tpu.vector_load %arg4[%get3A_634] {strides = array<i32>} : memref<16384xi32, #tpu.memory_space<vmem>>, vector<16xi32>,
      %and3A_636 = arith.constant 65535 : i32
      %and3A_637 = vector.broadcast %and3A_636 : i32 to vector<16xi32>
      %and3A_638 = arith.andi %get3A_635, %and3A_637 : vector<16xi32>
      %shift_right_logical3A_639 = arith.constant 16 : i32
      %shift_right_logical3A_640 = vector.broadcast %shift_right_logical3A_639 : i32 to vector<16xi32>
      %shift_right_logical3A_641 = arith.shrui %get3A_635, %shift_right_logical3A_640 : vector<16xi32>
      %gt3A_642 = arith.constant 0 : i32
      %gt3A_643 = vector.broadcast %gt3A_642 : i32 to vector<16xi32>
      %gt3A_644 = arith.cmpi sgt, %and3A_638, %gt3A_643 : vector<16xi32>
      %gt3A_645 = arith.constant 0 : i32
      %gt3A_646 = vector.broadcast %gt3A_645 : i32 to vector<16xi32>
      %gt3A_647 = arith.cmpi sgt, %shift_right_logical3A_641, %gt3A_646 : vector<16xi32>
      %mul3A_648 = arith.constant 32 : i32
      %mul3A_649 = arith.muli %scan3A_31, %mul3A_648 : i32
      %add3A_650 = arith.constant 31 : i32
      %add3A_651 = arith.addi %mul3A_649, %add3A_650 : i32
      %mul3A_652 = arith.constant 16 : i32
      %mul3A_653 = arith.muli %add3A_651, %mul3A_652 : i32
      %get3A_654 = arith.index_cast %mul3A_653 : i32 to index
      %get3A_655 = tpu.vector_load %arg4[%get3A_654] {strides = array<i32>} : memref<16384xi32, #tpu.memory_space<vmem>>, vector<16xi32>,
      %and3A_656 = arith.constant 65535 : i32
      %and3A_657 = vector.broadcast %and3A_656 : i32 to vector<16xi32>
      %and3A_658 = arith.andi %get3A_655, %and3A_657 : vector<16xi32>
      %shift_right_logical3A_659 = arith.constant 16 : i32
      %shift_right_logical3A_660 = vector.broadcast %shift_right_logical3A_659 : i32 to vector<16xi32>
      %shift_right_logical3A_661 = arith.shrui %get3A_655, %shift_right_logical3A_660 : vector<16xi32>
      %gt3A_662 = arith.constant 0 : i32
      %gt3A_663 = vector.broadcast %gt3A_662 : i32 to vector<16xi32>
      %gt3A_664 = arith.cmpi sgt, %and3A_658, %gt3A_663 : vector<16xi32>
      %gt3A_665 = arith.constant 0 : i32
      %gt3A_666 = vector.broadcast %gt3A_665 : i32 to vector<16xi32>
      %gt3A_667 = arith.cmpi sgt, %shift_right_logical3A_661, %gt3A_666 : vector<16xi32>
      tpu.vector_store_idx %arg6[%and3A_40], %broadcast_in_dim3A_15 masked %gt3A_44 {add = true} : memref<6144xf32, #tpu.memory_space<vmem>>[vector<16xi32>], vector<16xf32>, vector<16xi1>
      tpu.vector_store_idx %arg6[%shift_right_logical3A_42], %broadcast_in_dim3A_15 masked %gt3A_47 {add = true} : memref<6144xf32, #tpu.memory_space<vmem>>[vector<16xi32>], vector<16xf32>, vector<16xi1>
      tpu.vector_store_idx %arg6[%and3A_58], %broadcast_in_dim3A_15 masked %gt3A_64 {add = true} : memref<6144xf32, #tpu.memory_space<vmem>>[vector<16xi32>], vector<16xf32>, vector<16xi1>
      tpu.vector_store_idx %arg6[%shift_right_logical3A_61], %broadcast_in_dim3A_15 masked %gt3A_67 {add = true} : memref<6144xf32, #tpu.memory_space<vmem>>[vector<16xi32>], vector<16xf32>, vector<16xi1>
      tpu.vector_store_idx %arg6[%and3A_78], %broadcast_in_dim3A_15 masked %gt3A_84 {add = true} : memref<6144xf32, #tpu.memory_space<vmem>>[vector<16xi32>], vector<16xf32>, vector<16xi1>
      tpu.vector_store_idx %arg6[%shift_right_logical3A_81], %broadcast_in_dim3A_15 masked %gt3A_87 {add = true} : memref<6144xf32, #tpu.memory_space<vmem>>[vector<16xi32>], vector<16xf32>, vector<16xi1>
      tpu.vector_store_idx %arg6[%and3A_98], %broadcast_in_dim3A_15 masked %gt3A_104 {add = true} : memref<6144xf32, #tpu.memory_space<vmem>>[vector<16xi32>], vector<16xf32>, vector<16xi1>
      tpu.vector_store_idx %arg6[%shift_right_logical3A_101], %broadcast_in_dim3A_15 masked %gt3A_107 {add = true} : memref<6144xf32, #tpu.memory_space<vmem>>[vector<16xi32>], vector<16xf32>, vector<16xi1>
      tpu.vector_store_idx %arg6[%and3A_118], %broadcast_in_dim3A_15 masked %gt3A_124 {add = true} : memref<6144xf32, #tpu.memory_space<vmem>>[vector<16xi32>], vector<16xf32>, vector<16xi1>
      tpu.vector_store_idx %arg6[%shift_right_logical3A_121], %broadcast_in_dim3A_15 masked %gt3A_127 {add = true} : memref<6144xf32, #tpu.memory_space<vmem>>[vector<16xi32>], vector<16xf32>, vector<16xi1>
      tpu.vector_store_idx %arg6[%and3A_138], %broadcast_in_dim3A_15 masked %gt3A_144 {add = true} : memref<6144xf32, #tpu.memory_space<vmem>>[vector<16xi32>], vector<16xf32>, vector<16xi1>
      tpu.vector_store_idx %arg6[%shift_right_logical3A_141], %broadcast_in_dim3A_15 masked %gt3A_147 {add = true} : memref<6144xf32, #tpu.memory_space<vmem>>[vector<16xi32>], vector<16xf32>, vector<16xi1>
      tpu.vector_store_idx %arg6[%and3A_158], %broadcast_in_dim3A_15 masked %gt3A_164 {add = true} : memref<6144xf32, #tpu.memory_space<vmem>>[vector<16xi32>], vector<16xf32>, vector<16xi1>
      tpu.vector_store_idx %arg6[%shift_right_logical3A_161], %broadcast_in_dim3A_15 masked %gt3A_167 {add = true} : memref<6144xf32, #tpu.memory_space<vmem>>[vector<16xi32>], vector<16xf32>, vector<16xi1>
      tpu.vector_store_idx %arg6[%and3A_178], %broadcast_in_dim3A_15 masked %gt3A_184 {add = true} : memref<6144xf32, #tpu.memory_space<vmem>>[vector<16xi32>], vector<16xf32>, vector<16xi1>
      tpu.vector_store_idx %arg6[%shift_right_logical3A_181], %broadcast_in_dim3A_15 masked %gt3A_187 {add = true} : memref<6144xf32, #tpu.memory_space<vmem>>[vector<16xi32>], vector<16xf32>, vector<16xi1>
      tpu.vector_store_idx %arg6[%and3A_198], %broadcast_in_dim3A_15 masked %gt3A_204 {add = true} : memref<6144xf32, #tpu.memory_space<vmem>>[vector<16xi32>], vector<16xf32>, vector<16xi1>
      tpu.vector_store_idx %arg6[%shift_right_logical3A_201], %broadcast_in_dim3A_15 masked %gt3A_207 {add = true} : memref<6144xf32, #tpu.memory_space<vmem>>[vector<16xi32>], vector<16xf32>, vector<16xi1>
      tpu.vector_store_idx %arg6[%and3A_218], %broadcast_in_dim3A_15 masked %gt3A_224 {add = true} : memref<6144xf32, #tpu.memory_space<vmem>>[vector<16xi32>], vector<16xf32>, vector<16xi1>
      tpu.vector_store_idx %arg6[%shift_right_logical3A_221], %broadcast_in_dim3A_15 masked %gt3A_227 {add = true} : memref<6144xf32, #tpu.memory_space<vmem>>[vector<16xi32>], vector<16xf32>, vector<16xi1>
      tpu.vector_store_idx %arg6[%and3A_238], %broadcast_in_dim3A_15 masked %gt3A_244 {add = true} : memref<6144xf32, #tpu.memory_space<vmem>>[vector<16xi32>], vector<16xf32>, vector<16xi1>
      tpu.vector_store_idx %arg6[%shift_right_logical3A_241], %broadcast_in_dim3A_15 masked %gt3A_247 {add = true} : memref<6144xf32, #tpu.memory_space<vmem>>[vector<16xi32>], vector<16xf32>, vector<16xi1>
      tpu.vector_store_idx %arg6[%and3A_258], %broadcast_in_dim3A_15 masked %gt3A_264 {add = true} : memref<6144xf32, #tpu.memory_space<vmem>>[vector<16xi32>], vector<16xf32>, vector<16xi1>
      tpu.vector_store_idx %arg6[%shift_right_logical3A_261], %broadcast_in_dim3A_15 masked %gt3A_267 {add = true} : memref<6144xf32, #tpu.memory_space<vmem>>[vector<16xi32>], vector<16xf32>, vector<16xi1>
      tpu.vector_store_idx %arg6[%and3A_278], %broadcast_in_dim3A_15 masked %gt3A_284 {add = true} : memref<6144xf32, #tpu.memory_space<vmem>>[vector<16xi32>], vector<16xf32>, vector<16xi1>
      tpu.vector_store_idx %arg6[%shift_right_logical3A_281], %broadcast_in_dim3A_15 masked %gt3A_287 {add = true} : memref<6144xf32, #tpu.memory_space<vmem>>[vector<16xi32>], vector<16xf32>, vector<16xi1>
      tpu.vector_store_idx %arg6[%and3A_298], %broadcast_in_dim3A_15 masked %gt3A_304 {add = true} : memref<6144xf32, #tpu.memory_space<vmem>>[vector<16xi32>], vector<16xf32>, vector<16xi1>
      tpu.vector_store_idx %arg6[%shift_right_logical3A_301], %broadcast_in_dim3A_15 masked %gt3A_307 {add = true} : memref<6144xf32, #tpu.memory_space<vmem>>[vector<16xi32>], vector<16xf32>, vector<16xi1>
      tpu.vector_store_idx %arg6[%and3A_318], %broadcast_in_dim3A_15 masked %gt3A_324 {add = true} : memref<6144xf32, #tpu.memory_space<vmem>>[vector<16xi32>], vector<16xf32>, vector<16xi1>
      tpu.vector_store_idx %arg6[%shift_right_logical3A_321], %broadcast_in_dim3A_15 masked %gt3A_327 {add = true} : memref<6144xf32, #tpu.memory_space<vmem>>[vector<16xi32>], vector<16xf32>, vector<16xi1>
      tpu.vector_store_idx %arg6[%and3A_338], %broadcast_in_dim3A_15 masked %gt3A_344 {add = true} : memref<6144xf32, #tpu.memory_space<vmem>>[vector<16xi32>], vector<16xf32>, vector<16xi1>
      tpu.vector_store_idx %arg6[%shift_right_logical3A_341], %broadcast_in_dim3A_15 masked %gt3A_347 {add = true} : memref<6144xf32, #tpu.memory_space<vmem>>[vector<16xi32>], vector<16xf32>, vector<16xi1>
      tpu.vector_store_idx %arg6[%and3A_358], %broadcast_in_dim3A_15 masked %gt3A_364 {add = true} : memref<6144xf32, #tpu.memory_space<vmem>>[vector<16xi32>], vector<16xf32>, vector<16xi1>
      tpu.vector_store_idx %arg6[%shift_right_logical3A_361], %broadcast_in_dim3A_15 masked %gt3A_367 {add = true} : memref<6144xf32, #tpu.memory_space<vmem>>[vector<16xi32>], vector<16xf32>, vector<16xi1>
      tpu.vector_store_idx %arg6[%and3A_378], %broadcast_in_dim3A_15 masked %gt3A_384 {add = true} : memref<6144xf32, #tpu.memory_space<vmem>>[vector<16xi32>], vector<16xf32>, vector<16xi1>
      tpu.vector_store_idx %arg6[%shift_right_logical3A_381], %broadcast_in_dim3A_15 masked %gt3A_387 {add = true} : memref<6144xf32, #tpu.memory_space<vmem>>[vector<16xi32>], vector<16xf32>, vector<16xi1>
      tpu.vector_store_idx %arg6[%and3A_398], %broadcast_in_dim3A_15 masked %gt3A_404 {add = true} : memref<6144xf32, #tpu.memory_space<vmem>>[vector<16xi32>], vector<16xf32>, vector<16xi1>
      tpu.vector_store_idx %arg6[%shift_right_logical3A_401], %broadcast_in_dim3A_15 masked %gt3A_407 {add = true} : memref<6144xf32, #tpu.memory_space<vmem>>[vector<16xi32>], vector<16xf32>, vector<16xi1>
      tpu.vector_store_idx %arg6[%and3A_418], %broadcast_in_dim3A_15 masked %gt3A_424 {add = true} : memref<6144xf32, #tpu.memory_space<vmem>>[vector<16xi32>], vector<16xf32>, vector<16xi1>
      tpu.vector_store_idx %arg6[%shift_right_logical3A_421], %broadcast_in_dim3A_15 masked %gt3A_427 {add = true} : memref<6144xf32, #tpu.memory_space<vmem>>[vector<16xi32>], vector<16xf32>, vector<16xi1>
      tpu.vector_store_idx %arg6[%and3A_438], %broadcast_in_dim3A_15 masked %gt3A_444 {add = true} : memref<6144xf32, #tpu.memory_space<vmem>>[vector<16xi32>], vector<16xf32>, vector<16xi1>
      tpu.vector_store_idx %arg6[%shift_right_logical3A_441], %broadcast_in_dim3A_15 masked %gt3A_447 {add = true} : memref<6144xf32, #tpu.memory_space<vmem>>[vector<16xi32>], vector<16xf32>, vector<16xi1>
      tpu.vector_store_idx %arg6[%and3A_458], %broadcast_in_dim3A_15 masked %gt3A_464 {add = true} : memref<6144xf32, #tpu.memory_space<vmem>>[vector<16xi32>], vector<16xf32>, vector<16xi1>
      tpu.vector_store_idx %arg6[%shift_right_logical3A_461], %broadcast_in_dim3A_15 masked %gt3A_467 {add = true} : memref<6144xf32, #tpu.memory_space<vmem>>[vector<16xi32>], vector<16xf32>, vector<16xi1>
      tpu.vector_store_idx %arg6[%and3A_478], %broadcast_in_dim3A_15 masked %gt3A_484 {add = true} : memref<6144xf32, #tpu.memory_space<vmem>>[vector<16xi32>], vector<16xf32>, vector<16xi1>
      tpu.vector_store_idx %arg6[%shift_right_logical3A_481], %broadcast_in_dim3A_15 masked %gt3A_487 {add = true} : memref<6144xf32, #tpu.memory_space<vmem>>[vector<16xi32>], vector<16xf32>, vector<16xi1>
      tpu.vector_store_idx %arg6[%and3A_498], %broadcast_in_dim3A_15 masked %gt3A_504 {add = true} : memref<6144xf32, #tpu.memory_space<vmem>>[vector<16xi32>], vector<16xf32>, vector<16xi1>
      tpu.vector_store_idx %arg6[%shift_right_logical3A_501], %broadcast_in_dim3A_15 masked %gt3A_507 {add = true} : memref<6144xf32, #tpu.memory_space<vmem>>[vector<16xi32>], vector<16xf32>, vector<16xi1>
      tpu.vector_store_idx %arg6[%and3A_518], %broadcast_in_dim3A_15 masked %gt3A_524 {add = true} : memref<6144xf32, #tpu.memory_space<vmem>>[vector<16xi32>], vector<16xf32>, vector<16xi1>
      tpu.vector_store_idx %arg6[%shift_right_logical3A_521], %broadcast_in_dim3A_15 masked %gt3A_527 {add = true} : memref<6144xf32, #tpu.memory_space<vmem>>[vector<16xi32>], vector<16xf32>, vector<16xi1>
      tpu.vector_store_idx %arg6[%and3A_538], %broadcast_in_dim3A_15 masked %gt3A_544 {add = true} : memref<6144xf32, #tpu.memory_space<vmem>>[vector<16xi32>], vector<16xf32>, vector<16xi1>
      tpu.vector_store_idx %arg6[%shift_right_logical3A_541], %broadcast_in_dim3A_15 masked %gt3A_547 {add = true} : memref<6144xf32, #tpu.memory_space<vmem>>[vector<16xi32>], vector<16xf32>, vector<16xi1>
      tpu.vector_store_idx %arg6[%and3A_558], %broadcast_in_dim3A_15 masked %gt3A_564 {add = true} : memref<6144xf32, #tpu.memory_space<vmem>>[vector<16xi32>], vector<16xf32>, vector<16xi1>
      tpu.vector_store_idx %arg6[%shift_right_logical3A_561], %broadcast_in_dim3A_15 masked %gt3A_567 {add = true} : memref<6144xf32, #tpu.memory_space<vmem>>[vector<16xi32>], vector<16xf32>, vector<16xi1>
      tpu.vector_store_idx %arg6[%and3A_578], %broadcast_in_dim3A_15 masked %gt3A_584 {add = true} : memref<6144xf32, #tpu.memory_space<vmem>>[vector<16xi32>], vector<16xf32>, vector<16xi1>
      tpu.vector_store_idx %arg6[%shift_right_logical3A_581], %broadcast_in_dim3A_15 masked %gt3A_587 {add = true} : memref<6144xf32, #tpu.memory_space<vmem>>[vector<16xi32>], vector<16xf32>, vector<16xi1>
      tpu.vector_store_idx %arg6[%and3A_598], %broadcast_in_dim3A_15 masked %gt3A_604 {add = true} : memref<6144xf32, #tpu.memory_space<vmem>>[vector<16xi32>], vector<16xf32>, vector<16xi1>
      tpu.vector_store_idx %arg6[%shift_right_logical3A_601], %broadcast_in_dim3A_15 masked %gt3A_607 {add = true} : memref<6144xf32, #tpu.memory_space<vmem>>[vector<16xi32>], vector<16xf32>, vector<16xi1>
      tpu.vector_store_idx %arg6[%and3A_618], %broadcast_in_dim3A_15 masked %gt3A_624 {add = true} : memref<6144xf32, #tpu.memory_space<vmem>>[vector<16xi32>], vector<16xf32>, vector<16xi1>
      tpu.vector_store_idx %arg6[%shift_right_logical3A_621], %broadcast_in_dim3A_15 masked %gt3A_627 {add = true} : memref<6144xf32, #tpu.memory_space<vmem>>[vector<16xi32>], vector<16xf32>, vector<16xi1>
      tpu.vector_store_idx %arg6[%and3A_638], %broadcast_in_dim3A_15 masked %gt3A_644 {add = true} : memref<6144xf32, #tpu.memory_space<vmem>>[vector<16xi32>], vector<16xf32>, vector<16xi1>
      tpu.vector_store_idx %arg6[%shift_right_logical3A_641], %broadcast_in_dim3A_15 masked %gt3A_647 {add = true} : memref<6144xf32, #tpu.memory_space<vmem>>[vector<16xi32>], vector<16xf32>, vector<16xi1>
      tpu.vector_store_idx %arg6[%and3A_658], %broadcast_in_dim3A_15 masked %gt3A_664 {add = true} : memref<6144xf32, #tpu.memory_space<vmem>>[vector<16xi32>], vector<16xf32>, vector<16xi1>
      tpu.vector_store_idx %arg6[%shift_right_logical3A_661], %broadcast_in_dim3A_15 masked %gt3A_667 {add = true} : memref<6144xf32, #tpu.memory_space<vmem>>[vector<16xi32>], vector<16xf32>, vector<16xi1>
    }
    %scan3A_22 = arith.constant 32 : i32
    %dma_wait3A_23 = tpu.memref_slice %arg2[%add3A_5] : memref<1048576xi32, #tpu.memory_space<hbm>> -> memref<16384xi32, #tpu.memory_space<hbm>>
    %dma_wait3A_24 = tpu.memref_slice %arg2[%add3A_5] : memref<1048576xi32, #tpu.memory_space<hbm>> -> memref<16384xi32, #tpu.memory_space<hbm>>
    tpu.wait_dma2 semaphore(%arg8 : memref<!tpu.dma_semaphore, #tpu.memory_space<semaphore_mem>>) src(%dma_wait3A_24 : memref<16384xi32, #tpu.memory_space<hbm>>) dst(%arg5 : memref<16384xi32, #tpu.memory_space<vmem>>)
    %scan3A_25 = arith.constant 0 : i32
    %scan3A_26 = arith.constant 0 : i32
    %scan3A_27 = arith.constant 32 : i32
    %scan3A_28 = arith.addi %scan3A_26, %scan3A_27 : i32
    %scan3A_29 = arith.constant 1 : i32
    scf.for %scan3A_31 = %scan3A_26 to %scan3A_28 step %scan3A_29  : i32 {
      %mul3A_32 = arith.constant 32 : i32
      %mul3A_33 = arith.muli %scan3A_31, %mul3A_32 : i32
      %add3A_34 = arith.constant 0 : i32
      %add3A_35 = arith.addi %mul3A_33, %add3A_34 : i32
      %mul3A_36 = arith.constant 16 : i32
      %mul3A_37 = arith.muli %add3A_35, %mul3A_36 : i32
      %get3A = arith.index_cast %mul3A_37 : i32 to index
      %get3A_38 = tpu.vector_load %arg5[%get3A] {strides = array<i32>} : memref<16384xi32, #tpu.memory_space<vmem>>, vector<16xi32>,
      %and3A = arith.constant 65535 : i32
      %and3A_39 = vector.broadcast %and3A : i32 to vector<16xi32>
      %and3A_40 = arith.andi %get3A_38, %and3A_39 : vector<16xi32>
      %shift_right_logical3A = arith.constant 16 : i32
      %shift_right_logical3A_41 = vector.broadcast %shift_right_logical3A : i32 to vector<16xi32>
      %shift_right_logical3A_42 = arith.shrui %get3A_38, %shift_right_logical3A_41 : vector<16xi32>
      %gt3A = arith.constant 0 : i32
      %gt3A_43 = vector.broadcast %gt3A : i32 to vector<16xi32>
      %gt3A_44 = arith.cmpi sgt, %and3A_40, %gt3A_43 : vector<16xi32>
      %gt3A_45 = arith.constant 0 : i32
      %gt3A_46 = vector.broadcast %gt3A_45 : i32 to vector<16xi32>
      %gt3A_47 = arith.cmpi sgt, %shift_right_logical3A_42, %gt3A_46 : vector<16xi32>
      %mul3A_48 = arith.constant 32 : i32
      %mul3A_49 = arith.muli %scan3A_31, %mul3A_48 : i32
      %add3A_50 = arith.constant 1 : i32
      %add3A_51 = arith.addi %mul3A_49, %add3A_50 : i32
      %mul3A_52 = arith.constant 16 : i32
      %mul3A_53 = arith.muli %add3A_51, %mul3A_52 : i32
      %get3A_54 = arith.index_cast %mul3A_53 : i32 to index
      %get3A_55 = tpu.vector_load %arg5[%get3A_54] {strides = array<i32>} : memref<16384xi32, #tpu.memory_space<vmem>>, vector<16xi32>,
      %and3A_56 = arith.constant 65535 : i32
      %and3A_57 = vector.broadcast %and3A_56 : i32 to vector<16xi32>
      %and3A_58 = arith.andi %get3A_55, %and3A_57 : vector<16xi32>
      %shift_right_logical3A_59 = arith.constant 16 : i32
      %shift_right_logical3A_60 = vector.broadcast %shift_right_logical3A_59 : i32 to vector<16xi32>
      %shift_right_logical3A_61 = arith.shrui %get3A_55, %shift_right_logical3A_60 : vector<16xi32>
      %gt3A_62 = arith.constant 0 : i32
      %gt3A_63 = vector.broadcast %gt3A_62 : i32 to vector<16xi32>
      %gt3A_64 = arith.cmpi sgt, %and3A_58, %gt3A_63 : vector<16xi32>
      %gt3A_65 = arith.constant 0 : i32
      %gt3A_66 = vector.broadcast %gt3A_65 : i32 to vector<16xi32>
      %gt3A_67 = arith.cmpi sgt, %shift_right_logical3A_61, %gt3A_66 : vector<16xi32>
      %mul3A_68 = arith.constant 32 : i32
      %mul3A_69 = arith.muli %scan3A_31, %mul3A_68 : i32
      %add3A_70 = arith.constant 2 : i32
      %add3A_71 = arith.addi %mul3A_69, %add3A_70 : i32
      %mul3A_72 = arith.constant 16 : i32
      %mul3A_73 = arith.muli %add3A_71, %mul3A_72 : i32
      %get3A_74 = arith.index_cast %mul3A_73 : i32 to index
      %get3A_75 = tpu.vector_load %arg5[%get3A_74] {strides = array<i32>} : memref<16384xi32, #tpu.memory_space<vmem>>, vector<16xi32>,
      %and3A_76 = arith.constant 65535 : i32
      %and3A_77 = vector.broadcast %and3A_76 : i32 to vector<16xi32>
      %and3A_78 = arith.andi %get3A_75, %and3A_77 : vector<16xi32>
      %shift_right_logical3A_79 = arith.constant 16 : i32
      %shift_right_logical3A_80 = vector.broadcast %shift_right_logical3A_79 : i32 to vector<16xi32>
      %shift_right_logical3A_81 = arith.shrui %get3A_75, %shift_right_logical3A_80 : vector<16xi32>
      %gt3A_82 = arith.constant 0 : i32
      %gt3A_83 = vector.broadcast %gt3A_82 : i32 to vector<16xi32>
      %gt3A_84 = arith.cmpi sgt, %and3A_78, %gt3A_83 : vector<16xi32>
      %gt3A_85 = arith.constant 0 : i32
      %gt3A_86 = vector.broadcast %gt3A_85 : i32 to vector<16xi32>
      %gt3A_87 = arith.cmpi sgt, %shift_right_logical3A_81, %gt3A_86 : vector<16xi32>
      %mul3A_88 = arith.constant 32 : i32
      %mul3A_89 = arith.muli %scan3A_31, %mul3A_88 : i32
      %add3A_90 = arith.constant 3 : i32
      %add3A_91 = arith.addi %mul3A_89, %add3A_90 : i32
      %mul3A_92 = arith.constant 16 : i32
      %mul3A_93 = arith.muli %add3A_91, %mul3A_92 : i32
      %get3A_94 = arith.index_cast %mul3A_93 : i32 to index
      %get3A_95 = tpu.vector_load %arg5[%get3A_94] {strides = array<i32>} : memref<16384xi32, #tpu.memory_space<vmem>>, vector<16xi32>,
      %and3A_96 = arith.constant 65535 : i32
      %and3A_97 = vector.broadcast %and3A_96 : i32 to vector<16xi32>
      %and3A_98 = arith.andi %get3A_95, %and3A_97 : vector<16xi32>
      %shift_right_logical3A_99 = arith.constant 16 : i32
      %shift_right_logical3A_100 = vector.broadcast %shift_right_logical3A_99 : i32 to vector<16xi32>
      %shift_right_logical3A_101 = arith.shrui %get3A_95, %shift_right_logical3A_100 : vector<16xi32>
      %gt3A_102 = arith.constant 0 : i32
      %gt3A_103 = vector.broadcast %gt3A_102 : i32 to vector<16xi32>
      %gt3A_104 = arith.cmpi sgt, %and3A_98, %gt3A_103 : vector<16xi32>
      %gt3A_105 = arith.constant 0 : i32
      %gt3A_106 = vector.broadcast %gt3A_105 : i32 to vector<16xi32>
      %gt3A_107 = arith.cmpi sgt, %shift_right_logical3A_101, %gt3A_106 : vector<16xi32>
      %mul3A_108 = arith.constant 32 : i32
      %mul3A_109 = arith.muli %scan3A_31, %mul3A_108 : i32
      %add3A_110 = arith.constant 4 : i32
      %add3A_111 = arith.addi %mul3A_109, %add3A_110 : i32
      %mul3A_112 = arith.constant 16 : i32
      %mul3A_113 = arith.muli %add3A_111, %mul3A_112 : i32
      %get3A_114 = arith.index_cast %mul3A_113 : i32 to index
      %get3A_115 = tpu.vector_load %arg5[%get3A_114] {strides = array<i32>} : memref<16384xi32, #tpu.memory_space<vmem>>, vector<16xi32>,
      %and3A_116 = arith.constant 65535 : i32
      %and3A_117 = vector.broadcast %and3A_116 : i32 to vector<16xi32>
      %and3A_118 = arith.andi %get3A_115, %and3A_117 : vector<16xi32>
      %shift_right_logical3A_119 = arith.constant 16 : i32
      %shift_right_logical3A_120 = vector.broadcast %shift_right_logical3A_119 : i32 to vector<16xi32>
      %shift_right_logical3A_121 = arith.shrui %get3A_115, %shift_right_logical3A_120 : vector<16xi32>
      %gt3A_122 = arith.constant 0 : i32
      %gt3A_123 = vector.broadcast %gt3A_122 : i32 to vector<16xi32>
      %gt3A_124 = arith.cmpi sgt, %and3A_118, %gt3A_123 : vector<16xi32>
      %gt3A_125 = arith.constant 0 : i32
      %gt3A_126 = vector.broadcast %gt3A_125 : i32 to vector<16xi32>
      %gt3A_127 = arith.cmpi sgt, %shift_right_logical3A_121, %gt3A_126 : vector<16xi32>
      %mul3A_128 = arith.constant 32 : i32
      %mul3A_129 = arith.muli %scan3A_31, %mul3A_128 : i32
      %add3A_130 = arith.constant 5 : i32
      %add3A_131 = arith.addi %mul3A_129, %add3A_130 : i32
      %mul3A_132 = arith.constant 16 : i32
      %mul3A_133 = arith.muli %add3A_131, %mul3A_132 : i32
      %get3A_134 = arith.index_cast %mul3A_133 : i32 to index
      %get3A_135 = tpu.vector_load %arg5[%get3A_134] {strides = array<i32>} : memref<16384xi32, #tpu.memory_space<vmem>>, vector<16xi32>,
      %and3A_136 = arith.constant 65535 : i32
      %and3A_137 = vector.broadcast %and3A_136 : i32 to vector<16xi32>
      %and3A_138 = arith.andi %get3A_135, %and3A_137 : vector<16xi32>
      %shift_right_logical3A_139 = arith.constant 16 : i32
      %shift_right_logical3A_140 = vector.broadcast %shift_right_logical3A_139 : i32 to vector<16xi32>
      %shift_right_logical3A_141 = arith.shrui %get3A_135, %shift_right_logical3A_140 : vector<16xi32>
      %gt3A_142 = arith.constant 0 : i32
      %gt3A_143 = vector.broadcast %gt3A_142 : i32 to vector<16xi32>
      %gt3A_144 = arith.cmpi sgt, %and3A_138, %gt3A_143 : vector<16xi32>
      %gt3A_145 = arith.constant 0 : i32
      %gt3A_146 = vector.broadcast %gt3A_145 : i32 to vector<16xi32>
      %gt3A_147 = arith.cmpi sgt, %shift_right_logical3A_141, %gt3A_146 : vector<16xi32>
      %mul3A_148 = arith.constant 32 : i32
      %mul3A_149 = arith.muli %scan3A_31, %mul3A_148 : i32
      %add3A_150 = arith.constant 6 : i32
      %add3A_151 = arith.addi %mul3A_149, %add3A_150 : i32
      %mul3A_152 = arith.constant 16 : i32
      %mul3A_153 = arith.muli %add3A_151, %mul3A_152 : i32
      %get3A_154 = arith.index_cast %mul3A_153 : i32 to index
      %get3A_155 = tpu.vector_load %arg5[%get3A_154] {strides = array<i32>} : memref<16384xi32, #tpu.memory_space<vmem>>, vector<16xi32>,
      %and3A_156 = arith.constant 65535 : i32
      %and3A_157 = vector.broadcast %and3A_156 : i32 to vector<16xi32>
      %and3A_158 = arith.andi %get3A_155, %and3A_157 : vector<16xi32>
      %shift_right_logical3A_159 = arith.constant 16 : i32
      %shift_right_logical3A_160 = vector.broadcast %shift_right_logical3A_159 : i32 to vector<16xi32>
      %shift_right_logical3A_161 = arith.shrui %get3A_155, %shift_right_logical3A_160 : vector<16xi32>
      %gt3A_162 = arith.constant 0 : i32
      %gt3A_163 = vector.broadcast %gt3A_162 : i32 to vector<16xi32>
      %gt3A_164 = arith.cmpi sgt, %and3A_158, %gt3A_163 : vector<16xi32>
      %gt3A_165 = arith.constant 0 : i32
      %gt3A_166 = vector.broadcast %gt3A_165 : i32 to vector<16xi32>
      %gt3A_167 = arith.cmpi sgt, %shift_right_logical3A_161, %gt3A_166 : vector<16xi32>
      %mul3A_168 = arith.constant 32 : i32
      %mul3A_169 = arith.muli %scan3A_31, %mul3A_168 : i32
      %add3A_170 = arith.constant 7 : i32
      %add3A_171 = arith.addi %mul3A_169, %add3A_170 : i32
      %mul3A_172 = arith.constant 16 : i32
      %mul3A_173 = arith.muli %add3A_171, %mul3A_172 : i32
      %get3A_174 = arith.index_cast %mul3A_173 : i32 to index
      %get3A_175 = tpu.vector_load %arg5[%get3A_174] {strides = array<i32>} : memref<16384xi32, #tpu.memory_space<vmem>>, vector<16xi32>,
      %and3A_176 = arith.constant 65535 : i32
      %and3A_177 = vector.broadcast %and3A_176 : i32 to vector<16xi32>
      %and3A_178 = arith.andi %get3A_175, %and3A_177 : vector<16xi32>
      %shift_right_logical3A_179 = arith.constant 16 : i32
      %shift_right_logical3A_180 = vector.broadcast %shift_right_logical3A_179 : i32 to vector<16xi32>
      %shift_right_logical3A_181 = arith.shrui %get3A_175, %shift_right_logical3A_180 : vector<16xi32>
      %gt3A_182 = arith.constant 0 : i32
      %gt3A_183 = vector.broadcast %gt3A_182 : i32 to vector<16xi32>
      %gt3A_184 = arith.cmpi sgt, %and3A_178, %gt3A_183 : vector<16xi32>
      %gt3A_185 = arith.constant 0 : i32
      %gt3A_186 = vector.broadcast %gt3A_185 : i32 to vector<16xi32>
      %gt3A_187 = arith.cmpi sgt, %shift_right_logical3A_181, %gt3A_186 : vector<16xi32>
      %mul3A_188 = arith.constant 32 : i32
      %mul3A_189 = arith.muli %scan3A_31, %mul3A_188 : i32
      %add3A_190 = arith.constant 8 : i32
      %add3A_191 = arith.addi %mul3A_189, %add3A_190 : i32
      %mul3A_192 = arith.constant 16 : i32
      %mul3A_193 = arith.muli %add3A_191, %mul3A_192 : i32
      %get3A_194 = arith.index_cast %mul3A_193 : i32 to index
      %get3A_195 = tpu.vector_load %arg5[%get3A_194] {strides = array<i32>} : memref<16384xi32, #tpu.memory_space<vmem>>, vector<16xi32>,
      %and3A_196 = arith.constant 65535 : i32
      %and3A_197 = vector.broadcast %and3A_196 : i32 to vector<16xi32>
      %and3A_198 = arith.andi %get3A_195, %and3A_197 : vector<16xi32>
      %shift_right_logical3A_199 = arith.constant 16 : i32
      %shift_right_logical3A_200 = vector.broadcast %shift_right_logical3A_199 : i32 to vector<16xi32>
      %shift_right_logical3A_201 = arith.shrui %get3A_195, %shift_right_logical3A_200 : vector<16xi32>
      %gt3A_202 = arith.constant 0 : i32
      %gt3A_203 = vector.broadcast %gt3A_202 : i32 to vector<16xi32>
      %gt3A_204 = arith.cmpi sgt, %and3A_198, %gt3A_203 : vector<16xi32>
      %gt3A_205 = arith.constant 0 : i32
      %gt3A_206 = vector.broadcast %gt3A_205 : i32 to vector<16xi32>
      %gt3A_207 = arith.cmpi sgt, %shift_right_logical3A_201, %gt3A_206 : vector<16xi32>
      %mul3A_208 = arith.constant 32 : i32
      %mul3A_209 = arith.muli %scan3A_31, %mul3A_208 : i32
      %add3A_210 = arith.constant 9 : i32
      %add3A_211 = arith.addi %mul3A_209, %add3A_210 : i32
      %mul3A_212 = arith.constant 16 : i32
      %mul3A_213 = arith.muli %add3A_211, %mul3A_212 : i32
      %get3A_214 = arith.index_cast %mul3A_213 : i32 to index
      %get3A_215 = tpu.vector_load %arg5[%get3A_214] {strides = array<i32>} : memref<16384xi32, #tpu.memory_space<vmem>>, vector<16xi32>,
      %and3A_216 = arith.constant 65535 : i32
      %and3A_217 = vector.broadcast %and3A_216 : i32 to vector<16xi32>
      %and3A_218 = arith.andi %get3A_215, %and3A_217 : vector<16xi32>
      %shift_right_logical3A_219 = arith.constant 16 : i32
      %shift_right_logical3A_220 = vector.broadcast %shift_right_logical3A_219 : i32 to vector<16xi32>
      %shift_right_logical3A_221 = arith.shrui %get3A_215, %shift_right_logical3A_220 : vector<16xi32>
      %gt3A_222 = arith.constant 0 : i32
      %gt3A_223 = vector.broadcast %gt3A_222 : i32 to vector<16xi32>
      %gt3A_224 = arith.cmpi sgt, %and3A_218, %gt3A_223 : vector<16xi32>
      %gt3A_225 = arith.constant 0 : i32
      %gt3A_226 = vector.broadcast %gt3A_225 : i32 to vector<16xi32>
      %gt3A_227 = arith.cmpi sgt, %shift_right_logical3A_221, %gt3A_226 : vector<16xi32>
      %mul3A_228 = arith.constant 32 : i32
      %mul3A_229 = arith.muli %scan3A_31, %mul3A_228 : i32
      %add3A_230 = arith.constant 10 : i32
      %add3A_231 = arith.addi %mul3A_229, %add3A_230 : i32
      %mul3A_232 = arith.constant 16 : i32
      %mul3A_233 = arith.muli %add3A_231, %mul3A_232 : i32
      %get3A_234 = arith.index_cast %mul3A_233 : i32 to index
      %get3A_235 = tpu.vector_load %arg5[%get3A_234] {strides = array<i32>} : memref<16384xi32, #tpu.memory_space<vmem>>, vector<16xi32>,
      %and3A_236 = arith.constant 65535 : i32
      %and3A_237 = vector.broadcast %and3A_236 : i32 to vector<16xi32>
      %and3A_238 = arith.andi %get3A_235, %and3A_237 : vector<16xi32>
      %shift_right_logical3A_239 = arith.constant 16 : i32
      %shift_right_logical3A_240 = vector.broadcast %shift_right_logical3A_239 : i32 to vector<16xi32>
      %shift_right_logical3A_241 = arith.shrui %get3A_235, %shift_right_logical3A_240 : vector<16xi32>
      %gt3A_242 = arith.constant 0 : i32
      %gt3A_243 = vector.broadcast %gt3A_242 : i32 to vector<16xi32>
      %gt3A_244 = arith.cmpi sgt, %and3A_238, %gt3A_243 : vector<16xi32>
      %gt3A_245 = arith.constant 0 : i32
      %gt3A_246 = vector.broadcast %gt3A_245 : i32 to vector<16xi32>
      %gt3A_247 = arith.cmpi sgt, %shift_right_logical3A_241, %gt3A_246 : vector<16xi32>
      %mul3A_248 = arith.constant 32 : i32
      %mul3A_249 = arith.muli %scan3A_31, %mul3A_248 : i32
      %add3A_250 = arith.constant 11 : i32
      %add3A_251 = arith.addi %mul3A_249, %add3A_250 : i32
      %mul3A_252 = arith.constant 16 : i32
      %mul3A_253 = arith.muli %add3A_251, %mul3A_252 : i32
      %get3A_254 = arith.index_cast %mul3A_253 : i32 to index
      %get3A_255 = tpu.vector_load %arg5[%get3A_254] {strides = array<i32>} : memref<16384xi32, #tpu.memory_space<vmem>>, vector<16xi32>,
      %and3A_256 = arith.constant 65535 : i32
      %and3A_257 = vector.broadcast %and3A_256 : i32 to vector<16xi32>
      %and3A_258 = arith.andi %get3A_255, %and3A_257 : vector<16xi32>
      %shift_right_logical3A_259 = arith.constant 16 : i32
      %shift_right_logical3A_260 = vector.broadcast %shift_right_logical3A_259 : i32 to vector<16xi32>
      %shift_right_logical3A_261 = arith.shrui %get3A_255, %shift_right_logical3A_260 : vector<16xi32>
      %gt3A_262 = arith.constant 0 : i32
      %gt3A_263 = vector.broadcast %gt3A_262 : i32 to vector<16xi32>
      %gt3A_264 = arith.cmpi sgt, %and3A_258, %gt3A_263 : vector<16xi32>
      %gt3A_265 = arith.constant 0 : i32
      %gt3A_266 = vector.broadcast %gt3A_265 : i32 to vector<16xi32>
      %gt3A_267 = arith.cmpi sgt, %shift_right_logical3A_261, %gt3A_266 : vector<16xi32>
      %mul3A_268 = arith.constant 32 : i32
      %mul3A_269 = arith.muli %scan3A_31, %mul3A_268 : i32
      %add3A_270 = arith.constant 12 : i32
      %add3A_271 = arith.addi %mul3A_269, %add3A_270 : i32
      %mul3A_272 = arith.constant 16 : i32
      %mul3A_273 = arith.muli %add3A_271, %mul3A_272 : i32
      %get3A_274 = arith.index_cast %mul3A_273 : i32 to index
      %get3A_275 = tpu.vector_load %arg5[%get3A_274] {strides = array<i32>} : memref<16384xi32, #tpu.memory_space<vmem>>, vector<16xi32>,
      %and3A_276 = arith.constant 65535 : i32
      %and3A_277 = vector.broadcast %and3A_276 : i32 to vector<16xi32>
      %and3A_278 = arith.andi %get3A_275, %and3A_277 : vector<16xi32>
      %shift_right_logical3A_279 = arith.constant 16 : i32
      %shift_right_logical3A_280 = vector.broadcast %shift_right_logical3A_279 : i32 to vector<16xi32>
      %shift_right_logical3A_281 = arith.shrui %get3A_275, %shift_right_logical3A_280 : vector<16xi32>
      %gt3A_282 = arith.constant 0 : i32
      %gt3A_283 = vector.broadcast %gt3A_282 : i32 to vector<16xi32>
      %gt3A_284 = arith.cmpi sgt, %and3A_278, %gt3A_283 : vector<16xi32>
      %gt3A_285 = arith.constant 0 : i32
      %gt3A_286 = vector.broadcast %gt3A_285 : i32 to vector<16xi32>
      %gt3A_287 = arith.cmpi sgt, %shift_right_logical3A_281, %gt3A_286 : vector<16xi32>
      %mul3A_288 = arith.constant 32 : i32
      %mul3A_289 = arith.muli %scan3A_31, %mul3A_288 : i32
      %add3A_290 = arith.constant 13 : i32
      %add3A_291 = arith.addi %mul3A_289, %add3A_290 : i32
      %mul3A_292 = arith.constant 16 : i32
      %mul3A_293 = arith.muli %add3A_291, %mul3A_292 : i32
      %get3A_294 = arith.index_cast %mul3A_293 : i32 to index
      %get3A_295 = tpu.vector_load %arg5[%get3A_294] {strides = array<i32>} : memref<16384xi32, #tpu.memory_space<vmem>>, vector<16xi32>,
      %and3A_296 = arith.constant 65535 : i32
      %and3A_297 = vector.broadcast %and3A_296 : i32 to vector<16xi32>
      %and3A_298 = arith.andi %get3A_295, %and3A_297 : vector<16xi32>
      %shift_right_logical3A_299 = arith.constant 16 : i32
      %shift_right_logical3A_300 = vector.broadcast %shift_right_logical3A_299 : i32 to vector<16xi32>
      %shift_right_logical3A_301 = arith.shrui %get3A_295, %shift_right_logical3A_300 : vector<16xi32>
      %gt3A_302 = arith.constant 0 : i32
      %gt3A_303 = vector.broadcast %gt3A_302 : i32 to vector<16xi32>
      %gt3A_304 = arith.cmpi sgt, %and3A_298, %gt3A_303 : vector<16xi32>
      %gt3A_305 = arith.constant 0 : i32
      %gt3A_306 = vector.broadcast %gt3A_305 : i32 to vector<16xi32>
      %gt3A_307 = arith.cmpi sgt, %shift_right_logical3A_301, %gt3A_306 : vector<16xi32>
      %mul3A_308 = arith.constant 32 : i32
      %mul3A_309 = arith.muli %scan3A_31, %mul3A_308 : i32
      %add3A_310 = arith.constant 14 : i32
      %add3A_311 = arith.addi %mul3A_309, %add3A_310 : i32
      %mul3A_312 = arith.constant 16 : i32
      %mul3A_313 = arith.muli %add3A_311, %mul3A_312 : i32
      %get3A_314 = arith.index_cast %mul3A_313 : i32 to index
      %get3A_315 = tpu.vector_load %arg5[%get3A_314] {strides = array<i32>} : memref<16384xi32, #tpu.memory_space<vmem>>, vector<16xi32>,
      %and3A_316 = arith.constant 65535 : i32
      %and3A_317 = vector.broadcast %and3A_316 : i32 to vector<16xi32>
      %and3A_318 = arith.andi %get3A_315, %and3A_317 : vector<16xi32>
      %shift_right_logical3A_319 = arith.constant 16 : i32
      %shift_right_logical3A_320 = vector.broadcast %shift_right_logical3A_319 : i32 to vector<16xi32>
      %shift_right_logical3A_321 = arith.shrui %get3A_315, %shift_right_logical3A_320 : vector<16xi32>
      %gt3A_322 = arith.constant 0 : i32
      %gt3A_323 = vector.broadcast %gt3A_322 : i32 to vector<16xi32>
      %gt3A_324 = arith.cmpi sgt, %and3A_318, %gt3A_323 : vector<16xi32>
      %gt3A_325 = arith.constant 0 : i32
      %gt3A_326 = vector.broadcast %gt3A_325 : i32 to vector<16xi32>
      %gt3A_327 = arith.cmpi sgt, %shift_right_logical3A_321, %gt3A_326 : vector<16xi32>
      %mul3A_328 = arith.constant 32 : i32
      %mul3A_329 = arith.muli %scan3A_31, %mul3A_328 : i32
      %add3A_330 = arith.constant 15 : i32
      %add3A_331 = arith.addi %mul3A_329, %add3A_330 : i32
      %mul3A_332 = arith.constant 16 : i32
      %mul3A_333 = arith.muli %add3A_331, %mul3A_332 : i32
      %get3A_334 = arith.index_cast %mul3A_333 : i32 to index
      %get3A_335 = tpu.vector_load %arg5[%get3A_334] {strides = array<i32>} : memref<16384xi32, #tpu.memory_space<vmem>>, vector<16xi32>,
      %and3A_336 = arith.constant 65535 : i32
      %and3A_337 = vector.broadcast %and3A_336 : i32 to vector<16xi32>
      %and3A_338 = arith.andi %get3A_335, %and3A_337 : vector<16xi32>
      %shift_right_logical3A_339 = arith.constant 16 : i32
      %shift_right_logical3A_340 = vector.broadcast %shift_right_logical3A_339 : i32 to vector<16xi32>
      %shift_right_logical3A_341 = arith.shrui %get3A_335, %shift_right_logical3A_340 : vector<16xi32>
      %gt3A_342 = arith.constant 0 : i32
      %gt3A_343 = vector.broadcast %gt3A_342 : i32 to vector<16xi32>
      %gt3A_344 = arith.cmpi sgt, %and3A_338, %gt3A_343 : vector<16xi32>
      %gt3A_345 = arith.constant 0 : i32
      %gt3A_346 = vector.broadcast %gt3A_345 : i32 to vector<16xi32>
      %gt3A_347 = arith.cmpi sgt, %shift_right_logical3A_341, %gt3A_346 : vector<16xi32>
      %mul3A_348 = arith.constant 32 : i32
      %mul3A_349 = arith.muli %scan3A_31, %mul3A_348 : i32
      %add3A_350 = arith.constant 16 : i32
      %add3A_351 = arith.addi %mul3A_349, %add3A_350 : i32
      %mul3A_352 = arith.constant 16 : i32
      %mul3A_353 = arith.muli %add3A_351, %mul3A_352 : i32
      %get3A_354 = arith.index_cast %mul3A_353 : i32 to index
      %get3A_355 = tpu.vector_load %arg5[%get3A_354] {strides = array<i32>} : memref<16384xi32, #tpu.memory_space<vmem>>, vector<16xi32>,
      %and3A_356 = arith.constant 65535 : i32
      %and3A_357 = vector.broadcast %and3A_356 : i32 to vector<16xi32>
      %and3A_358 = arith.andi %get3A_355, %and3A_357 : vector<16xi32>
      %shift_right_logical3A_359 = arith.constant 16 : i32
      %shift_right_logical3A_360 = vector.broadcast %shift_right_logical3A_359 : i32 to vector<16xi32>
      %shift_right_logical3A_361 = arith.shrui %get3A_355, %shift_right_logical3A_360 : vector<16xi32>
      %gt3A_362 = arith.constant 0 : i32
      %gt3A_363 = vector.broadcast %gt3A_362 : i32 to vector<16xi32>
      %gt3A_364 = arith.cmpi sgt, %and3A_358, %gt3A_363 : vector<16xi32>
      %gt3A_365 = arith.constant 0 : i32
      %gt3A_366 = vector.broadcast %gt3A_365 : i32 to vector<16xi32>
      %gt3A_367 = arith.cmpi sgt, %shift_right_logical3A_361, %gt3A_366 : vector<16xi32>
      %mul3A_368 = arith.constant 32 : i32
      %mul3A_369 = arith.muli %scan3A_31, %mul3A_368 : i32
      %add3A_370 = arith.constant 17 : i32
      %add3A_371 = arith.addi %mul3A_369, %add3A_370 : i32
      %mul3A_372 = arith.constant 16 : i32
      %mul3A_373 = arith.muli %add3A_371, %mul3A_372 : i32
      %get3A_374 = arith.index_cast %mul3A_373 : i32 to index
      %get3A_375 = tpu.vector_load %arg5[%get3A_374] {strides = array<i32>} : memref<16384xi32, #tpu.memory_space<vmem>>, vector<16xi32>,
      %and3A_376 = arith.constant 65535 : i32
      %and3A_377 = vector.broadcast %and3A_376 : i32 to vector<16xi32>
      %and3A_378 = arith.andi %get3A_375, %and3A_377 : vector<16xi32>
      %shift_right_logical3A_379 = arith.constant 16 : i32
      %shift_right_logical3A_380 = vector.broadcast %shift_right_logical3A_379 : i32 to vector<16xi32>
      %shift_right_logical3A_381 = arith.shrui %get3A_375, %shift_right_logical3A_380 : vector<16xi32>
      %gt3A_382 = arith.constant 0 : i32
      %gt3A_383 = vector.broadcast %gt3A_382 : i32 to vector<16xi32>
      %gt3A_384 = arith.cmpi sgt, %and3A_378, %gt3A_383 : vector<16xi32>
      %gt3A_385 = arith.constant 0 : i32
      %gt3A_386 = vector.broadcast %gt3A_385 : i32 to vector<16xi32>
      %gt3A_387 = arith.cmpi sgt, %shift_right_logical3A_381, %gt3A_386 : vector<16xi32>
      %mul3A_388 = arith.constant 32 : i32
      %mul3A_389 = arith.muli %scan3A_31, %mul3A_388 : i32
      %add3A_390 = arith.constant 18 : i32
      %add3A_391 = arith.addi %mul3A_389, %add3A_390 : i32
      %mul3A_392 = arith.constant 16 : i32
      %mul3A_393 = arith.muli %add3A_391, %mul3A_392 : i32
      %get3A_394 = arith.index_cast %mul3A_393 : i32 to index
      %get3A_395 = tpu.vector_load %arg5[%get3A_394] {strides = array<i32>} : memref<16384xi32, #tpu.memory_space<vmem>>, vector<16xi32>,
      %and3A_396 = arith.constant 65535 : i32
      %and3A_397 = vector.broadcast %and3A_396 : i32 to vector<16xi32>
      %and3A_398 = arith.andi %get3A_395, %and3A_397 : vector<16xi32>
      %shift_right_logical3A_399 = arith.constant 16 : i32
      %shift_right_logical3A_400 = vector.broadcast %shift_right_logical3A_399 : i32 to vector<16xi32>
      %shift_right_logical3A_401 = arith.shrui %get3A_395, %shift_right_logical3A_400 : vector<16xi32>
      %gt3A_402 = arith.constant 0 : i32
      %gt3A_403 = vector.broadcast %gt3A_402 : i32 to vector<16xi32>
      %gt3A_404 = arith.cmpi sgt, %and3A_398, %gt3A_403 : vector<16xi32>
      %gt3A_405 = arith.constant 0 : i32
      %gt3A_406 = vector.broadcast %gt3A_405 : i32 to vector<16xi32>
      %gt3A_407 = arith.cmpi sgt, %shift_right_logical3A_401, %gt3A_406 : vector<16xi32>
      %mul3A_408 = arith.constant 32 : i32
      %mul3A_409 = arith.muli %scan3A_31, %mul3A_408 : i32
      %add3A_410 = arith.constant 19 : i32
      %add3A_411 = arith.addi %mul3A_409, %add3A_410 : i32
      %mul3A_412 = arith.constant 16 : i32
      %mul3A_413 = arith.muli %add3A_411, %mul3A_412 : i32
      %get3A_414 = arith.index_cast %mul3A_413 : i32 to index
      %get3A_415 = tpu.vector_load %arg5[%get3A_414] {strides = array<i32>} : memref<16384xi32, #tpu.memory_space<vmem>>, vector<16xi32>,
      %and3A_416 = arith.constant 65535 : i32
      %and3A_417 = vector.broadcast %and3A_416 : i32 to vector<16xi32>
      %and3A_418 = arith.andi %get3A_415, %and3A_417 : vector<16xi32>
      %shift_right_logical3A_419 = arith.constant 16 : i32
      %shift_right_logical3A_420 = vector.broadcast %shift_right_logical3A_419 : i32 to vector<16xi32>
      %shift_right_logical3A_421 = arith.shrui %get3A_415, %shift_right_logical3A_420 : vector<16xi32>
      %gt3A_422 = arith.constant 0 : i32
      %gt3A_423 = vector.broadcast %gt3A_422 : i32 to vector<16xi32>
      %gt3A_424 = arith.cmpi sgt, %and3A_418, %gt3A_423 : vector<16xi32>
      %gt3A_425 = arith.constant 0 : i32
      %gt3A_426 = vector.broadcast %gt3A_425 : i32 to vector<16xi32>
      %gt3A_427 = arith.cmpi sgt, %shift_right_logical3A_421, %gt3A_426 : vector<16xi32>
      %mul3A_428 = arith.constant 32 : i32
      %mul3A_429 = arith.muli %scan3A_31, %mul3A_428 : i32
      %add3A_430 = arith.constant 20 : i32
      %add3A_431 = arith.addi %mul3A_429, %add3A_430 : i32
      %mul3A_432 = arith.constant 16 : i32
      %mul3A_433 = arith.muli %add3A_431, %mul3A_432 : i32
      %get3A_434 = arith.index_cast %mul3A_433 : i32 to index
      %get3A_435 = tpu.vector_load %arg5[%get3A_434] {strides = array<i32>} : memref<16384xi32, #tpu.memory_space<vmem>>, vector<16xi32>,
      %and3A_436 = arith.constant 65535 : i32
      %and3A_437 = vector.broadcast %and3A_436 : i32 to vector<16xi32>
      %and3A_438 = arith.andi %get3A_435, %and3A_437 : vector<16xi32>
      %shift_right_logical3A_439 = arith.constant 16 : i32
      %shift_right_logical3A_440 = vector.broadcast %shift_right_logical3A_439 : i32 to vector<16xi32>
      %shift_right_logical3A_441 = arith.shrui %get3A_435, %shift_right_logical3A_440 : vector<16xi32>
      %gt3A_442 = arith.constant 0 : i32
      %gt3A_443 = vector.broadcast %gt3A_442 : i32 to vector<16xi32>
      %gt3A_444 = arith.cmpi sgt, %and3A_438, %gt3A_443 : vector<16xi32>
      %gt3A_445 = arith.constant 0 : i32
      %gt3A_446 = vector.broadcast %gt3A_445 : i32 to vector<16xi32>
      %gt3A_447 = arith.cmpi sgt, %shift_right_logical3A_441, %gt3A_446 : vector<16xi32>
      %mul3A_448 = arith.constant 32 : i32
      %mul3A_449 = arith.muli %scan3A_31, %mul3A_448 : i32
      %add3A_450 = arith.constant 21 : i32
      %add3A_451 = arith.addi %mul3A_449, %add3A_450 : i32
      %mul3A_452 = arith.constant 16 : i32
      %mul3A_453 = arith.muli %add3A_451, %mul3A_452 : i32
      %get3A_454 = arith.index_cast %mul3A_453 : i32 to index
      %get3A_455 = tpu.vector_load %arg5[%get3A_454] {strides = array<i32>} : memref<16384xi32, #tpu.memory_space<vmem>>, vector<16xi32>,
      %and3A_456 = arith.constant 65535 : i32
      %and3A_457 = vector.broadcast %and3A_456 : i32 to vector<16xi32>
      %and3A_458 = arith.andi %get3A_455, %and3A_457 : vector<16xi32>
      %shift_right_logical3A_459 = arith.constant 16 : i32
      %shift_right_logical3A_460 = vector.broadcast %shift_right_logical3A_459 : i32 to vector<16xi32>
      %shift_right_logical3A_461 = arith.shrui %get3A_455, %shift_right_logical3A_460 : vector<16xi32>
      %gt3A_462 = arith.constant 0 : i32
      %gt3A_463 = vector.broadcast %gt3A_462 : i32 to vector<16xi32>
      %gt3A_464 = arith.cmpi sgt, %and3A_458, %gt3A_463 : vector<16xi32>
      %gt3A_465 = arith.constant 0 : i32
      %gt3A_466 = vector.broadcast %gt3A_465 : i32 to vector<16xi32>
      %gt3A_467 = arith.cmpi sgt, %shift_right_logical3A_461, %gt3A_466 : vector<16xi32>
      %mul3A_468 = arith.constant 32 : i32
      %mul3A_469 = arith.muli %scan3A_31, %mul3A_468 : i32
      %add3A_470 = arith.constant 22 : i32
      %add3A_471 = arith.addi %mul3A_469, %add3A_470 : i32
      %mul3A_472 = arith.constant 16 : i32
      %mul3A_473 = arith.muli %add3A_471, %mul3A_472 : i32
      %get3A_474 = arith.index_cast %mul3A_473 : i32 to index
      %get3A_475 = tpu.vector_load %arg5[%get3A_474] {strides = array<i32>} : memref<16384xi32, #tpu.memory_space<vmem>>, vector<16xi32>,
      %and3A_476 = arith.constant 65535 : i32
      %and3A_477 = vector.broadcast %and3A_476 : i32 to vector<16xi32>
      %and3A_478 = arith.andi %get3A_475, %and3A_477 : vector<16xi32>
      %shift_right_logical3A_479 = arith.constant 16 : i32
      %shift_right_logical3A_480 = vector.broadcast %shift_right_logical3A_479 : i32 to vector<16xi32>
      %shift_right_logical3A_481 = arith.shrui %get3A_475, %shift_right_logical3A_480 : vector<16xi32>
      %gt3A_482 = arith.constant 0 : i32
      %gt3A_483 = vector.broadcast %gt3A_482 : i32 to vector<16xi32>
      %gt3A_484 = arith.cmpi sgt, %and3A_478, %gt3A_483 : vector<16xi32>
      %gt3A_485 = arith.constant 0 : i32
      %gt3A_486 = vector.broadcast %gt3A_485 : i32 to vector<16xi32>
      %gt3A_487 = arith.cmpi sgt, %shift_right_logical3A_481, %gt3A_486 : vector<16xi32>
      %mul3A_488 = arith.constant 32 : i32
      %mul3A_489 = arith.muli %scan3A_31, %mul3A_488 : i32
      %add3A_490 = arith.constant 23 : i32
      %add3A_491 = arith.addi %mul3A_489, %add3A_490 : i32
      %mul3A_492 = arith.constant 16 : i32
      %mul3A_493 = arith.muli %add3A_491, %mul3A_492 : i32
      %get3A_494 = arith.index_cast %mul3A_493 : i32 to index
      %get3A_495 = tpu.vector_load %arg5[%get3A_494] {strides = array<i32>} : memref<16384xi32, #tpu.memory_space<vmem>>, vector<16xi32>,
      %and3A_496 = arith.constant 65535 : i32
      %and3A_497 = vector.broadcast %and3A_496 : i32 to vector<16xi32>
      %and3A_498 = arith.andi %get3A_495, %and3A_497 : vector<16xi32>
      %shift_right_logical3A_499 = arith.constant 16 : i32
      %shift_right_logical3A_500 = vector.broadcast %shift_right_logical3A_499 : i32 to vector<16xi32>
      %shift_right_logical3A_501 = arith.shrui %get3A_495, %shift_right_logical3A_500 : vector<16xi32>
      %gt3A_502 = arith.constant 0 : i32
      %gt3A_503 = vector.broadcast %gt3A_502 : i32 to vector<16xi32>
      %gt3A_504 = arith.cmpi sgt, %and3A_498, %gt3A_503 : vector<16xi32>
      %gt3A_505 = arith.constant 0 : i32
      %gt3A_506 = vector.broadcast %gt3A_505 : i32 to vector<16xi32>
      %gt3A_507 = arith.cmpi sgt, %shift_right_logical3A_501, %gt3A_506 : vector<16xi32>
      %mul3A_508 = arith.constant 32 : i32
      %mul3A_509 = arith.muli %scan3A_31, %mul3A_508 : i32
      %add3A_510 = arith.constant 24 : i32
      %add3A_511 = arith.addi %mul3A_509, %add3A_510 : i32
      %mul3A_512 = arith.constant 16 : i32
      %mul3A_513 = arith.muli %add3A_511, %mul3A_512 : i32
      %get3A_514 = arith.index_cast %mul3A_513 : i32 to index
      %get3A_515 = tpu.vector_load %arg5[%get3A_514] {strides = array<i32>} : memref<16384xi32, #tpu.memory_space<vmem>>, vector<16xi32>,
      %and3A_516 = arith.constant 65535 : i32
      %and3A_517 = vector.broadcast %and3A_516 : i32 to vector<16xi32>
      %and3A_518 = arith.andi %get3A_515, %and3A_517 : vector<16xi32>
      %shift_right_logical3A_519 = arith.constant 16 : i32
      %shift_right_logical3A_520 = vector.broadcast %shift_right_logical3A_519 : i32 to vector<16xi32>
      %shift_right_logical3A_521 = arith.shrui %get3A_515, %shift_right_logical3A_520 : vector<16xi32>
      %gt3A_522 = arith.constant 0 : i32
      %gt3A_523 = vector.broadcast %gt3A_522 : i32 to vector<16xi32>
      %gt3A_524 = arith.cmpi sgt, %and3A_518, %gt3A_523 : vector<16xi32>
      %gt3A_525 = arith.constant 0 : i32
      %gt3A_526 = vector.broadcast %gt3A_525 : i32 to vector<16xi32>
      %gt3A_527 = arith.cmpi sgt, %shift_right_logical3A_521, %gt3A_526 : vector<16xi32>
      %mul3A_528 = arith.constant 32 : i32
      %mul3A_529 = arith.muli %scan3A_31, %mul3A_528 : i32
      %add3A_530 = arith.constant 25 : i32
      %add3A_531 = arith.addi %mul3A_529, %add3A_530 : i32
      %mul3A_532 = arith.constant 16 : i32
      %mul3A_533 = arith.muli %add3A_531, %mul3A_532 : i32
      %get3A_534 = arith.index_cast %mul3A_533 : i32 to index
      %get3A_535 = tpu.vector_load %arg5[%get3A_534] {strides = array<i32>} : memref<16384xi32, #tpu.memory_space<vmem>>, vector<16xi32>,
      %and3A_536 = arith.constant 65535 : i32
      %and3A_537 = vector.broadcast %and3A_536 : i32 to vector<16xi32>
      %and3A_538 = arith.andi %get3A_535, %and3A_537 : vector<16xi32>
      %shift_right_logical3A_539 = arith.constant 16 : i32
      %shift_right_logical3A_540 = vector.broadcast %shift_right_logical3A_539 : i32 to vector<16xi32>
      %shift_right_logical3A_541 = arith.shrui %get3A_535, %shift_right_logical3A_540 : vector<16xi32>
      %gt3A_542 = arith.constant 0 : i32
      %gt3A_543 = vector.broadcast %gt3A_542 : i32 to vector<16xi32>
      %gt3A_544 = arith.cmpi sgt, %and3A_538, %gt3A_543 : vector<16xi32>
      %gt3A_545 = arith.constant 0 : i32
      %gt3A_546 = vector.broadcast %gt3A_545 : i32 to vector<16xi32>
      %gt3A_547 = arith.cmpi sgt, %shift_right_logical3A_541, %gt3A_546 : vector<16xi32>
      %mul3A_548 = arith.constant 32 : i32
      %mul3A_549 = arith.muli %scan3A_31, %mul3A_548 : i32
      %add3A_550 = arith.constant 26 : i32
      %add3A_551 = arith.addi %mul3A_549, %add3A_550 : i32
      %mul3A_552 = arith.constant 16 : i32
      %mul3A_553 = arith.muli %add3A_551, %mul3A_552 : i32
      %get3A_554 = arith.index_cast %mul3A_553 : i32 to index
      %get3A_555 = tpu.vector_load %arg5[%get3A_554] {strides = array<i32>} : memref<16384xi32, #tpu.memory_space<vmem>>, vector<16xi32>,
      %and3A_556 = arith.constant 65535 : i32
      %and3A_557 = vector.broadcast %and3A_556 : i32 to vector<16xi32>
      %and3A_558 = arith.andi %get3A_555, %and3A_557 : vector<16xi32>
      %shift_right_logical3A_559 = arith.constant 16 : i32
      %shift_right_logical3A_560 = vector.broadcast %shift_right_logical3A_559 : i32 to vector<16xi32>
      %shift_right_logical3A_561 = arith.shrui %get3A_555, %shift_right_logical3A_560 : vector<16xi32>
      %gt3A_562 = arith.constant 0 : i32
      %gt3A_563 = vector.broadcast %gt3A_562 : i32 to vector<16xi32>
      %gt3A_564 = arith.cmpi sgt, %and3A_558, %gt3A_563 : vector<16xi32>
      %gt3A_565 = arith.constant 0 : i32
      %gt3A_566 = vector.broadcast %gt3A_565 : i32 to vector<16xi32>
      %gt3A_567 = arith.cmpi sgt, %shift_right_logical3A_561, %gt3A_566 : vector<16xi32>
      %mul3A_568 = arith.constant 32 : i32
      %mul3A_569 = arith.muli %scan3A_31, %mul3A_568 : i32
      %add3A_570 = arith.constant 27 : i32
      %add3A_571 = arith.addi %mul3A_569, %add3A_570 : i32
      %mul3A_572 = arith.constant 16 : i32
      %mul3A_573 = arith.muli %add3A_571, %mul3A_572 : i32
      %get3A_574 = arith.index_cast %mul3A_573 : i32 to index
      %get3A_575 = tpu.vector_load %arg5[%get3A_574] {strides = array<i32>} : memref<16384xi32, #tpu.memory_space<vmem>>, vector<16xi32>,
      %and3A_576 = arith.constant 65535 : i32
      %and3A_577 = vector.broadcast %and3A_576 : i32 to vector<16xi32>
      %and3A_578 = arith.andi %get3A_575, %and3A_577 : vector<16xi32>
      %shift_right_logical3A_579 = arith.constant 16 : i32
      %shift_right_logical3A_580 = vector.broadcast %shift_right_logical3A_579 : i32 to vector<16xi32>
      %shift_right_logical3A_581 = arith.shrui %get3A_575, %shift_right_logical3A_580 : vector<16xi32>
      %gt3A_582 = arith.constant 0 : i32
      %gt3A_583 = vector.broadcast %gt3A_582 : i32 to vector<16xi32>
      %gt3A_584 = arith.cmpi sgt, %and3A_578, %gt3A_583 : vector<16xi32>
      %gt3A_585 = arith.constant 0 : i32
      %gt3A_586 = vector.broadcast %gt3A_585 : i32 to vector<16xi32>
      %gt3A_587 = arith.cmpi sgt, %shift_right_logical3A_581, %gt3A_586 : vector<16xi32>
      %mul3A_588 = arith.constant 32 : i32
      %mul3A_589 = arith.muli %scan3A_31, %mul3A_588 : i32
      %add3A_590 = arith.constant 28 : i32
      %add3A_591 = arith.addi %mul3A_589, %add3A_590 : i32
      %mul3A_592 = arith.constant 16 : i32
      %mul3A_593 = arith.muli %add3A_591, %mul3A_592 : i32
      %get3A_594 = arith.index_cast %mul3A_593 : i32 to index
      %get3A_595 = tpu.vector_load %arg5[%get3A_594] {strides = array<i32>} : memref<16384xi32, #tpu.memory_space<vmem>>, vector<16xi32>,
      %and3A_596 = arith.constant 65535 : i32
      %and3A_597 = vector.broadcast %and3A_596 : i32 to vector<16xi32>
      %and3A_598 = arith.andi %get3A_595, %and3A_597 : vector<16xi32>
      %shift_right_logical3A_599 = arith.constant 16 : i32
      %shift_right_logical3A_600 = vector.broadcast %shift_right_logical3A_599 : i32 to vector<16xi32>
      %shift_right_logical3A_601 = arith.shrui %get3A_595, %shift_right_logical3A_600 : vector<16xi32>
      %gt3A_602 = arith.constant 0 : i32
      %gt3A_603 = vector.broadcast %gt3A_602 : i32 to vector<16xi32>
      %gt3A_604 = arith.cmpi sgt, %and3A_598, %gt3A_603 : vector<16xi32>
      %gt3A_605 = arith.constant 0 : i32
      %gt3A_606 = vector.broadcast %gt3A_605 : i32 to vector<16xi32>
      %gt3A_607 = arith.cmpi sgt, %shift_right_logical3A_601, %gt3A_606 : vector<16xi32>
      %mul3A_608 = arith.constant 32 : i32
      %mul3A_609 = arith.muli %scan3A_31, %mul3A_608 : i32
      %add3A_610 = arith.constant 29 : i32
      %add3A_611 = arith.addi %mul3A_609, %add3A_610 : i32
      %mul3A_612 = arith.constant 16 : i32
      %mul3A_613 = arith.muli %add3A_611, %mul3A_612 : i32
      %get3A_614 = arith.index_cast %mul3A_613 : i32 to index
      %get3A_615 = tpu.vector_load %arg5[%get3A_614] {strides = array<i32>} : memref<16384xi32, #tpu.memory_space<vmem>>, vector<16xi32>,
      %and3A_616 = arith.constant 65535 : i32
      %and3A_617 = vector.broadcast %and3A_616 : i32 to vector<16xi32>
      %and3A_618 = arith.andi %get3A_615, %and3A_617 : vector<16xi32>
      %shift_right_logical3A_619 = arith.constant 16 : i32
      %shift_right_logical3A_620 = vector.broadcast %shift_right_logical3A_619 : i32 to vector<16xi32>
      %shift_right_logical3A_621 = arith.shrui %get3A_615, %shift_right_logical3A_620 : vector<16xi32>
      %gt3A_622 = arith.constant 0 : i32
      %gt3A_623 = vector.broadcast %gt3A_622 : i32 to vector<16xi32>
      %gt3A_624 = arith.cmpi sgt, %and3A_618, %gt3A_623 : vector<16xi32>
      %gt3A_625 = arith.constant 0 : i32
      %gt3A_626 = vector.broadcast %gt3A_625 : i32 to vector<16xi32>
      %gt3A_627 = arith.cmpi sgt, %shift_right_logical3A_621, %gt3A_626 : vector<16xi32>
      %mul3A_628 = arith.constant 32 : i32
      %mul3A_629 = arith.muli %scan3A_31, %mul3A_628 : i32
      %add3A_630 = arith.constant 30 : i32
      %add3A_631 = arith.addi %mul3A_629, %add3A_630 : i32
      %mul3A_632 = arith.constant 16 : i32
      %mul3A_633 = arith.muli %add3A_631, %mul3A_632 : i32
      %get3A_634 = arith.index_cast %mul3A_633 : i32 to index
      %get3A_635 = tpu.vector_load %arg5[%get3A_634] {strides = array<i32>} : memref<16384xi32, #tpu.memory_space<vmem>>, vector<16xi32>,
      %and3A_636 = arith.constant 65535 : i32
      %and3A_637 = vector.broadcast %and3A_636 : i32 to vector<16xi32>
      %and3A_638 = arith.andi %get3A_635, %and3A_637 : vector<16xi32>
      %shift_right_logical3A_639 = arith.constant 16 : i32
      %shift_right_logical3A_640 = vector.broadcast %shift_right_logical3A_639 : i32 to vector<16xi32>
      %shift_right_logical3A_641 = arith.shrui %get3A_635, %shift_right_logical3A_640 : vector<16xi32>
      %gt3A_642 = arith.constant 0 : i32
      %gt3A_643 = vector.broadcast %gt3A_642 : i32 to vector<16xi32>
      %gt3A_644 = arith.cmpi sgt, %and3A_638, %gt3A_643 : vector<16xi32>
      %gt3A_645 = arith.constant 0 : i32
      %gt3A_646 = vector.broadcast %gt3A_645 : i32 to vector<16xi32>
      %gt3A_647 = arith.cmpi sgt, %shift_right_logical3A_641, %gt3A_646 : vector<16xi32>
      %mul3A_648 = arith.constant 32 : i32
      %mul3A_649 = arith.muli %scan3A_31, %mul3A_648 : i32
      %add3A_650 = arith.constant 31 : i32
      %add3A_651 = arith.addi %mul3A_649, %add3A_650 : i32
      %mul3A_652 = arith.constant 16 : i32
      %mul3A_653 = arith.muli %add3A_651, %mul3A_652 : i32
      %get3A_654 = arith.index_cast %mul3A_653 : i32 to index
      %get3A_655 = tpu.vector_load %arg5[%get3A_654] {strides = array<i32>} : memref<16384xi32, #tpu.memory_space<vmem>>, vector<16xi32>,
      %and3A_656 = arith.constant 65535 : i32
      %and3A_657 = vector.broadcast %and3A_656 : i32 to vector<16xi32>
      %and3A_658 = arith.andi %get3A_655, %and3A_657 : vector<16xi32>
      %shift_right_logical3A_659 = arith.constant 16 : i32
      %shift_right_logical3A_660 = vector.broadcast %shift_right_logical3A_659 : i32 to vector<16xi32>
      %shift_right_logical3A_661 = arith.shrui %get3A_655, %shift_right_logical3A_660 : vector<16xi32>
      %gt3A_662 = arith.constant 0 : i32
      %gt3A_663 = vector.broadcast %gt3A_662 : i32 to vector<16xi32>
      %gt3A_664 = arith.cmpi sgt, %and3A_658, %gt3A_663 : vector<16xi32>
      %gt3A_665 = arith.constant 0 : i32
      %gt3A_666 = vector.broadcast %gt3A_665 : i32 to vector<16xi32>
      %gt3A_667 = arith.cmpi sgt, %shift_right_logical3A_661, %gt3A_666 : vector<16xi32>
      tpu.vector_store_idx %arg6[%and3A_40], %broadcast_in_dim3A_15 masked %gt3A_44 {add = true} : memref<6144xf32, #tpu.memory_space<vmem>>[vector<16xi32>], vector<16xf32>, vector<16xi1>
      tpu.vector_store_idx %arg6[%shift_right_logical3A_42], %broadcast_in_dim3A_15 masked %gt3A_47 {add = true} : memref<6144xf32, #tpu.memory_space<vmem>>[vector<16xi32>], vector<16xf32>, vector<16xi1>
      tpu.vector_store_idx %arg6[%and3A_58], %broadcast_in_dim3A_15 masked %gt3A_64 {add = true} : memref<6144xf32, #tpu.memory_space<vmem>>[vector<16xi32>], vector<16xf32>, vector<16xi1>
      tpu.vector_store_idx %arg6[%shift_right_logical3A_61], %broadcast_in_dim3A_15 masked %gt3A_67 {add = true} : memref<6144xf32, #tpu.memory_space<vmem>>[vector<16xi32>], vector<16xf32>, vector<16xi1>
      tpu.vector_store_idx %arg6[%and3A_78], %broadcast_in_dim3A_15 masked %gt3A_84 {add = true} : memref<6144xf32, #tpu.memory_space<vmem>>[vector<16xi32>], vector<16xf32>, vector<16xi1>
      tpu.vector_store_idx %arg6[%shift_right_logical3A_81], %broadcast_in_dim3A_15 masked %gt3A_87 {add = true} : memref<6144xf32, #tpu.memory_space<vmem>>[vector<16xi32>], vector<16xf32>, vector<16xi1>
      tpu.vector_store_idx %arg6[%and3A_98], %broadcast_in_dim3A_15 masked %gt3A_104 {add = true} : memref<6144xf32, #tpu.memory_space<vmem>>[vector<16xi32>], vector<16xf32>, vector<16xi1>
      tpu.vector_store_idx %arg6[%shift_right_logical3A_101], %broadcast_in_dim3A_15 masked %gt3A_107 {add = true} : memref<6144xf32, #tpu.memory_space<vmem>>[vector<16xi32>], vector<16xf32>, vector<16xi1>
      tpu.vector_store_idx %arg6[%and3A_118], %broadcast_in_dim3A_15 masked %gt3A_124 {add = true} : memref<6144xf32, #tpu.memory_space<vmem>>[vector<16xi32>], vector<16xf32>, vector<16xi1>
      tpu.vector_store_idx %arg6[%shift_right_logical3A_121], %broadcast_in_dim3A_15 masked %gt3A_127 {add = true} : memref<6144xf32, #tpu.memory_space<vmem>>[vector<16xi32>], vector<16xf32>, vector<16xi1>
      tpu.vector_store_idx %arg6[%and3A_138], %broadcast_in_dim3A_15 masked %gt3A_144 {add = true} : memref<6144xf32, #tpu.memory_space<vmem>>[vector<16xi32>], vector<16xf32>, vector<16xi1>
      tpu.vector_store_idx %arg6[%shift_right_logical3A_141], %broadcast_in_dim3A_15 masked %gt3A_147 {add = true} : memref<6144xf32, #tpu.memory_space<vmem>>[vector<16xi32>], vector<16xf32>, vector<16xi1>
      tpu.vector_store_idx %arg6[%and3A_158], %broadcast_in_dim3A_15 masked %gt3A_164 {add = true} : memref<6144xf32, #tpu.memory_space<vmem>>[vector<16xi32>], vector<16xf32>, vector<16xi1>
      tpu.vector_store_idx %arg6[%shift_right_logical3A_161], %broadcast_in_dim3A_15 masked %gt3A_167 {add = true} : memref<6144xf32, #tpu.memory_space<vmem>>[vector<16xi32>], vector<16xf32>, vector<16xi1>
      tpu.vector_store_idx %arg6[%and3A_178], %broadcast_in_dim3A_15 masked %gt3A_184 {add = true} : memref<6144xf32, #tpu.memory_space<vmem>>[vector<16xi32>], vector<16xf32>, vector<16xi1>
      tpu.vector_store_idx %arg6[%shift_right_logical3A_181], %broadcast_in_dim3A_15 masked %gt3A_187 {add = true} : memref<6144xf32, #tpu.memory_space<vmem>>[vector<16xi32>], vector<16xf32>, vector<16xi1>
      tpu.vector_store_idx %arg6[%and3A_198], %broadcast_in_dim3A_15 masked %gt3A_204 {add = true} : memref<6144xf32, #tpu.memory_space<vmem>>[vector<16xi32>], vector<16xf32>, vector<16xi1>
      tpu.vector_store_idx %arg6[%shift_right_logical3A_201], %broadcast_in_dim3A_15 masked %gt3A_207 {add = true} : memref<6144xf32, #tpu.memory_space<vmem>>[vector<16xi32>], vector<16xf32>, vector<16xi1>
      tpu.vector_store_idx %arg6[%and3A_218], %broadcast_in_dim3A_15 masked %gt3A_224 {add = true} : memref<6144xf32, #tpu.memory_space<vmem>>[vector<16xi32>], vector<16xf32>, vector<16xi1>
      tpu.vector_store_idx %arg6[%shift_right_logical3A_221], %broadcast_in_dim3A_15 masked %gt3A_227 {add = true} : memref<6144xf32, #tpu.memory_space<vmem>>[vector<16xi32>], vector<16xf32>, vector<16xi1>
      tpu.vector_store_idx %arg6[%and3A_238], %broadcast_in_dim3A_15 masked %gt3A_244 {add = true} : memref<6144xf32, #tpu.memory_space<vmem>>[vector<16xi32>], vector<16xf32>, vector<16xi1>
      tpu.vector_store_idx %arg6[%shift_right_logical3A_241], %broadcast_in_dim3A_15 masked %gt3A_247 {add = true} : memref<6144xf32, #tpu.memory_space<vmem>>[vector<16xi32>], vector<16xf32>, vector<16xi1>
      tpu.vector_store_idx %arg6[%and3A_258], %broadcast_in_dim3A_15 masked %gt3A_264 {add = true} : memref<6144xf32, #tpu.memory_space<vmem>>[vector<16xi32>], vector<16xf32>, vector<16xi1>
      tpu.vector_store_idx %arg6[%shift_right_logical3A_261], %broadcast_in_dim3A_15 masked %gt3A_267 {add = true} : memref<6144xf32, #tpu.memory_space<vmem>>[vector<16xi32>], vector<16xf32>, vector<16xi1>
      tpu.vector_store_idx %arg6[%and3A_278], %broadcast_in_dim3A_15 masked %gt3A_284 {add = true} : memref<6144xf32, #tpu.memory_space<vmem>>[vector<16xi32>], vector<16xf32>, vector<16xi1>
      tpu.vector_store_idx %arg6[%shift_right_logical3A_281], %broadcast_in_dim3A_15 masked %gt3A_287 {add = true} : memref<6144xf32, #tpu.memory_space<vmem>>[vector<16xi32>], vector<16xf32>, vector<16xi1>
      tpu.vector_store_idx %arg6[%and3A_298], %broadcast_in_dim3A_15 masked %gt3A_304 {add = true} : memref<6144xf32, #tpu.memory_space<vmem>>[vector<16xi32>], vector<16xf32>, vector<16xi1>
      tpu.vector_store_idx %arg6[%shift_right_logical3A_301], %broadcast_in_dim3A_15 masked %gt3A_307 {add = true} : memref<6144xf32, #tpu.memory_space<vmem>>[vector<16xi32>], vector<16xf32>, vector<16xi1>
      tpu.vector_store_idx %arg6[%and3A_318], %broadcast_in_dim3A_15 masked %gt3A_324 {add = true} : memref<6144xf32, #tpu.memory_space<vmem>>[vector<16xi32>], vector<16xf32>, vector<16xi1>
      tpu.vector_store_idx %arg6[%shift_right_logical3A_321], %broadcast_in_dim3A_15 masked %gt3A_327 {add = true} : memref<6144xf32, #tpu.memory_space<vmem>>[vector<16xi32>], vector<16xf32>, vector<16xi1>
      tpu.vector_store_idx %arg6[%and3A_338], %broadcast_in_dim3A_15 masked %gt3A_344 {add = true} : memref<6144xf32, #tpu.memory_space<vmem>>[vector<16xi32>], vector<16xf32>, vector<16xi1>
      tpu.vector_store_idx %arg6[%shift_right_logical3A_341], %broadcast_in_dim3A_15 masked %gt3A_347 {add = true} : memref<6144xf32, #tpu.memory_space<vmem>>[vector<16xi32>], vector<16xf32>, vector<16xi1>
      tpu.vector_store_idx %arg6[%and3A_358], %broadcast_in_dim3A_15 masked %gt3A_364 {add = true} : memref<6144xf32, #tpu.memory_space<vmem>>[vector<16xi32>], vector<16xf32>, vector<16xi1>
      tpu.vector_store_idx %arg6[%shift_right_logical3A_361], %broadcast_in_dim3A_15 masked %gt3A_367 {add = true} : memref<6144xf32, #tpu.memory_space<vmem>>[vector<16xi32>], vector<16xf32>, vector<16xi1>
      tpu.vector_store_idx %arg6[%and3A_378], %broadcast_in_dim3A_15 masked %gt3A_384 {add = true} : memref<6144xf32, #tpu.memory_space<vmem>>[vector<16xi32>], vector<16xf32>, vector<16xi1>
      tpu.vector_store_idx %arg6[%shift_right_logical3A_381], %broadcast_in_dim3A_15 masked %gt3A_387 {add = true} : memref<6144xf32, #tpu.memory_space<vmem>>[vector<16xi32>], vector<16xf32>, vector<16xi1>
      tpu.vector_store_idx %arg6[%and3A_398], %broadcast_in_dim3A_15 masked %gt3A_404 {add = true} : memref<6144xf32, #tpu.memory_space<vmem>>[vector<16xi32>], vector<16xf32>, vector<16xi1>
      tpu.vector_store_idx %arg6[%shift_right_logical3A_401], %broadcast_in_dim3A_15 masked %gt3A_407 {add = true} : memref<6144xf32, #tpu.memory_space<vmem>>[vector<16xi32>], vector<16xf32>, vector<16xi1>
      tpu.vector_store_idx %arg6[%and3A_418], %broadcast_in_dim3A_15 masked %gt3A_424 {add = true} : memref<6144xf32, #tpu.memory_space<vmem>>[vector<16xi32>], vector<16xf32>, vector<16xi1>
      tpu.vector_store_idx %arg6[%shift_right_logical3A_421], %broadcast_in_dim3A_15 masked %gt3A_427 {add = true} : memref<6144xf32, #tpu.memory_space<vmem>>[vector<16xi32>], vector<16xf32>, vector<16xi1>
      tpu.vector_store_idx %arg6[%and3A_438], %broadcast_in_dim3A_15 masked %gt3A_444 {add = true} : memref<6144xf32, #tpu.memory_space<vmem>>[vector<16xi32>], vector<16xf32>, vector<16xi1>
      tpu.vector_store_idx %arg6[%shift_right_logical3A_441], %broadcast_in_dim3A_15 masked %gt3A_447 {add = true} : memref<6144xf32, #tpu.memory_space<vmem>>[vector<16xi32>], vector<16xf32>, vector<16xi1>
      tpu.vector_store_idx %arg6[%and3A_458], %broadcast_in_dim3A_15 masked %gt3A_464 {add = true} : memref<6144xf32, #tpu.memory_space<vmem>>[vector<16xi32>], vector<16xf32>, vector<16xi1>
      tpu.vector_store_idx %arg6[%shift_right_logical3A_461], %broadcast_in_dim3A_15 masked %gt3A_467 {add = true} : memref<6144xf32, #tpu.memory_space<vmem>>[vector<16xi32>], vector<16xf32>, vector<16xi1>
      tpu.vector_store_idx %arg6[%and3A_478], %broadcast_in_dim3A_15 masked %gt3A_484 {add = true} : memref<6144xf32, #tpu.memory_space<vmem>>[vector<16xi32>], vector<16xf32>, vector<16xi1>
      tpu.vector_store_idx %arg6[%shift_right_logical3A_481], %broadcast_in_dim3A_15 masked %gt3A_487 {add = true} : memref<6144xf32, #tpu.memory_space<vmem>>[vector<16xi32>], vector<16xf32>, vector<16xi1>
      tpu.vector_store_idx %arg6[%and3A_498], %broadcast_in_dim3A_15 masked %gt3A_504 {add = true} : memref<6144xf32, #tpu.memory_space<vmem>>[vector<16xi32>], vector<16xf32>, vector<16xi1>
      tpu.vector_store_idx %arg6[%shift_right_logical3A_501], %broadcast_in_dim3A_15 masked %gt3A_507 {add = true} : memref<6144xf32, #tpu.memory_space<vmem>>[vector<16xi32>], vector<16xf32>, vector<16xi1>
      tpu.vector_store_idx %arg6[%and3A_518], %broadcast_in_dim3A_15 masked %gt3A_524 {add = true} : memref<6144xf32, #tpu.memory_space<vmem>>[vector<16xi32>], vector<16xf32>, vector<16xi1>
      tpu.vector_store_idx %arg6[%shift_right_logical3A_521], %broadcast_in_dim3A_15 masked %gt3A_527 {add = true} : memref<6144xf32, #tpu.memory_space<vmem>>[vector<16xi32>], vector<16xf32>, vector<16xi1>
      tpu.vector_store_idx %arg6[%and3A_538], %broadcast_in_dim3A_15 masked %gt3A_544 {add = true} : memref<6144xf32, #tpu.memory_space<vmem>>[vector<16xi32>], vector<16xf32>, vector<16xi1>
      tpu.vector_store_idx %arg6[%shift_right_logical3A_541], %broadcast_in_dim3A_15 masked %gt3A_547 {add = true} : memref<6144xf32, #tpu.memory_space<vmem>>[vector<16xi32>], vector<16xf32>, vector<16xi1>
      tpu.vector_store_idx %arg6[%and3A_558], %broadcast_in_dim3A_15 masked %gt3A_564 {add = true} : memref<6144xf32, #tpu.memory_space<vmem>>[vector<16xi32>], vector<16xf32>, vector<16xi1>
      tpu.vector_store_idx %arg6[%shift_right_logical3A_561], %broadcast_in_dim3A_15 masked %gt3A_567 {add = true} : memref<6144xf32, #tpu.memory_space<vmem>>[vector<16xi32>], vector<16xf32>, vector<16xi1>
      tpu.vector_store_idx %arg6[%and3A_578], %broadcast_in_dim3A_15 masked %gt3A_584 {add = true} : memref<6144xf32, #tpu.memory_space<vmem>>[vector<16xi32>], vector<16xf32>, vector<16xi1>
      tpu.vector_store_idx %arg6[%shift_right_logical3A_581], %broadcast_in_dim3A_15 masked %gt3A_587 {add = true} : memref<6144xf32, #tpu.memory_space<vmem>>[vector<16xi32>], vector<16xf32>, vector<16xi1>
      tpu.vector_store_idx %arg6[%and3A_598], %broadcast_in_dim3A_15 masked %gt3A_604 {add = true} : memref<6144xf32, #tpu.memory_space<vmem>>[vector<16xi32>], vector<16xf32>, vector<16xi1>
      tpu.vector_store_idx %arg6[%shift_right_logical3A_601], %broadcast_in_dim3A_15 masked %gt3A_607 {add = true} : memref<6144xf32, #tpu.memory_space<vmem>>[vector<16xi32>], vector<16xf32>, vector<16xi1>
      tpu.vector_store_idx %arg6[%and3A_618], %broadcast_in_dim3A_15 masked %gt3A_624 {add = true} : memref<6144xf32, #tpu.memory_space<vmem>>[vector<16xi32>], vector<16xf32>, vector<16xi1>
      tpu.vector_store_idx %arg6[%shift_right_logical3A_621], %broadcast_in_dim3A_15 masked %gt3A_627 {add = true} : memref<6144xf32, #tpu.memory_space<vmem>>[vector<16xi32>], vector<16xf32>, vector<16xi1>
      tpu.vector_store_idx %arg6[%and3A_638], %broadcast_in_dim3A_15 masked %gt3A_644 {add = true} : memref<6144xf32, #tpu.memory_space<vmem>>[vector<16xi32>], vector<16xf32>, vector<16xi1>
      tpu.vector_store_idx %arg6[%shift_right_logical3A_641], %broadcast_in_dim3A_15 masked %gt3A_647 {add = true} : memref<6144xf32, #tpu.memory_space<vmem>>[vector<16xi32>], vector<16xf32>, vector<16xi1>
      tpu.vector_store_idx %arg6[%and3A_658], %broadcast_in_dim3A_15 masked %gt3A_664 {add = true} : memref<6144xf32, #tpu.memory_space<vmem>>[vector<16xi32>], vector<16xf32>, vector<16xi1>
      tpu.vector_store_idx %arg6[%shift_right_logical3A_661], %broadcast_in_dim3A_15 masked %gt3A_667 {add = true} : memref<6144xf32, #tpu.memory_space<vmem>>[vector<16xi32>], vector<16xf32>, vector<16xi1>
    }
    %scan3A_30 = arith.constant 32 : i32
    "tpu.region"() ({
      %run_scoped3A = tpu.sem_alloc : memref<!tpu.dma_semaphore, #tpu.memory_space<semaphore_mem>>
      %dma_start3A_31 = arith.constant 0 : i32
      %dma_start3A_32 = tpu.memref_slice %arg3[%add3A, %dma_start3A_31] : memref<32x6144xf32, #tpu.memory_space<hbm>> -> memref<1x6144xf32, #tpu.memory_space<hbm>>
      %dma_start3A_33 = tpu.memref_squeeze %dma_start3A_32 : memref<1x6144xf32, #tpu.memory_space<hbm>> -> memref<6144xf32, #tpu.memory_space<hbm>>
      %dma_start3A_34 = arith.constant 0 : i32
      %dma_start3A_35 = tpu.memref_slice %arg3[%add3A, %dma_start3A_34] : memref<32x6144xf32, #tpu.memory_space<hbm>> -> memref<1x6144xf32, #tpu.memory_space<hbm>>
      %dma_start3A_36 = tpu.memref_squeeze %dma_start3A_35 : memref<1x6144xf32, #tpu.memory_space<hbm>> -> memref<6144xf32, #tpu.memory_space<hbm>>
      tpu.enqueue_dma source(%arg6 : memref<6144xf32, #tpu.memory_space<vmem>>) target(%dma_start3A_36 : memref<6144xf32, #tpu.memory_space<hbm>>) target_semaphore(%run_scoped3A : memref<!tpu.dma_semaphore, #tpu.memory_space<semaphore_mem>>)
      %dma_wait3A_37 = arith.constant 0 : i32
      %dma_wait3A_38 = tpu.memref_slice %arg3[%add3A, %dma_wait3A_37] : memref<32x6144xf32, #tpu.memory_space<hbm>> -> memref<1x6144xf32, #tpu.memory_space<hbm>>
      %dma_wait3A_39 = tpu.memref_squeeze %dma_wait3A_38 : memref<1x6144xf32, #tpu.memory_space<hbm>> -> memref<6144xf32, #tpu.memory_space<hbm>>
      %dma_wait3A_40 = arith.constant 0 : i32
      %dma_wait3A_41 = tpu.memref_slice %arg3[%add3A, %dma_wait3A_40] : memref<32x6144xf32, #tpu.memory_space<hbm>> -> memref<1x6144xf32, #tpu.memory_space<hbm>>
      %dma_wait3A_42 = tpu.memref_squeeze %dma_wait3A_41 : memref<1x6144xf32, #tpu.memory_space<hbm>> -> memref<6144xf32, #tpu.memory_space<hbm>>
      tpu.wait_dma2 semaphore(%run_scoped3A : memref<!tpu.dma_semaphore, #tpu.memory_space<semaphore_mem>>) src(%arg6 : memref<6144xf32, #tpu.memory_space<vmem>>) dst(%dma_wait3A_42 : memref<6144xf32, #tpu.memory_space<hbm>>)
      tpu.yield
    }) : () -> ()
    return
  }
}

module attributes {stable_mosaic.version = 14 : i64} {
  func.func @_bce_body(%arg0: i32, %arg1: memref<1x1024x512xf32, #tpu.memory_space<vmem>>, %arg2: memref<1x1024x512xf32, #tpu.memory_space<vmem>>, %arg3: memref<1x1024x512xf32, #tpu.memory_space<vmem>>, %arg4: memref<1x2048x128xi32, #tpu.memory_space<vmem>>, %arg5: memref<1x1x128xf32, #tpu.memory_space<vmem>>) attributes {dimension_semantics = [#tpu.dimension_semantics<arbitrary>], iteration_bounds = array<i64: 4>, scalar_prefetch = 0 : i64, scratch_operands = 0 : i64, tpu.core_type = #tpu.core_type<tc>, window_params = [{transform_indices = @transform_0, window_bounds = array<i64: 1, 1024, 512>}, {transform_indices = @transform_1, window_bounds = array<i64: 1, 1024, 512>}, {transform_indices = @transform_2, window_bounds = array<i64: 1, 1024, 512>}, {transform_indices = @transform_3, window_bounds = array<i64: 1, 2048, 128>}, {transform_indices = @transform_4, window_bounds = array<i64: 1, 1, 128>}]} {
    %get3A = arith.constant 0 : index
    %get3A_0 = arith.constant 0 : index
    %get3A_1 = arith.constant 0 : index
    %get3A_2 = vector.load %arg1[%get3A, %get3A_0, %get3A_1] : memref<1x1024x512xf32, #tpu.memory_space<vmem>>, vector<1x1024x512xf32>
    %get3A_3 = arith.constant 0 : index
    %get3A_4 = arith.constant 0 : index
    %get3A_5 = arith.constant 0 : index
    %get3A_6 = vector.load %arg2[%get3A_3, %get3A_4, %get3A_5] : memref<1x1024x512xf32, #tpu.memory_space<vmem>>, vector<1x1024x512xf32>
    %get3A_7 = arith.constant 0 : index
    %get3A_8 = arith.constant 0 : index
    %get3A_9 = arith.constant 0 : index
    %get3A_10 = vector.load %arg3[%get3A_7, %get3A_8, %get3A_9] : memref<1x1024x512xf32, #tpu.memory_space<vmem>>, vector<1x1024x512xf32>
    %sub3A = arith.constant 1.000000e+00 : f32
    %sub3A_11 = arith.constant 9.99999997E-7 : f32
    %sub3A_12 = arith.subf %sub3A, %sub3A_11 : f32
    %jit3A = arith.constant 9.99999997E-7 : f32
    %max3A = vector.broadcast %jit3A : f32 to vector<1x1024x512xf32>
    %max3A_13 = arith.maximumf %max3A, %get3A_2 : vector<1x1024x512xf32>
    %min3A = vector.broadcast %sub3A_12 : f32 to vector<1x1024x512xf32>
    %min3A_14 = arith.minimumf %min3A, %max3A_13 : vector<1x1024x512xf32>
    %gt3A = arith.constant 5.000000e-01 : f32
    %gt3A_15 = vector.broadcast %gt3A : f32 to vector<1x1024x512xf32>
    %gt3A_16 = arith.cmpf ogt, %get3A_6, %gt3A_15 : vector<1x1024x512xf32>
    %sub3A_17 = arith.constant 1.000000e+00 : f32
    %sub3A_18 = vector.broadcast %sub3A_17 : f32 to vector<1x1024x512xf32>
    %sub3A_19 = arith.subf %sub3A_18, %min3A_14 : vector<1x1024x512xf32>
    %select_n3A = arith.select %gt3A_16, %min3A_14, %sub3A_19 : vector<1x1024x512xi1>, vector<1x1024x512xf32>
    %log3A = math.log %select_n3A : vector<1x1024x512xf32>
    %neg3A = arith.constant 0.000000e+00 : f32
    %neg3A_20 = vector.broadcast %neg3A : f32 to vector<1x1024x512xf32>
    %neg3A_21 = arith.subf %neg3A_20, %log3A : vector<1x1024x512xf32>
    %mul3A = arith.mulf %get3A_6, %get3A_10 : vector<1x1024x512xf32>
    %sub3A_22 = arith.subf %get3A_10, %mul3A : vector<1x1024x512xf32>
    %mul3A_23 = arith.mulf %sub3A_22, %neg3A_21 : vector<1x1024x512xf32>
    %bitcast_convert_type3A = tpu.bitcast %mul3A_23 : vector<1x1024x512xf32> -> vector<1x1024x512xi32>
    %shift_right_logical3A = arith.constant 15 : i32
    %shift_right_logical3A_24 = vector.broadcast %shift_right_logical3A : i32 to vector<1x1024x512xi32>
    %shift_right_logical3A_25 = arith.shrui %bitcast_convert_type3A, %shift_right_logical3A_24 : vector<1x1024x512xi32>
    %sub3A_26 = arith.constant 27392 : i32
    %sub3A_27 = vector.broadcast %sub3A_26 : i32 to vector<1x1024x512xi32>
    %sub3A_28 = arith.subi %shift_right_logical3A_25, %sub3A_27 : vector<1x1024x512xi32>
    %max3A_29 = arith.constant 0 : i32
    %max3A_30 = vector.broadcast %max3A_29 : i32 to vector<1x1024x512xi32>
    %max3A_31 = arith.maxsi %sub3A_28, %max3A_30 : vector<1x1024x512xi32>
    %slice3A = vector.extract_strided_slice %max3A_31 {offsets = [0, 0, 0], sizes = [1, 1024, 128], strides = [1, 1, 1]} : vector<1x1024x512xi32> to vector<1x1024x128xi32>
    %slice3A_32 = vector.extract_strided_slice %max3A_31 {offsets = [0, 0, 128], sizes = [1, 1024, 128], strides = [1, 1, 1]} : vector<1x1024x512xi32> to vector<1x1024x128xi32>
    %shift_left3A = arith.constant 16 : i32
    %shift_left3A_33 = vector.broadcast %shift_left3A : i32 to vector<1x1024x128xi32>
    %shift_left3A_34 = arith.shli %slice3A_32, %shift_left3A_33 : vector<1x1024x128xi32>
    %or3A = arith.ori %slice3A, %shift_left3A_34 : vector<1x1024x128xi32>
    %slice3A_35 = vector.extract_strided_slice %max3A_31 {offsets = [0, 0, 256], sizes = [1, 1024, 128], strides = [1, 1, 1]} : vector<1x1024x512xi32> to vector<1x1024x128xi32>
    %slice3A_36 = vector.extract_strided_slice %max3A_31 {offsets = [0, 0, 384], sizes = [1, 1024, 128], strides = [1, 1, 1]} : vector<1x1024x512xi32> to vector<1x1024x128xi32>
    %shift_left3A_37 = arith.constant 16 : i32
    %shift_left3A_38 = vector.broadcast %shift_left3A_37 : i32 to vector<1x1024x128xi32>
    %shift_left3A_39 = arith.shli %slice3A_36, %shift_left3A_38 : vector<1x1024x128xi32>
    %or3A_40 = arith.ori %slice3A_35, %shift_left3A_39 : vector<1x1024x128xi32>
    %concatenate3A = tpu.concatenate %or3A, %or3A_40 in 1 : vector<1x1024x128xi32>, vector<1x1024x128xi32> -> vector<1x2048x128xi32>
    %swap3A = arith.constant 0 : index
    %swap3A_41 = arith.constant 0 : index
    %swap3A_42 = arith.constant 0 : index
    %swap3A_43 = vector.load %arg4[%swap3A, %swap3A_41, %swap3A_42] : memref<1x2048x128xi32, #tpu.memory_space<vmem>>, vector<1x2048x128xi32>
    tpu.vector_store %arg4[%swap3A, %swap3A_41, %swap3A_42], %concatenate3A {strides = array<i32>} : memref<1x2048x128xi32, #tpu.memory_space<vmem>>, vector<1x2048x128xi32>,
    %mul3A_44 = arith.mulf %mul3A, %neg3A_21 : vector<1x1024x512xf32>
    %reduce_sum3A = vector.shape_cast %mul3A_44 : vector<1x1024x512xf32> to vector<1x1x1024x512xf32>
    %reduce_sum3A_45 = arith.constant dense<0.000000e+00> : vector<1xf32>
    %reduce_sum3A_46 = vector.multi_reduction <add>, %reduce_sum3A, %reduce_sum3A_45 [1, 2, 3] : vector<1x1x1024x512xf32> to vector<1xf32>
    %reduce_sum3A_47 = vector.shape_cast %reduce_sum3A_46 : vector<1xf32> to vector<1x1x1x1xf32>
    %reduce_sum3A_48 = vector.extract %reduce_sum3A_47[0, 0, 0, 0] : f32 from vector<1x1x1x1xf32>
    %reduce_sum3A_49 = vector.shape_cast %mul3A : vector<1x1024x512xf32> to vector<1x1x1024x512xf32>
    %reduce_sum3A_50 = arith.constant dense<0.000000e+00> : vector<1xf32>
    %reduce_sum3A_51 = vector.multi_reduction <add>, %reduce_sum3A_49, %reduce_sum3A_50 [1, 2, 3] : vector<1x1x1024x512xf32> to vector<1xf32>
    %reduce_sum3A_52 = vector.shape_cast %reduce_sum3A_51 : vector<1xf32> to vector<1x1x1x1xf32>
    %reduce_sum3A_53 = vector.extract %reduce_sum3A_52[0, 0, 0, 0] : f32 from vector<1x1x1x1xf32>
    %reduce_sum3A_54 = vector.shape_cast %get3A_10 : vector<1x1024x512xf32> to vector<1x1x1024x512xf32>
    %reduce_sum3A_55 = arith.constant dense<0.000000e+00> : vector<1xf32>
    %reduce_sum3A_56 = vector.multi_reduction <add>, %reduce_sum3A_54, %reduce_sum3A_55 [1, 2, 3] : vector<1x1x1024x512xf32> to vector<1xf32>
    %reduce_sum3A_57 = vector.shape_cast %reduce_sum3A_56 : vector<1xf32> to vector<1x1x1x1xf32>
    %reduce_sum3A_58 = vector.extract %reduce_sum3A_57[0, 0, 0, 0] : f32 from vector<1x1x1x1xf32>
    %sub3A_59 = arith.subf %reduce_sum3A_58, %reduce_sum3A_53 : f32
    %iota3A = tpu.iota {dimensions = array<i32: 2>} : vector<1x1x128xi32>
    %eq3A = arith.constant 0 : i32
    %eq3A_60 = vector.broadcast %eq3A : i32 to vector<1x1x128xi32>
    %eq3A_61 = arith.cmpi eq, %iota3A, %eq3A_60 : vector<1x1x128xi32>
    %jit3A_62 = arith.constant 0.000000e+00 : f32
    %broadcast_in_dim3A = vector.broadcast %reduce_sum3A_48 : f32 to vector<1x1x128xf32>
    %broadcast_in_dim3A_63 = vector.broadcast %jit3A_62 : f32 to vector<1x1x128xf32>
    %select_n3A_64 = arith.select %eq3A_61, %broadcast_in_dim3A, %broadcast_in_dim3A_63 : vector<1x1x128xi1>, vector<1x1x128xf32>
    %eq3A_65 = arith.constant 1 : i32
    %eq3A_66 = vector.broadcast %eq3A_65 : i32 to vector<1x1x128xi32>
    %eq3A_67 = arith.cmpi eq, %iota3A, %eq3A_66 : vector<1x1x128xi32>
    %jit3A_68 = arith.constant 0.000000e+00 : f32
    %broadcast_in_dim3A_69 = vector.broadcast %reduce_sum3A_53 : f32 to vector<1x1x128xf32>
    %broadcast_in_dim3A_70 = vector.broadcast %jit3A_68 : f32 to vector<1x1x128xf32>
    %select_n3A_71 = arith.select %eq3A_67, %broadcast_in_dim3A_69, %broadcast_in_dim3A_70 : vector<1x1x128xi1>, vector<1x1x128xf32>
    %add3A = arith.addf %select_n3A_64, %select_n3A_71 : vector<1x1x128xf32>
    %eq3A_72 = arith.constant 2 : i32
    %eq3A_73 = vector.broadcast %eq3A_72 : i32 to vector<1x1x128xi32>
    %eq3A_74 = arith.cmpi eq, %iota3A, %eq3A_73 : vector<1x1x128xi32>
    %jit3A_75 = arith.constant 0.000000e+00 : f32
    %broadcast_in_dim3A_76 = vector.broadcast %sub3A_59 : f32 to vector<1x1x128xf32>
    %broadcast_in_dim3A_77 = vector.broadcast %jit3A_75 : f32 to vector<1x1x128xf32>
    %select_n3A_78 = arith.select %eq3A_74, %broadcast_in_dim3A_76, %broadcast_in_dim3A_77 : vector<1x1x128xi1>, vector<1x1x128xf32>
    %add3A_79 = arith.addf %add3A, %select_n3A_78 : vector<1x1x128xf32>
    %swap3A_80 = arith.constant 0 : index
    %swap3A_81 = arith.constant 0 : index
    %swap3A_82 = arith.constant 0 : index
    %swap3A_83 = vector.load %arg5[%swap3A_80, %swap3A_81, %swap3A_82] : memref<1x1x128xf32, #tpu.memory_space<vmem>>, vector<1x1x128xf32>
    tpu.vector_store %arg5[%swap3A_80, %swap3A_81, %swap3A_82], %add3A_79 {strides = array<i32>} : memref<1x1x128xf32, #tpu.memory_space<vmem>>, vector<1x1x128xf32>,
    return
  }
  func.func @transform_0(%arg0: i32) -> (i32, i32, i32) {
    %c0_i32 = arith.constant 0 : i32
    %c0_i32_0 = arith.constant 0 : i32
    %c0_i32_1 = arith.constant 0 : i32
    return %arg0, %c0_i32, %c0_i32_0 : i32, i32, i32
  }
  func.func @transform_1(%arg0: i32) -> (i32, i32, i32) {
    %c0_i32 = arith.constant 0 : i32
    %c0_i32_0 = arith.constant 0 : i32
    %c0_i32_1 = arith.constant 0 : i32
    return %arg0, %c0_i32, %c0_i32_0 : i32, i32, i32
  }
  func.func @transform_2(%arg0: i32) -> (i32, i32, i32) {
    %c0_i32 = arith.constant 0 : i32
    %c0_i32_0 = arith.constant 0 : i32
    %c0_i32_1 = arith.constant 0 : i32
    return %arg0, %c0_i32, %c0_i32_0 : i32, i32, i32
  }
  func.func @transform_3(%arg0: i32) -> (i32, i32, i32) {
    %c0_i32 = arith.constant 0 : i32
    %c0_i32_0 = arith.constant 0 : i32
    %c0_i32_1 = arith.constant 0 : i32
    return %arg0, %c0_i32, %c0_i32_0 : i32, i32, i32
  }
  func.func @transform_4(%arg0: i32) -> (i32, i32, i32) {
    %c0_i32 = arith.constant 0 : i32
    %c0_i32_0 = arith.constant 0 : i32
    %c0_i32_1 = arith.constant 0 : i32
    return %arg0, %c0_i32, %c0_i32_0 : i32, i32, i32
  }
}

module attributes {stable_mosaic.version = 14 : i64} {
  func.func @_select_body(%arg0: memref<4x8x6144xf32, #tpu.memory_space<vmem>>, %arg1: memref<4x1x128xf32, #tpu.memory_space<vmem>>, %arg2: memref<1x128xf32, #tpu.memory_space<vmem>>) attributes {dimension_semantics = [], scalar_prefetch = 0 : i64, scratch_operands = 0 : i64, tpu.core_type = #tpu.core_type<tc>} {
    %get3A = arith.constant 0 : index
    %get3A_0 = arith.constant 0 : index
    %get3A_1 = arith.constant 0 : index
    %get3A_2 = vector.load %arg0[%get3A, %get3A_0, %get3A_1] : memref<4x8x6144xf32, #tpu.memory_space<vmem>>, vector<4x8x6144xf32>
    %reduce_sum3A = arith.constant dense<0.000000e+00> : vector<8x6144xf32>
    %reduce_sum3A_3 = vector.multi_reduction <add>, %get3A_2, %reduce_sum3A [0] : vector<4x8x6144xf32> to vector<8x6144xf32>
    %iota3A = tpu.iota {dimensions = array<i32: 2>} : vector<4x1x128xi32>
    %get3A_4 = arith.constant 0 : index
    %get3A_5 = arith.constant 0 : index
    %get3A_6 = arith.constant 0 : index
    %get3A_7 = vector.load %arg1[%get3A_4, %get3A_5, %get3A_6] : memref<4x1x128xf32, #tpu.memory_space<vmem>>, vector<4x1x128xf32>
    %eq3A = arith.constant 0 : i32
    %eq3A_8 = vector.broadcast %eq3A : i32 to vector<4x1x128xi32>
    %eq3A_9 = arith.cmpi eq, %iota3A, %eq3A_8 : vector<4x1x128xi32>
    %jit3A = arith.constant 0.000000e+00 : f32
    %broadcast_in_dim3A = vector.broadcast %jit3A : f32 to vector<4x1x128xf32>
    %select_n3A = arith.select %eq3A_9, %get3A_7, %broadcast_in_dim3A : vector<4x1x128xi1>, vector<4x1x128xf32>
    %reduce_sum3A_10 = vector.shape_cast %select_n3A : vector<4x1x128xf32> to vector<1x4x1x128xf32>
    %reduce_sum3A_11 = arith.constant dense<0.000000e+00> : vector<1xf32>
    %reduce_sum3A_12 = vector.multi_reduction <add>, %reduce_sum3A_10, %reduce_sum3A_11 [1, 2, 3] : vector<1x4x1x128xf32> to vector<1xf32>
    %reduce_sum3A_13 = vector.shape_cast %reduce_sum3A_12 : vector<1xf32> to vector<1x1x1x1xf32>
    %reduce_sum3A_14 = vector.extract %reduce_sum3A_13[0, 0, 0, 0] : f32 from vector<1x1x1x1xf32>
    %eq3A_15 = arith.constant 1 : i32
    %eq3A_16 = vector.broadcast %eq3A_15 : i32 to vector<4x1x128xi32>
    %eq3A_17 = arith.cmpi eq, %iota3A, %eq3A_16 : vector<4x1x128xi32>
    %jit3A_18 = arith.constant 0.000000e+00 : f32
    %broadcast_in_dim3A_19 = vector.broadcast %jit3A_18 : f32 to vector<4x1x128xf32>
    %select_n3A_20 = arith.select %eq3A_17, %get3A_7, %broadcast_in_dim3A_19 : vector<4x1x128xi1>, vector<4x1x128xf32>
    %reduce_sum3A_21 = vector.shape_cast %select_n3A_20 : vector<4x1x128xf32> to vector<1x4x1x128xf32>
    %reduce_sum3A_22 = arith.constant dense<0.000000e+00> : vector<1xf32>
    %reduce_sum3A_23 = vector.multi_reduction <add>, %reduce_sum3A_21, %reduce_sum3A_22 [1, 2, 3] : vector<1x4x1x128xf32> to vector<1xf32>
    %reduce_sum3A_24 = vector.shape_cast %reduce_sum3A_23 : vector<1xf32> to vector<1x1x1x1xf32>
    %reduce_sum3A_25 = vector.extract %reduce_sum3A_24[0, 0, 0, 0] : f32 from vector<1x1x1x1xf32>
    %eq3A_26 = arith.constant 2 : i32
    %eq3A_27 = vector.broadcast %eq3A_26 : i32 to vector<4x1x128xi32>
    %eq3A_28 = arith.cmpi eq, %iota3A, %eq3A_27 : vector<4x1x128xi32>
    %jit3A_29 = arith.constant 0.000000e+00 : f32
    %broadcast_in_dim3A_30 = vector.broadcast %jit3A_29 : f32 to vector<4x1x128xf32>
    %select_n3A_31 = arith.select %eq3A_28, %get3A_7, %broadcast_in_dim3A_30 : vector<4x1x128xi1>, vector<4x1x128xf32>
    %reduce_sum3A_32 = vector.shape_cast %select_n3A_31 : vector<4x1x128xf32> to vector<1x4x1x128xf32>
    %reduce_sum3A_33 = arith.constant dense<0.000000e+00> : vector<1xf32>
    %reduce_sum3A_34 = vector.multi_reduction <add>, %reduce_sum3A_32, %reduce_sum3A_33 [1, 2, 3] : vector<1x4x1x128xf32> to vector<1xf32>
    %reduce_sum3A_35 = vector.shape_cast %reduce_sum3A_34 : vector<1xf32> to vector<1x1x1x1xf32>
    %reduce_sum3A_36 = vector.extract %reduce_sum3A_35[0, 0, 0, 0] : f32 from vector<1x1x1x1xf32>
    %mul3A = arith.constant 3.000000e+00 : f32
    %mul3A_37 = arith.mulf %reduce_sum3A_25, %mul3A : f32
    %min3A = arith.minimumf %reduce_sum3A_36, %mul3A_37 : f32
    %iota3A_38 = tpu.iota {dimensions = array<i32: 1>} : vector<8x6144xi32>
    %add3A = arith.constant 27392 : i32
    %add3A_39 = vector.broadcast %add3A : i32 to vector<8x6144xi32>
    %add3A_40 = arith.addi %iota3A_38, %add3A_39 : vector<8x6144xi32>
    %shift_right_arithmetic3A = arith.constant 8 : i32
    %shift_right_arithmetic3A_41 = vector.broadcast %shift_right_arithmetic3A : i32 to vector<8x6144xi32>
    %shift_right_arithmetic3A_42 = arith.shrsi %add3A_40, %shift_right_arithmetic3A_41 : vector<8x6144xi32>
    %sub3A = arith.constant 23 : i32
    %sub3A_43 = vector.broadcast %sub3A : i32 to vector<8x6144xi32>
    %sub3A_44 = arith.subi %shift_right_arithmetic3A_42, %sub3A_43 : vector<8x6144xi32>
    %shift_left3A = arith.constant 23 : i32
    %shift_left3A_45 = vector.broadcast %shift_left3A : i32 to vector<8x6144xi32>
    %shift_left3A_46 = arith.shli %sub3A_44, %shift_left3A_45 : vector<8x6144xi32>
    %bitcast_convert_type3A = tpu.bitcast %shift_left3A_46 : vector<8x6144xi32> -> vector<8x6144xf32>
    %and3A = arith.constant 255 : i32
    %and3A_47 = vector.broadcast %and3A : i32 to vector<8x6144xi32>
    %and3A_48 = arith.andi %add3A_40, %and3A_47 : vector<8x6144xi32>
    %shift_left3A_49 = arith.constant 15 : i32
    %shift_left3A_50 = vector.broadcast %shift_left3A_49 : i32 to vector<8x6144xi32>
    %shift_left3A_51 = arith.shli %and3A_48, %shift_left3A_50 : vector<8x6144xi32>
    %convert_element_type3A = arith.sitofp %shift_left3A_51 : vector<8x6144xi32> to vector<8x6144xf32>
    %add3A_52 = arith.constant 0x4B004000 : f32
    %add3A_53 = vector.broadcast %add3A_52 : f32 to vector<8x6144xf32>
    %add3A_54 = arith.addf %add3A_53, %convert_element_type3A : vector<8x6144xf32>
    %mul3A_55 = arith.mulf %bitcast_convert_type3A, %add3A_54 : vector<8x6144xf32>
    %mul3A_56 = arith.mulf %reduce_sum3A_3, %mul3A_55 : vector<8x6144xf32>
    %scan3A = arith.constant 0 : i32
    %scan3A_57 = arith.constant 6144 : i32
    %scan3A_58 = arith.constant 0 : i32
    %scan3A_59 = arith.constant 13 : i32
    %scan3A_60 = arith.addi %scan3A_58, %scan3A_59 : i32
    %scan3A_61 = arith.constant 1 : i32
    %scan3A_62:2 = scf.for %scan3A_126 = %scan3A_58 to %scan3A_60 step %scan3A_61 iter_args(%scan3A_127 = %scan3A, %scan3A_128 = %scan3A_57) -> (i32, i32)  : i32 {
      %add3A_129 = arith.addi %scan3A_127, %scan3A_128 : i32
      %jit3A_130 = arith.constant 2 : i32
      %div3A_131 = arith.divsi %add3A_129, %jit3A_130 : i32
      %sign3A = arith.constant 0 : i32
      %sign3A_132 = arith.cmpi sgt, %add3A_129, %sign3A : i32
      %sign3A_133 = arith.extui %sign3A_132 : i1 to i32
      %sign3A_134 = arith.constant 0 : i32
      %sign3A_135 = arith.cmpi slt, %add3A_129, %sign3A_134 : i32
      %sign3A_136 = arith.extui %sign3A_135 : i1 to i32
      %sign3A_137 = arith.subi %sign3A_133, %sign3A_136 : i32
      %sign3A_138 = arith.constant 0 : i32
      %sign3A_139 = arith.cmpi sgt, %jit3A_130, %sign3A_138 : i32
      %sign3A_140 = arith.extui %sign3A_139 : i1 to i32
      %sign3A_141 = arith.constant 0 : i32
      %sign3A_142 = arith.cmpi slt, %jit3A_130, %sign3A_141 : i32
      %sign3A_143 = arith.extui %sign3A_142 : i1 to i32
      %sign3A_144 = arith.subi %sign3A_140, %sign3A_143 : i32
      %ne3A = arith.cmpi ne, %sign3A_137, %sign3A_144 : i32
      %rem3A = arith.remsi %add3A_129, %jit3A_130 : i32
      %ne3A_145 = arith.constant 0 : i32
      %ne3A_146 = arith.cmpi ne, %rem3A, %ne3A_145 : i32
      %and3A_147 = arith.andi %ne3A, %ne3A_146 : i1
      %sub3A_148 = arith.constant 1 : i32
      %sub3A_149 = arith.subi %div3A_131, %sub3A_148 : i32
      %select_n3A_150 = arith.select %and3A_147, %sub3A_149, %div3A_131 : i32
      %ge3A_151 = vector.broadcast %select_n3A_150 : i32 to vector<8x6144xi32>
      %ge3A_152 = arith.cmpi sge, %iota3A_38, %ge3A_151 : vector<8x6144xi32>
      %jit3A_153 = arith.constant 0.000000e+00 : f32
      %broadcast_in_dim3A_154 = vector.broadcast %jit3A_153 : f32 to vector<8x6144xf32>
      %select_n3A_155 = arith.select %ge3A_152, %reduce_sum3A_3, %broadcast_in_dim3A_154 : vector<8x6144xi1>, vector<8x6144xf32>
      %reduce_sum3A_156 = vector.shape_cast %select_n3A_155 : vector<8x6144xf32> to vector<1x8x6144xf32>
      %reduce_sum3A_157 = arith.constant dense<0.000000e+00> : vector<1xf32>
      %reduce_sum3A_158 = vector.multi_reduction <add>, %reduce_sum3A_156, %reduce_sum3A_157 [1, 2] : vector<1x8x6144xf32> to vector<1xf32>
      %reduce_sum3A_159 = vector.shape_cast %reduce_sum3A_158 : vector<1xf32> to vector<1x1x1xf32>
      %reduce_sum3A_160 = vector.extract %reduce_sum3A_159[0, 0, 0] : f32 from vector<1x1x1xf32>
      %ge3A_161 = arith.cmpf oge, %reduce_sum3A_160, %min3A : f32
      %select_n3A_162 = arith.select %ge3A_161, %select_n3A_150, %scan3A_127 : i32
      %select_n3A_163 = arith.select %ge3A_161, %scan3A_128, %select_n3A_150 : i32
      scf.yield %select_n3A_162, %select_n3A_163 : i32, i32
    }
    %ge3A = vector.broadcast %scan3A_62#1 : i32 to vector<8x6144xi32>
    %ge3A_63 = arith.cmpi sge, %iota3A_38, %ge3A : vector<8x6144xi32>
    %jit3A_64 = arith.constant 0.000000e+00 : f32
    %broadcast_in_dim3A_65 = vector.broadcast %jit3A_64 : f32 to vector<8x6144xf32>
    %select_n3A_66 = arith.select %ge3A_63, %reduce_sum3A_3, %broadcast_in_dim3A_65 : vector<8x6144xi1>, vector<8x6144xf32>
    %reduce_sum3A_67 = vector.shape_cast %select_n3A_66 : vector<8x6144xf32> to vector<1x8x6144xf32>
    %reduce_sum3A_68 = arith.constant dense<0.000000e+00> : vector<1xf32>
    %reduce_sum3A_69 = vector.multi_reduction <add>, %reduce_sum3A_67, %reduce_sum3A_68 [1, 2] : vector<1x8x6144xf32> to vector<1xf32>
    %reduce_sum3A_70 = vector.shape_cast %reduce_sum3A_69 : vector<1xf32> to vector<1x1x1xf32>
    %reduce_sum3A_71 = vector.extract %reduce_sum3A_70[0, 0, 0] : f32 from vector<1x1x1xf32>
    %ge3A_72 = vector.broadcast %scan3A_62#1 : i32 to vector<8x6144xi32>
    %ge3A_73 = arith.cmpi sge, %iota3A_38, %ge3A_72 : vector<8x6144xi32>
    %jit3A_74 = arith.constant 0.000000e+00 : f32
    %broadcast_in_dim3A_75 = vector.broadcast %jit3A_74 : f32 to vector<8x6144xf32>
    %select_n3A_76 = arith.select %ge3A_73, %mul3A_56, %broadcast_in_dim3A_75 : vector<8x6144xi1>, vector<8x6144xf32>
    %reduce_sum3A_77 = vector.shape_cast %select_n3A_76 : vector<8x6144xf32> to vector<1x8x6144xf32>
    %reduce_sum3A_78 = arith.constant dense<0.000000e+00> : vector<1xf32>
    %reduce_sum3A_79 = vector.multi_reduction <add>, %reduce_sum3A_77, %reduce_sum3A_78 [1, 2] : vector<1x8x6144xf32> to vector<1xf32>
    %reduce_sum3A_80 = vector.shape_cast %reduce_sum3A_79 : vector<1xf32> to vector<1x1x1xf32>
    %reduce_sum3A_81 = vector.extract %reduce_sum3A_80[0, 0, 0] : f32 from vector<1x1x1xf32>
    %eq3A_82 = vector.broadcast %scan3A_62#0 : i32 to vector<8x6144xi32>
    %eq3A_83 = arith.cmpi eq, %iota3A_38, %eq3A_82 : vector<8x6144xi32>
    %jit3A_84 = arith.constant 0.000000e+00 : f32
    %broadcast_in_dim3A_85 = vector.broadcast %jit3A_84 : f32 to vector<8x6144xf32>
    %select_n3A_86 = arith.select %eq3A_83, %reduce_sum3A_3, %broadcast_in_dim3A_85 : vector<8x6144xi1>, vector<8x6144xf32>
    %reduce_sum3A_87 = vector.shape_cast %select_n3A_86 : vector<8x6144xf32> to vector<1x8x6144xf32>
    %reduce_sum3A_88 = arith.constant dense<0.000000e+00> : vector<1xf32>
    %reduce_sum3A_89 = vector.multi_reduction <add>, %reduce_sum3A_87, %reduce_sum3A_88 [1, 2] : vector<1x8x6144xf32> to vector<1xf32>
    %reduce_sum3A_90 = vector.shape_cast %reduce_sum3A_89 : vector<1xf32> to vector<1x1x1xf32>
    %reduce_sum3A_91 = vector.extract %reduce_sum3A_90[0, 0, 0] : f32 from vector<1x1x1xf32>
    %eq3A_92 = vector.broadcast %scan3A_62#0 : i32 to vector<8x6144xi32>
    %eq3A_93 = arith.cmpi eq, %iota3A_38, %eq3A_92 : vector<8x6144xi32>
    %jit3A_94 = arith.constant 0.000000e+00 : f32
    %broadcast_in_dim3A_95 = vector.broadcast %jit3A_94 : f32 to vector<8x6144xf32>
    %select_n3A_96 = arith.select %eq3A_93, %mul3A_56, %broadcast_in_dim3A_95 : vector<8x6144xi1>, vector<8x6144xf32>
    %reduce_sum3A_97 = vector.shape_cast %select_n3A_96 : vector<8x6144xf32> to vector<1x8x6144xf32>
    %reduce_sum3A_98 = arith.constant dense<0.000000e+00> : vector<1xf32>
    %reduce_sum3A_99 = vector.multi_reduction <add>, %reduce_sum3A_97, %reduce_sum3A_98 [1, 2] : vector<1x8x6144xf32> to vector<1xf32>
    %reduce_sum3A_100 = vector.shape_cast %reduce_sum3A_99 : vector<1xf32> to vector<1x1x1xf32>
    %reduce_sum3A_101 = vector.extract %reduce_sum3A_100[0, 0, 0] : f32 from vector<1x1x1xf32>
    %sub3A_102 = arith.subf %min3A, %reduce_sum3A_71 : f32
    %mul3A_103 = arith.mulf %sub3A_102, %reduce_sum3A_101 : f32
    %max3A = arith.constant 1.000000e+00 : f32
    %max3A_104 = arith.maximumf %reduce_sum3A_91, %max3A : f32
    %div3A = arith.divf %mul3A_103, %max3A_104 : f32
    %add3A_105 = arith.addf %reduce_sum3A_81, %div3A : f32
    %gt3A = arith.constant 0.000000e+00 : f32
    %gt3A_106 = arith.cmpf ogt, %min3A, %gt3A : f32
    %add3A_107 = arith.addf %reduce_sum3A_14, %add3A_105 : f32
    %add3A_108 = arith.addf %reduce_sum3A_25, %min3A : f32
    %add3A_109 = arith.constant 9.99999997E-7 : f32
    %add3A_110 = arith.addf %add3A_108, %add3A_109 : f32
    %div3A_111 = arith.divf %add3A_107, %add3A_110 : f32
    %add3A_112 = arith.constant 9.99999997E-7 : f32
    %add3A_113 = arith.addf %reduce_sum3A_25, %add3A_112 : f32
    %div3A_114 = arith.divf %reduce_sum3A_14, %add3A_113 : f32
    %select_n3A_115 = arith.select %gt3A_106, %div3A_111, %div3A_114 : f32
    %iota3A_116 = tpu.iota {dimensions = array<i32: 1>} : vector<1x128xi32>
    %eq3A_117 = arith.constant 0 : i32
    %eq3A_118 = vector.broadcast %eq3A_117 : i32 to vector<1x128xi32>
    %eq3A_119 = arith.cmpi eq, %iota3A_116, %eq3A_118 : vector<1x128xi32>
    %jit3A_120 = arith.constant 0.000000e+00 : f32
    %broadcast_in_dim3A_121 = vector.broadcast %select_n3A_115 : f32 to vector<1x128xf32>
    %broadcast_in_dim3A_122 = vector.broadcast %jit3A_120 : f32 to vector<1x128xf32>
    %select_n3A_123 = arith.select %eq3A_119, %broadcast_in_dim3A_121, %broadcast_in_dim3A_122 : vector<1x128xi1>, vector<1x128xf32>
    %swap3A = arith.constant 0 : index
    %swap3A_124 = arith.constant 0 : index
    %swap3A_125 = vector.load %arg2[%swap3A, %swap3A_124] : memref<1x128xf32, #tpu.memory_space<vmem>>, vector<1x128xf32>
    tpu.vector_store %arg2[%swap3A, %swap3A_124], %select_n3A_123 {strides = array<i32>} : memref<1x128xf32, #tpu.memory_space<vmem>>, vector<1x128xf32>,
    return
  }
}

</mosaic_0001>

<sc_bundles>
// kernel: kernel.5.cloned.1.call-start
scs
__scs_entry_jumppad:
0x0: {  	(pc) =	sbr.rel $0x88, $3  }
0x1: {  	(tag) =	ssettag $0x0;
	lr =	simm.s32 $0x1  }
0x2: {  	[smem:$0x3F9E] =	sst lr;
	_ =	strace $0xD0000000  }
0x3: {  	_ = 	snop  }
0x4: {  	_ = 	snop  }
0x5: {  	_ = 	snop  }
0x6: {  	_ = 	snop  }
0x7: {  	_ = 	snop  }
__scs_overlays_trampoline_lowered:
0x8: {  	[smem:$0x3FAD] =	sst s0  }
0x9: {  	[smem:$0x3FAE] =	sst s1  }
0xa: {  	[smem:$0x3FAF] =	sst s2  }
0xb: {  	[smem:$0x3FB0] =	sst s3  }
0xc: {  	[smem:$0x3FB1] =	sst s4  }
0xd: {  	[smem:$0x3FB2] =	sst s5  }
0xe: {  	[smem:$0x3FB3] =	sst s6  }
0xf: {  	[smem:$0x3FB4] =	sst s7  }
0x10: {  	[smem:$0x3FB5] =	sst s8  }
0x11: {  	[smem:$0x3FB6] =	sst s9;
	s0 =	simm.s32 @!p0 $0x0  }
0x12: {  	s1 =	sld [smem:$0x3F9C];
	s0 =	simm.s32 @p0 $0x1  }
0x13: {  	[smem:$0x3FB7] =	sst s0;
	s0 =	simm.s32 @!p1 $0x0  }
0x14: {  	s2 =	sld [smem:$0x3F9B];
	s0 =	simm.s32 @p1 $0x1  }
0x15: {  	[smem:$0x3FB8] =	sst s0;
	s0 =	simm.s32 @!p2 $0x0  }
0x16: {  	s3 =	sld [smem:$0x3FDB];
	s0 =	simm.s32 @p2 $0x1  }
0x17: {  	s4 =	simm.s32 $0x1BF5;
	[smem:$0x3FBA] =	sst s0  }
0x18: {  	s0 =	sld [smem:$0x3F9D];
	_ =	swait.ge [sflag:s4], $0x0  }
0x19: {  	s7 =	sld [smem:$0x3F9E]  }
0x1a: {  	s8 =	sadd.s32 $0xFFFFE003, lr  }
0x1b: {  	s9 =	sadd.s32 $0xFFFFFEF7, lr;
	s5 =	simm.s32 $0xFFFFFFFF;
	p2 =	slt.u32 s8, $0xFFFFF086  }
0x1c: {  	p1 =	slt.u32 s9, $0xF7A;
	s5 =	simm.s32 @!p2 $0x0  }
0x1d: {  	s5 =	simm.s32 @p1 $0x1;
	p0 =	seq.s32 s7, s2  }
0x1e: {  	s7 =	smul.u32 @!p0 $0xF7A, s2;
	p2 =	seq.s32 @!p0 s5, $0x0  }
0x1f: {  	s9 =	smul.u32 $0xF7A, s1;
	s8 =	simm.s32 @!p0 $0x1BF5;
	p2 =	por !p2, p0  }
0x20: {  	[sflag:s8] =	ssyncset.s32 @!p0 $0xFFFFF086;
	s6 =	sadd.s32 @!p0 s3, s7;
	s7 =	simm.s32 @!p0 $0x108  }
0x21: {  	s3 =	sadd.s32 s3, s9;
	s6 =	sadd.s32 @!p0 $0x88, s6;
	s7 =	simm.s32 @p2 $0x1082  }
0x22: {  	[simem:s7], [sflag:s8] =	dma.local @!p0 [hbm:s6], $0xF7A  }
0x23: {  	s9 =	sor.u32 $0xD0000000, s2;
	s6 =	simm.s32 $0x108;
	_ =	swait.ge @!p0 [sflag:s8], $0x0  }
0x24: {  	s3 =	sadd.s32 $0x88, s3;
	s6 =	simm.s32 @!p1 $0x1082;
	[sflag:s4] =	ssyncset.s32 $0xFFFFF086  }
0x25: {  	[simem:s6], [sflag:s4] =	dma.local [hbm:s3], $0xF7A  }
0x26: {  	[smem:$0x3F9E] =	sst s1;
	(tag) =	ssettag s2;
	_ =	strace s9  }
0x27: {  	s1 =	sld [smem:$0x3FAE]  }
0x28: {  	s2 =	sld [smem:$0x3FAF]  }
0x29: {  	s4 =	sld [smem:$0x3FB1]  }
0x2a: {  	p0 =	seq.s32 s5, $0x0;
	s5 =	sld [smem:$0x3FB2]  }
0x2b: {  	s6 =	sld [smem:$0x3FB3]  }
0x2c: {  	s7 =	sld [smem:$0x3FB4]  }
0x2d: {  	s3 =	simm.s32 $0x108;
	s8 =	sld [smem:$0x3FB5]  }
0x2e: {  	s3 =	simm.s32 @!p0 $0x1082;
	s9 =	sld [smem:$0x3FB6]  }
0x2f: {  	lr =	sadd.s32 s0, s3;
	s0 =	sld [smem:$0x3FAD]  }
0x30: {  	s3 =	sld [smem:$0x3FB0]  }
0x31: {  	[smem:$0x3FB9] =	sst s10  }
0x32: {  	s10 =	sld [smem:$0x3FB7];
	_ =	sdelay $0x3  }
0x33: {  	p0 =	seq.s32 s10, $0x1;
	s10 =	sld [smem:$0x3FB9];
	_ =	sdelay $0x3  }
0x34: {  	[smem:$0x3FB9] =	sst s10  }
0x35: {  	s10 =	sld [smem:$0x3FB8];
	_ =	sdelay $0x3  }
0x36: {  	p1 =	seq.s32 s10, $0x1;
	s10 =	sld [smem:$0x3FB9];
	_ =	sdelay $0x3  }
0x37: {  	[smem:$0x3FB9] =	sst s10  }
0x38: {  	s10 =	sld [smem:$0x3FBA]  }
0x39: {  	_ = 	snop;
	(pc) =	sbr.ind lr, $3  }
0x3a: {  	_ = 	snop  }
0x3b: {  	_ = 	snop  }
0x3c: {  	p2 =	seq.s32 s10, $0x1;
	s10 =	sld [smem:$0x3FB9]  }
0x3d: {  	_ =	shalt  }
0x3e: {  	_ =	shalt  }
0x3f: {  	_ =	shalt  }
0x40: {  	_ =	shalt  }
0x41: {  	_ =	shalt  }
0x42: {  	_ =	shalt  }
0x43: {  	_ =	shalt  }
0x44: {  	_ =	shalt  }
0x45: {  	_ =	shalt  }
0x46: {  	_ =	shalt  }
0x47: {  	_ =	shalt  }
0x48: {  	_ =	shalt  }
0x49: {  	_ =	shalt  }
0x4a: {  	_ =	shalt  }
0x4b: {  	_ =	shalt  }
0x4c: {  	_ =	shalt  }
0x4d: {  	_ =	shalt  }
0x4e: {  	_ =	shalt  }
0x4f: {  	_ =	shalt  }
0x50: {  	_ =	shalt  }
0x51: {  	_ =	shalt  }
0x52: {  	_ =	shalt  }
0x53: {  	_ =	shalt  }
0x54: {  	_ =	shalt  }
0x55: {  	_ =	shalt  }
0x56: {  	_ =	shalt  }
0x57: {  	_ =	shalt  }
0x58: {  	_ =	shalt  }
0x59: {  	_ =	shalt  }
0x5a: {  	_ =	shalt  }
0x5b: {  	_ =	shalt  }
0x5c: {  	_ =	shalt  }
0x5d: {  	_ =	shalt  }
0x5e: {  	_ =	shalt  }
0x5f: {  	_ =	shalt  }
0x60: {  	_ =	shalt  }
0x61: {  	_ =	shalt  }
0x62: {  	_ =	shalt  }
0x63: {  	_ =	shalt  }
0x64: {  	_ =	shalt  }
0x65: {  	_ =	shalt  }
0x66: {  	_ =	shalt  }
0x67: {  	_ =	shalt  }
0x68: {  	_ =	shalt  }
0x69: {  	_ =	shalt  }
0x6a: {  	_ =	shalt  }
0x6b: {  	_ =	shalt  }
0x6c: {  	_ =	shalt  }
0x6d: {  	_ =	shalt  }
0x6e: {  	_ =	shalt  }
0x6f: {  	_ =	shalt  }
0x70: {  	_ =	shalt  }
0x71: {  	_ =	shalt  }
0x72: {  	_ =	shalt  }
0x73: {  	_ =	shalt  }
0x74: {  	_ =	shalt  }
0x75: {  	_ =	shalt  }
0x76: {  	_ =	shalt  }
0x77: {  	_ =	shalt  }
0x78: {  	_ =	shalt  }
0x79: {  	_ =	shalt  }
0x7a: {  	_ =	shalt  }
0x7b: {  	_ =	shalt  }
0x7c: {  	_ =	shalt  }
0x7d: {  	_ =	shalt  }
0x7e: {  	_ =	shalt  }
0x7f: {  	_ =	shalt  }
0x80: {  	_ =	shalt  }
0x81: {  	_ =	shalt  }
0x82: {  	_ =	shalt  }
0x83: {  	_ =	shalt  }
0x84: {  	_ =	shalt  }
0x85: {  	_ =	shalt  }
0x86: {  	_ =	shalt  }
0x87: {  	_ =	shalt  }
.Lfunc_end0:
.L_simem_size_0:
called_computation_lowered:
.L_overlay_start_0:
0x88: {  	s2 =	sld [smem:$0x3FD9]  }
0x89: {  	s3 =	sld [smem:$0x3FFE];
	_ =	sdelay $0x1  }
0x8a: {  	s1 =	srdreg.scid  }
0x8b: {  	s0 =	sand.u32 $0x1, s1  }
0x8c: {  	s16 =	sshll.u32 s0, $0xA;
	s2 =	sadd.s32 s3, s2  }
0x8d: {  	s2 =	sadd.s32 s2, s16  }
0x8e: {  	[smem:$0x3FC5] =	sst s2  }
0x8f: {  	_ = 	snop  }
0x90: {  	(tm) =	ssettm $0x1  }
0x91: {  	s17 =	sld [smem:$0x3FFB];
	_ =	sdelay $0x3  }
0x92: {  	_ =	strace s17  }
0x93: {  	s2 =	sld [smem:$0x3FFC];
	_ =	sdelay $0x3  }
0x94: {  	_ =	strace s2  }
0x95: {  	s2 =	sld [smem:$0x3FFD];
	_ =	sdelay $0x3  }
0x96: {  	_ =	strace s2  }
0x97: {  	_ =	strace $0x8FFFFFFF  }
0x98: {  	s18 =	sld [smem:$0x3FDB];
	_ =	sdelay $0x1  }
0x99: {  	s19 =	simm.s32 $_scs_section_size  }
0x9a: {  	s4 =	simm.s32 $_size__tile_overlayer_lowered;
	s5 =	simm.s32 $_tile_overlayer_lowered  }
0x9b: {  	s22 =	simm.s32 $0x1BFF;
	s21 =	sshll.u32 s5, $0x1;
	s2 =	sadd.s32 s19, s18  }
0x9c: {  	s6 =	simm.s32 $0x0;
	s20 =	sshll.u32 s4, $0x1;
	s4 =	sadd.s32 s21, s2  }
0x9d: {  	[timem:s6], [sflag:s22] =	dma.local [hbm:s4], s20  }
0x9e: {  	_ =	swait.ge [sflag:s22], s20  }
0x9f: {  	s3 =	ssub.s32 $0x0, s20;
	[sflag:s22] =	ssyncset.done $0x0  }
0xa0: {  	[sflag:s22] =	ssyncadd.s32 s3;
	_ =	sdelay $0x1  }
0xa1: {  	s23 =	simm.s32 $0x1B8B  }
0xa2: {  	_ =	swait.ge [sflag:s23], $0x1  }
0xa3: {  	[sflag:s23] =	ssyncset.done $0x0  }
0xa4: {  	s25 =	simm.s32 $0x1B8E;
	s24 =	sld [smem:$0x3FFE];
	[sflag:s23] =	ssyncadd.s32 $0xFFFFFFFF  }
0xa5: {  	s26 =	simm.s32 $execute0_lowered;
	[smem:$0x3FD2] =	sst s25  }
0xa6: {  	s4 =	sshll.u32 s26, $0x1;
	_ =	strace $0x80000046;
	[dreg:$0x1] =	wrdreg $0xFFFFFFFF  }
0xa7: {  	s28 =	simm.s32 $_size_execute0_lowered;
	s2 =	sadd.s32 s2, s4;
	[dreg:$0x0] =	wrdreg $0x0  }
0xa8: {  	s4 =	sshll.u32 s28, $0x1;
	[dreg:$0x2] =	wrdreg s2  }
0xa9: {  	[dreg:$0x3] =	wrdreg s4  }
0xaa: {  	[dreg:$0x4] =	wrdreg $0xC0  }
0xab: {  	_ =	task [dreg:s6], $0x5FFFF  }
0xac: {  	[dreg:$0x1] =	wrdreg $0xFFFFFFFF  }
0xad: {  	[dreg:$0x0] =	wrdreg $0x60  }
0xae: {  	[dreg:$0x2] =	wrdreg s24  }
0xaf: {  	[dreg:$0x3] =	wrdreg $0x9  }
0xb0: {  	_ =	task.clear_ibuf [dreg:s6], $0x4FFFF;
	_ =	strace $0x90000046  }
0xb1: {  	s29 =	simm.s32 $0x9;
	_ =	strace $0x80000048  }
0xb2: {  	_ =	swait.ge [sflag:s29], $0x1  }
0xb3: {  	[sflag:s29] =	ssyncadd.s32 $0xFFFFFFFF  }
0xb4: {  	_ =	strace $0x90000048  }
0xb5: {  	_ =	sfence  }
0xb6: {  	s30 =	sld [smem:$0x0];
	_ =	sdelay $0x2  }
0xb7: {  	s31 =	sshll.u32 s1, $0xD;
	s1 =	sshrl.u32 s1, $0x2  }
0xb8: {  	s3 =	sand.u32 $0x4000, s31;
	s1 =	sadd.s32 s1, s30  }
0xb9: {  	s0 =	sor.u32 s3, s0;
	s1 =	sshll.u32 s1, $0x11  }
0xba: {  	s0 =	sor.u32 s1, s0  }
0xbb: {  	s0 =	sadd.s32 $0x8F2B, s0  }
0xbc: {  	[sflag:s0] =	ssyncadd.remote.s32 $0x1  }
0xbd: {  	_ =	sfence.sel $0xFFFF  }
0xbe: {  	[dreg:$0x0] =	wrdreg $0xFFFFFFFF;
	(pc) =	sbr.abs _section_cstart, $3  }
0xbf: {  	[dreg:$0x1] =	wrdreg $0xFFFFFFFF  }
0xc0: {  	_ =	task.clear_ibuf [dreg:s6], $0x2FFFF;
	_ =	strace $0x9FFFFFFF  }
0xc1: {  	(tm) =	ssettm $0x7FFFFFFF  }
tec
execute0_lowered:
.L_overlay_start_1:
0x0: {  	(tag) =	ssettag $0x1  }
0x1: {  	s1 =	srdreg.scid  }
0x2: {  	s0 =	stileid.u32;
	s3 =	rddreg [dreg:$0x0];
	s8 =	simm.s32 $0x1  }
0x3: {  	s9 =	simm.s32 $0x8000;
	s10 =	simm.s32 $0x2;
	s11 =	simm.s32 $0x80  }
0x4: {  	s12 =	simm.s32 $0x400;
	s13 =	simm.s32 $0x3;
	s14 =	simm.s32 $0x0  }
0x5: {  	s4 =	sand.u32 $0x1, s1;
	s2 =	sshll.u32 s0, $0x1;
	s1 =	rddreg [dreg:$0x1]  }
0x6: {  	s6 =	sshrl.u32 s0, $0x2;
	s5 =	sor.u32 s4, s2;
	s2 =	simm.s32 $0x0  }
0x7: {  	s6 =	smul.u32 $0xC000, s6;
	s4 =	ssub.s32 $0x2, s4;
	s7 =	sshll.u32 s5, $0x7  }
0x8: {  	[smem:$0x7FF] =	sst s2;
	s5 =	sshll.u32 s5, $0xC;
	s7 =	sand.u32 $0x380, s7  }
0x9: {  	s31 =	sshrl.u32 s4, $0x1;
	_ =	strace $0x80000047;
	s6 =	sor.u32 s6, s7  }
0xa: {  	s5 =	sadd.s32 s5, s3;
	s7 =	ssub.s32 s4, s31;
	s6 =	sshrl.u32 s6, $0x3  }
0xb: {  	s4 =	sadd.s32 $0x1600, s5;
	s6 =	sadd.s32 s6, s3;
	s3 =	sadd.s32 $0xE00, s5  }
0xc: {  	v0 =	vimm.f32 $0.0e+00;
	v1 =	vimm.f32 $1.000000000e+00;
	s5 =	sadd.s32 $0x20E00, s6;
	s6 =	smax.u32 s7, $0x1;
	s7 =	simm.s32 $0x4000  }
.LBB2_1:
0xd: {  	[tilespmem:s2], [sflag:$0x1] =	stream.linear.gather [hbm4b:s3+s2], $0x4000, $0x38;
	[tilespmem:$0x9800] =	vst v63  }
0xe: {  	s15 =	simm.s32 $0x0;
	s16 =	simm.s32 $0x200  }
0xf: {  	[tilespmem:s7], [sflag:$0x2] =	stream.linear.gather [hbm4b:s4+s2], $0x4000, $0x38;
	[tilespmem:$0x9800] =	vst v63  }
.LBB2_2:
0x10: {  	p0 =	sne.s32 s16, $0x5E00;
	[tilespmem:s15+$0x8070] =	vst v0  }
0x11: {  	[tilespmem:s15+$0x8000] =	vst v0  }
0x12: {  	[tilespmem:s15+$0x8010] =	vst v0  }
.Ltmp0:
0x13: {  	[tilespmem:s15+$0x8020] =	vst v0;
	(pc) =	sbr.rel @p0 .LBB2_2-.Ltmp0, $4  }
0x14: {  	[tilespmem:s15+$0x8030] =	vst v0  }
0x15: {  	[tilespmem:s15+$0x8040] =	vst v0  }
0x16: {  	[tilespmem:s15+$0x8050] =	vst v0  }
0x17: {  	[tilespmem:s15+$0x8060] =	vst v0;
	s15 =	sshra.s32 s16, $0x2;
	s16 =	sadd.s32 $0x200, s16  }
0x18: {  	[tilespmem:s15+$0x8070] =	vst v0  }
0x19: {  	[tilespmem:s15+$0x8000] =	vst v0  }
0x1a: {  	[tilespmem:s15+$0x8010] =	vst v0  }
0x1b: {  	[tilespmem:s15+$0x8020] =	vst v0  }
0x1c: {  	[tilespmem:s15+$0x8030] =	vst v0  }
0x1d: {  	[tilespmem:s15+$0x8040] =	vst v0  }
0x1e: {  	[tilespmem:s15+$0x8050] =	vst v0  }
0x1f: {  	[tilespmem:s15+$0x8060] =	vst v0  }
0x20: {  	_ =	swait.ge [sflag:s8], $0x4000  }
0x21: {  	[sflag:s8] =	ssyncset.done $0x0  }
0x22: {  	s31 =	simm.s32 $0x0;
	[sflag:s8] =	ssyncadd.s32 $0xFFFFC000  }
0x23: {  	v2 =	vld [tilespmem:s31+$0x1E0]  }
0x24: {  	v3 =	vld [tilespmem:s31+$0x1D0]  }
0x25: {  	v14 =	vld [tilespmem:s31+$0x80]  }
0x26: {  	v4 =	vld [tilespmem:s31+$0x1C0]  }
0x27: {  	v5 =	vld [tilespmem:s31+$0x190]  }
0x28: {  	v7 =	vld [tilespmem:s31+$0x170]  }
0x29: {  	v15 =	vld [tilespmem:s31+$0x40]  }
0x2a: {  	v16 =	vld [tilespmem:s31+$0x60]  }
0x2b: {  	v12 =	vld [tilespmem:s31+$0x130]  }
0x2c: {  	v17 =	vld [tilespmem:s31+$0x120]  }
0x2d: {  	v18 =	vld [tilespmem:s31+$0x100]  }
0x2e: {  	v19 =	vld [tilespmem:s31+$0x110]  }
0x2f: {  	v20 =	vld [tilespmem:s31+$0xA0]  }
0x30: {  	v21 =	vld [tilespmem:s31+$0x90]  }
0x31: {  	v22 =	vld [tilespmem:s31+$0x50]  }
0x32: {  	v23 =	vld [tilespmem:s31+$0x30]  }
0x33: {  	v6 =	vld [tilespmem:s31+$0x20]  }
0x34: {  	v24 =	vld [tilespmem:s31+$0x10]  }
0x35: {  	v8 =	vld [tilespmem:s31+$0x0]  }
0x36: {  	v25 =	vld [tilespmem:s31+$0xD0]  }
0x37: {  	v26 =	vld [tilespmem:s31+$0x70]  }
0x38: {  	v27 =	vld [tilespmem:s31+$0x140]  }
0x39: {  	v11 =	vld [tilespmem:s31+$0x160]  }
0x3a: {  	v13 =	vld [tilespmem:s31+$0x150]  }
0x3b: {  	v10 =	vld [tilespmem:s31+$0x180]  }
0x3c: {  	v29 =	vld [tilespmem:s31+$0xC0];
	v28 =	vand.u32 $0xFFFF, v8  }
0x3d: {  	v9 =	vld [tilespmem:s31+$0x1A0];
	v30 =	vshrl.u32 v8, $0x10;
	vm0 =	vne.s32 v28, $0x0  }
0x3e: {  	v32 =	vld [tilespmem:s31+$0xB0];
	v31 =	vand.u32 $0xFFFF, v24;
	vm1 =	vne.s32 v30, $0x0  }
0x3f: {  	v34 =	vld [tilespmem:s31+$0xF0];
	v24 =	vshrl.u32 v24, $0x10;
	vm2 =	vne.s32 v31, $0x0  }
0x40: {  	v36 =	vld [tilespmem:s31+$0xE0];
	v33 =	vand.u32 $0xFFFF, v6;
	vm3 =	vne.s32 v24, $0x0  }
0x41: {  	v8 =	vld [tilespmem:s31+$0x1B0];
	v35 =	vshrl.u32 v6, $0x10;
	vm4 =	vne.s32 v33, $0x0  }
0x42: {  	v37 =	vand.u32 $0xFFFF, v23;
	v6 =	vld [tilespmem:s31+$0x1F0];
	vm5 =	vne.s32 v35, $0x0  }
0x43: {  	v23 =	vshrl.u32 v23, $0x10;
	vm6 =	vne.s32 v37, $0x0;
	[tilespmem:v28+s9+$0x0] =	vst.idx.add.f32.msk vm0, v1  }
0x44: {  	v57 =	vand.u32 $0xFFFF, v15;
	vm0 =	vne.s32 v23, $0x0;
	[tilespmem:v30+s9+$0x0] =	vst.idx.add.f32.msk vm1, v1  }
0x45: {  	v15 =	vshrl.u32 v15, $0x10;
	vm1 =	vne.s32 v57, $0x0;
	[tilespmem:v31+s9+$0x0] =	vst.idx.add.f32.msk vm2, v1  }
0x46: {  	v58 =	vand.u32 $0xFFFF, v22;
	vm2 =	vne.s32 v15, $0x0;
	[tilespmem:v24+s9+$0x0] =	vst.idx.add.f32.msk vm3, v1  }
0x47: {  	v22 =	vshrl.u32 v22, $0x10;
	vm3 =	vne.s32 v58, $0x0;
	[tilespmem:v33+s9+$0x0] =	vst.idx.add.f32.msk vm4, v1  }
0x48: {  	v59 =	vand.u32 $0xFFFF, v16;
	vm14 =	vne.s32 v22, $0x0;
	[tilespmem:v35+s9+$0x0] =	vst.idx.add.f32.msk vm5, v1  }
0x49: {  	v16 =	vshrl.u32 v16, $0x10;
	vm15 =	vne.s32 v59, $0x0;
	[tilespmem:v37+s9+$0x0] =	vst.idx.add.f32.msk vm6, v1  }
0x4a: {  	v60 =	vand.u32 $0xFFFF, v26;
	vm9 =	vne.s32 v16, $0x0;
	[tilespmem:v23+s9+$0x0] =	vst.idx.add.f32.msk vm0, v1  }
0x4b: {  	v61 =	vshrl.u32 v26, $0x10;
	vm0 =	vne.s32 v60, $0x0;
	[tilespmem:v57+s9+$0x0] =	vst.idx.add.f32.msk vm1, v1  }
0x4c: {  	v62 =	vand.u32 $0xFFFF, v14;
	vm1 =	vne.s32 v61, $0x0;
	[tilespmem:v15+s9+$0x0] =	vst.idx.add.f32.msk vm2, v1  }
0x4d: {  	v14 =	vshrl.u32 v14, $0x10;
	vm2 =	vne.s32 v62, $0x0;
	[tilespmem:v58+s9+$0x0] =	vst.idx.add.f32.msk vm3, v1  }
0x4e: {  	v63 =	vand.u32 $0xFFFF, v21;
	vm3 =	vne.s32 v14, $0x0;
	[tilespmem:v22+s9+$0x0] =	vst.idx.add.f32.msk vm14, v1  }
0x4f: {  	v21 =	vshrl.u32 v21, $0x10;
	vm10 =	vne.s32 v63, $0x0;
	[tilespmem:v59+s9+$0x0] =	vst.idx.add.f32.msk vm15, v1  }
0x50: {  	vm11 =	vne.s32 v21, $0x0;
	v28 =	vand.u32 $0xFFFF, v20;
	[tilespmem:v16+s9+$0x0] =	vst.idx.add.f32.msk vm9, v1  }
0x51: {  	v30 =	vshrl.u32 v20, $0x10;
	vm12 =	vne.s32 v28, $0x0;
	[tilespmem:v60+s9+$0x0] =	vst.idx.add.f32.msk vm0, v1  }
0x52: {  	v31 =	vand.u32 $0xFFFF, v32;
	vm0 =	vne.s32 v30, $0x0;
	[tilespmem:v61+s9+$0x0] =	vst.idx.add.f32.msk vm1, v1  }
0x53: {  	v33 =	vshrl.u32 v32, $0x10;
	vm1 =	vne.s32 v31, $0x0;
	[tilespmem:v62+s9+$0x0] =	vst.idx.add.f32.msk vm2, v1  }
0x54: {  	v35 =	vand.u32 $0xFFFF, v29;
	vm2 =	vne.s32 v33, $0x0;
	[tilespmem:v14+s9+$0x0] =	vst.idx.add.f32.msk vm3, v1  }
0x55: {  	v37 =	vshrl.u32 v29, $0x10;
	vm3 =	vne.s32 v35, $0x0;
	[tilespmem:v63+s9+$0x0] =	vst.idx.add.f32.msk vm10, v1  }
0x56: {  	v38 =	vand.u32 $0xFFFF, v25;
	vm13 =	vne.s32 v37, $0x0;
	[tilespmem:v21+s9+$0x0] =	vst.idx.add.f32.msk vm11, v1  }
0x57: {  	v39 =	vshrl.u32 v25, $0x10;
	vm14 =	vne.s32 v38, $0x0;
	[tilespmem:v28+s9+$0x0] =	vst.idx.add.f32.msk vm12, v1  }
0x58: {  	v40 =	vand.u32 $0xFFFF, v36;
	vm15 =	vne.s32 v39, $0x0;
	[tilespmem:v30+s9+$0x0] =	vst.idx.add.f32.msk vm0, v1  }
0x59: {  	v41 =	vshrl.u32 v36, $0x10;
	vm0 =	vne.s32 v40, $0x0;
	[tilespmem:v31+s9+$0x0] =	vst.idx.add.f32.msk vm1, v1  }
0x5a: {  	v42 =	vand.u32 $0xFFFF, v34;
	vm1 =	vne.s32 v41, $0x0;
	[tilespmem:v33+s9+$0x0] =	vst.idx.add.f32.msk vm2, v1  }
0x5b: {  	v43 =	vshrl.u32 v34, $0x10;
	vm2 =	vne.s32 v42, $0x0;
	[tilespmem:v35+s9+$0x0] =	vst.idx.add.f32.msk vm3, v1  }
0x5c: {  	v44 =	vand.u32 $0xFFFF, v18;
	vm3 =	vne.s32 v43, $0x0;
	[tilespmem:v37+s9+$0x0] =	vst.idx.add.f32.msk vm13, v1  }
0x5d: {  	v45 =	vshrl.u32 v18, $0x10;
	vm9 =	vne.s32 v44, $0x0;
	[tilespmem:v38+s9+$0x0] =	vst.idx.add.f32.msk vm14, v1  }
0x5e: {  	v46 =	vand.u32 $0xFFFF, v19;
	vm10 =	vne.s32 v45, $0x0;
	[tilespmem:v39+s9+$0x0] =	vst.idx.add.f32.msk vm15, v1  }
0x5f: {  	v47 =	vshrl.u32 v19, $0x10;
	vm11 =	vne.s32 v46, $0x0;
	[tilespmem:v40+s9+$0x0] =	vst.idx.add.f32.msk vm0, v1  }
0x60: {  	v48 =	vand.u32 $0xFFFF, v17;
	vm0 =	vne.s32 v47, $0x0;
	[tilespmem:v41+s9+$0x0] =	vst.idx.add.f32.msk vm1, v1  }
0x61: {  	v49 =	vshrl.u32 v17, $0x10;
	vm1 =	vne.s32 v48, $0x0;
	[tilespmem:v42+s9+$0x0] =	vst.idx.add.f32.msk vm2, v1  }
0x62: {  	v50 =	vand.u32 $0xFFFF, v12;
	vm2 =	vne.s32 v49, $0x0;
	[tilespmem:v43+s9+$0x0] =	vst.idx.add.f32.msk vm3, v1  }
0x63: {  	v12 =	vshrl.u32 v12, $0x10;
	vm3 =	vne.s32 v50, $0x0;
	[tilespmem:v44+s9+$0x0] =	vst.idx.add.f32.msk vm9, v1  }
0x64: {  	v51 =	vand.u32 $0xFFFF, v27;
	vm12 =	vne.s32 v12, $0x0;
	[tilespmem:v45+s9+$0x0] =	vst.idx.add.f32.msk vm10, v1  }
0x65: {  	v52 =	vshrl.u32 v27, $0x10;
	vm13 =	vne.s32 v51, $0x0;
	[tilespmem:v46+s9+$0x0] =	vst.idx.add.f32.msk vm11, v1  }
0x66: {  	v53 =	vand.u32 $0xFFFF, v13;
	vm14 =	vne.s32 v52, $0x0;
	[tilespmem:v47+s9+$0x0] =	vst.idx.add.f32.msk vm0, v1  }
0x67: {  	v13 =	vshrl.u32 v13, $0x10;
	vm0 =	vne.s32 v53, $0x0;
	[tilespmem:v48+s9+$0x0] =	vst.idx.add.f32.msk vm1, v1  }
0x68: {  	v54 =	vand.u32 $0xFFFF, v11;
	vm1 =	vne.s32 v13, $0x0;
	[tilespmem:v49+s9+$0x0] =	vst.idx.add.f32.msk vm2, v1  }
0x69: {  	v11 =	vshrl.u32 v11, $0x10;
	vm2 =	vne.s32 v54, $0x0;
	[tilespmem:v50+s9+$0x0] =	vst.idx.add.f32.msk vm3, v1  }
0x6a: {  	v55 =	vand.u32 $0xFFFF, v7;
	vm3 =	vne.s32 v11, $0x0;
	[tilespmem:v12+s9+$0x0] =	vst.idx.add.f32.msk vm12, v1  }
0x6b: {  	v7 =	vshrl.u32 v7, $0x10;
	vm15 =	vne.s32 v55, $0x0;
	[tilespmem:v51+s9+$0x0] =	vst.idx.add.f32.msk vm13, v1  }
0x6c: {  	v56 =	vand.u32 $0xFFFF, v10;
	vm9 =	vne.s32 v7, $0x0;
	[tilespmem:v52+s9+$0x0] =	vst.idx.add.f32.msk vm14, v1  }
0x6d: {  	v10 =	vshrl.u32 v10, $0x10;
	vm10 =	vne.s32 v56, $0x0;
	[tilespmem:v53+s9+$0x0] =	vst.idx.add.f32.msk vm0, v1  }
0x6e: {  	v57 =	vand.u32 $0xFFFF, v5;
	vm0 =	vne.s32 v10, $0x0;
	[tilespmem:v13+s9+$0x0] =	vst.idx.add.f32.msk vm1, v1  }
0x6f: {  	v5 =	vshrl.u32 v5, $0x10;
	vm1 =	vne.s32 v57, $0x0;
	[tilespmem:v54+s9+$0x0] =	vst.idx.add.f32.msk vm2, v1  }
0x70: {  	v58 =	vand.u32 $0xFFFF, v9;
	vm2 =	vne.s32 v5, $0x0;
	[tilespmem:v11+s9+$0x0] =	vst.idx.add.f32.msk vm3, v1  }
0x71: {  	v9 =	vshrl.u32 v9, $0x10;
	vm3 =	vne.s32 v58, $0x0;
	[tilespmem:v55+s9+$0x0] =	vst.idx.add.f32.msk vm15, v1  }
0x72: {  	v59 =	vand.u32 $0xFFFF, v8;
	vm11 =	vne.s32 v9, $0x0;
	[tilespmem:v7+s9+$0x0] =	vst.idx.add.f32.msk vm9, v1  }
0x73: {  	v60 =	vshrl.u32 v8, $0x10;
	vm12 =	vne.s32 v59, $0x0;
	[tilespmem:v56+s9+$0x0] =	vst.idx.add.f32.msk vm10, v1  }
0x74: {  	v61 =	vand.u32 $0xFFFF, v4;
	vm13 =	vne.s32 v60, $0x0;
	[tilespmem:v10+s9+$0x0] =	vst.idx.add.f32.msk vm0, v1  }
0x75: {  	v4 =	vshrl.u32 v4, $0x10;
	vm0 =	vne.s32 v61, $0x0;
	[tilespmem:v57+s9+$0x0] =	vst.idx.add.f32.msk vm1, v1  }
0x76: {  	v62 =	vand.u32 $0xFFFF, v3;
	vm1 =	vne.s32 v4, $0x0;
	[tilespmem:v5+s9+$0x0] =	vst.idx.add.f32.msk vm2, v1  }
0x77: {  	v3 =	vshrl.u32 v3, $0x10;
	vm2 =	vne.s32 v62, $0x0;
	[tilespmem:v58+s9+$0x0] =	vst.idx.add.f32.msk vm3, v1  }
0x78: {  	vm3 =	vne.s32 v3, $0x0;
	[tilespmem:v9+s9+$0x0] =	vst.idx.add.f32.msk vm11, v1  }
0x79: {  	[tilespmem:v59+s9+$0x0] =	vst.idx.add.f32.msk vm12, v1  }
0x7a: {  	[tilespmem:v60+s9+$0x0] =	vst.idx.add.f32.msk vm13, v1  }
0x7b: {  	v5 =	vand.u32 $0xFFFF, v2;
	[tilespmem:v61+s9+$0x0] =	vst.idx.add.f32.msk vm0, v1  }
0x7c: {  	v63 =	vshrl.u32 v2, $0x10;
	vm14 =	vne.s32 v5, $0x0;
	[tilespmem:v4+s9+$0x0] =	vst.idx.add.f32.msk vm1, v1  }
0x7d: {  	vm15 =	vne.s32 v63, $0x0;
	v2 =	vand.u32 $0xFFFF, v6;
	[tilespmem:v62+s9+$0x0] =	vst.idx.add.f32.msk vm2, v1  }
0x7e: {  	vm0 =	vne.s32 v2, $0x0;
	[tilespmem:v3+s9+$0x0] =	vst.idx.add.f32.msk vm3, v1;
	v3 =	vshrl.u32 v6, $0x10  }
0x7f: {  	vm1 =	vne.s32 v3, $0x0;
	_ =	sdelay $0x2  }
0x80: {  	[tilespmem:v5+s9+$0x0] =	vst.idx.add.f32.msk vm14, v1  }
0x81: {  	s15 =	simm.s32 $0x800;
	[tilespmem:v63+s9+$0x0] =	vst.idx.add.f32.msk vm15, v1  }
.LBB2_4:
0x82: {  	s16 =	sshra.s32 s15, $0x2;
	p0 =	sne.s32 s15, $0xF800;
	s15 =	sadd.s32 $0x800, s15;
	[tilespmem:v2+s9+$0x0] =	vst.idx.add.f32.msk vm0, v1  }
0x83: {  	[tilespmem:v3+s9+$0x0] =	vst.idx.add.f32.msk vm1, v1  }
0x84: {  	v2 =	vld [tilespmem:s16+$0x1E0]  }
0x85: {  	v3 =	vld [tilespmem:s16+$0x1D0]  }
0x86: {  	v7 =	vld [tilespmem:s16+$0x80]  }
0x87: {  	v4 =	vld [tilespmem:s16+$0x1C0]  }
0x88: {  	v5 =	vld [tilespmem:s16+$0x190]  }
0x89: {  	v6 =	vld [tilespmem:s16+$0x170]  }
0x8a: {  	v8 =	vld [tilespmem:s16+$0x40]  }
0x8b: {  	v10 =	vld [tilespmem:s16+$0x60]  }
0x8c: {  	v9 =	vld [tilespmem:s16+$0x130]  }
0x8d: {  	v12 =	vld [tilespmem:s16+$0x120]  }
0x8e: {  	v17 =	vld [tilespmem:s16+$0x100]  }
0x8f: {  	v14 =	vld [tilespmem:s16+$0x110]  }
0x90: {  	v18 =	vld [tilespmem:s16+$0xA0]  }
0x91: {  	v19 =	vld [tilespmem:s16+$0x90]  }
0x92: {  	v20 =	vld [tilespmem:s16+$0x50]  }
0x93: {  	v21 =	vld [tilespmem:s16+$0x30]  }
0x94: {  	v23 =	vand.u32 $0xFFFF, v8;
	v22 =	vld [tilespmem:s16+$0x20]  }
0x95: {  	v24 =	vshrl.u32 v8, $0x10;
	vm0 =	vne.s32 v23, $0x0;
	v11 =	vld [tilespmem:s16+$0x10]  }
0x96: {  	vm3 =	vne.s32 v24, $0x0;
	v8 =	vld [tilespmem:s16+$0x0]  }
0x97: {  	v25 =	vld [tilespmem:s16+$0xD0]  }
0x98: {  	v26 =	vld [tilespmem:s16+$0x70]  }
0x99: {  	v28 =	vand.u32 $0xFFFF, v10;
	v27 =	vshrl.u32 v21, $0x10;
	v15 =	vld [tilespmem:s16+$0x140]  }
0x9a: {  	v30 =	vshrl.u32 v10, $0x10;
	vm1 =	vne.s32 v28, $0x0;
	v29 =	vand.u32 $0xFFFF, v22;
	v13 =	vld [tilespmem:s16+$0x160]  }
0x9b: {  	vm2 =	vne.s32 v30, $0x0;
	v32 =	vand.u32 $0xFFFF, v11;
	v31 =	vand.u32 $0xFFFF, v8;
	v16 =	vld [tilespmem:s16+$0x150]  }
0x9c: {  	v34 =	vshrl.u32 v11, $0x10;
	v33 =	vshrl.u32 v8, $0x10;
	vm8 =	vne.s32 v32, $0x0;
	v11 =	vld [tilespmem:s16+$0x180]  }
0x9d: {  	v35 =	vand.u32 $0xFFFF, v7;
	vm9 =	vne.s32 v34, $0x0;
	vm10 =	vne.s32 v33, $0x0;
	v36 =	vld [tilespmem:s16+$0xC0]  }
0x9e: {  	v37 =	vshrl.u32 v7, $0x10;
	vm4 =	vne.s32 v35, $0x0;
	vm11 =	vne.s32 v31, $0x0;
	v8 =	vld [tilespmem:s16+$0x1B0]  }
0x9f: {  	vm5 =	vne.s32 v37, $0x0;
	v22 =	vshrl.u32 v22, $0x10;
	vm12 =	vne.s32 v29, $0x0;
	v10 =	vld [tilespmem:s16+$0x1A0]  }
0xa0: {  	v21 =	vand.u32 $0xFFFF, v21;
	vm13 =	vne.s32 v22, $0x0;
	v38 =	vand.u32 $0xFFFF, v26;
	v39 =	vld [tilespmem:s16+$0xB0]  }
0xa1: {  	vm14 =	vne.s32 v21, $0x0;
	v26 =	vshrl.u32 v26, $0x10;
	vm6 =	vne.s32 v38, $0x0;
	v40 =	vld [tilespmem:s16+$0xF0]  }
0xa2: {  	vm15 =	vne.s32 v27, $0x0;
	vm7 =	vne.s32 v26, $0x0;
	v41 =	vld [tilespmem:s16+$0xE0]  }
0xa3: {  	v7 =	vld [tilespmem:s16+$0x1F0]  }
0xa4: {  	[tilespmem:v31+s9+$0x0] =	vst.idx.add.f32.msk vm11, v1  }
0xa5: {  	[tilespmem:v33+s9+$0x0] =	vst.idx.add.f32.msk vm10, v1  }
0xa6: {  	v31 =	vand.u32 $0xFFFF, v20;
	[tilespmem:v32+s9+$0x0] =	vst.idx.add.f32.msk vm8, v1  }
0xa7: {  	v20 =	vshrl.u32 v20, $0x10;
	vm8 =	vne.s32 v31, $0x0;
	[tilespmem:v34+s9+$0x0] =	vst.idx.add.f32.msk vm9, v1  }
0xa8: {  	vm9 =	vne.s32 v20, $0x0;
	[tilespmem:v29+s9+$0x0] =	vst.idx.add.f32.msk vm12, v1  }
0xa9: {  	[tilespmem:v22+s9+$0x0] =	vst.idx.add.f32.msk vm13, v1  }
0xaa: {  	[tilespmem:v21+s9+$0x0] =	vst.idx.add.f32.msk vm14, v1  }
0xab: {  	[tilespmem:v27+s9+$0x0] =	vst.idx.add.f32.msk vm15, v1  }
0xac: {  	[tilespmem:v23+s9+$0x0] =	vst.idx.add.f32.msk vm0, v1  }
0xad: {  	[tilespmem:v24+s9+$0x0] =	vst.idx.add.f32.msk vm3, v1  }
0xae: {  	v21 =	vand.u32 $0xFFFF, v19;
	[tilespmem:v31+s9+$0x0] =	vst.idx.add.f32.msk vm8, v1  }
0xaf: {  	v22 =	vshrl.u32 v18, $0x10;
	v19 =	vshrl.u32 v19, $0x10;
	vm3 =	vne.s32 v21, $0x0;
	[tilespmem:v20+s9+$0x0] =	vst.idx.add.f32.msk vm9, v1  }
0xb0: {  	v18 =	vand.u32 $0xFFFF, v18;
	vm8 =	vne.s32 v19, $0x0;
	v20 =	vand.u32 $0xFFFF, v39;
	[tilespmem:v28+s9+$0x0] =	vst.idx.add.f32.msk vm1, v1  }
0xb1: {  	v23 =	vshrl.u32 v39, $0x10;
	vm9 =	vne.s32 v18, $0x0;
	vm0 =	vne.s32 v20, $0x0;
	[tilespmem:v30+s9+$0x0] =	vst.idx.add.f32.msk vm2, v1  }
0xb2: {  	vm1 =	vne.s32 v23, $0x0;
	vm2 =	vne.s32 v22, $0x0;
	[tilespmem:v38+s9+$0x0] =	vst.idx.add.f32.msk vm6, v1  }
0xb3: {  	[tilespmem:v26+s9+$0x0] =	vst.idx.add.f32.msk vm7, v1  }
0xb4: {  	v24 =	vand.u32 $0xFFFF, v36;
	[tilespmem:v35+s9+$0x0] =	vst.idx.add.f32.msk vm4, v1  }
0xb5: {  	v26 =	vshrl.u32 v36, $0x10;
	vm4 =	vne.s32 v24, $0x0;
	[tilespmem:v37+s9+$0x0] =	vst.idx.add.f32.msk vm5, v1  }
0xb6: {  	v27 =	vand.u32 $0xFFFF, v25;
	vm5 =	vne.s32 v26, $0x0;
	[tilespmem:v21+s9+$0x0] =	vst.idx.add.f32.msk vm3, v1  }
0xb7: {  	v21 =	vshrl.u32 v25, $0x10;
	vm3 =	vne.s32 v27, $0x0;
	[tilespmem:v19+s9+$0x0] =	vst.idx.add.f32.msk vm8, v1  }
0xb8: {  	vm6 =	vne.s32 v21, $0x0;
	v19 =	vand.u32 $0xFFFF, v41;
	[tilespmem:v18+s9+$0x0] =	vst.idx.add.f32.msk vm9, v1  }
0xb9: {  	v18 =	vshrl.u32 v41, $0x10;
	vm7 =	vne.s32 v19, $0x0;
	[tilespmem:v22+s9+$0x0] =	vst.idx.add.f32.msk vm2, v1  }
0xba: {  	vm2 =	vne.s32 v18, $0x0;
	v22 =	vand.u32 $0xFFFF, v40;
	[tilespmem:v20+s9+$0x0] =	vst.idx.add.f32.msk vm0, v1  }
0xbb: {  	v20 =	vshrl.u32 v40, $0x10;
	vm0 =	vne.s32 v22, $0x0;
	[tilespmem:v23+s9+$0x0] =	vst.idx.add.f32.msk vm1, v1  }
0xbc: {  	vm1 =	vne.s32 v20, $0x0;
	v23 =	vand.u32 $0xFFFF, v17;
	[tilespmem:v24+s9+$0x0] =	vst.idx.add.f32.msk vm4, v1  }
0xbd: {  	v17 =	vshrl.u32 v17, $0x10;
	vm4 =	vne.s32 v23, $0x0;
	[tilespmem:v26+s9+$0x0] =	vst.idx.add.f32.msk vm5, v1  }
0xbe: {  	v24 =	vand.u32 $0xFFFF, v14;
	vm5 =	vne.s32 v17, $0x0;
	[tilespmem:v27+s9+$0x0] =	vst.idx.add.f32.msk vm3, v1  }
0xbf: {  	v14 =	vshrl.u32 v14, $0x10;
	vm3 =	vne.s32 v24, $0x0;
	[tilespmem:v21+s9+$0x0] =	vst.idx.add.f32.msk vm6, v1  }
0xc0: {  	vm6 =	vne.s32 v14, $0x0;
	v21 =	vand.u32 $0xFFFF, v12;
	[tilespmem:v19+s9+$0x0] =	vst.idx.add.f32.msk vm7, v1  }
0xc1: {  	v12 =	vshrl.u32 v12, $0x10;
	vm7 =	vne.s32 v21, $0x0;
	[tilespmem:v18+s9+$0x0] =	vst.idx.add.f32.msk vm2, v1  }
0xc2: {  	vm2 =	vne.s32 v12, $0x0;
	v18 =	vand.u32 $0xFFFF, v9;
	[tilespmem:v22+s9+$0x0] =	vst.idx.add.f32.msk vm0, v1  }
0xc3: {  	v9 =	vshrl.u32 v9, $0x10;
	vm0 =	vne.s32 v18, $0x0;
	[tilespmem:v20+s9+$0x0] =	vst.idx.add.f32.msk vm1, v1  }
0xc4: {  	v19 =	vand.u32 $0xFFFF, v15;
	vm1 =	vne.s32 v9, $0x0;
	[tilespmem:v23+s9+$0x0] =	vst.idx.add.f32.msk vm4, v1  }
0xc5: {  	v15 =	vshrl.u32 v15, $0x10;
	vm4 =	vne.s32 v19, $0x0;
	[tilespmem:v17+s9+$0x0] =	vst.idx.add.f32.msk vm5, v1  }
0xc6: {  	vm5 =	vne.s32 v15, $0x0;
	v17 =	vand.u32 $0xFFFF, v16;
	[tilespmem:v24+s9+$0x0] =	vst.idx.add.f32.msk vm3, v1  }
0xc7: {  	v16 =	vshrl.u32 v16, $0x10;
	vm3 =	vne.s32 v17, $0x0;
	[tilespmem:v14+s9+$0x0] =	vst.idx.add.f32.msk vm6, v1  }
0xc8: {  	vm6 =	vne.s32 v16, $0x0;
	v14 =	vand.u32 $0xFFFF, v13;
	[tilespmem:v21+s9+$0x0] =	vst.idx.add.f32.msk vm7, v1  }
0xc9: {  	v13 =	vshrl.u32 v13, $0x10;
	vm7 =	vne.s32 v14, $0x0;
	[tilespmem:v12+s9+$0x0] =	vst.idx.add.f32.msk vm2, v1  }
0xca: {  	vm2 =	vne.s32 v13, $0x0;
	v12 =	vand.u32 $0xFFFF, v6;
	[tilespmem:v18+s9+$0x0] =	vst.idx.add.f32.msk vm0, v1  }
0xcb: {  	v6 =	vshrl.u32 v6, $0x10;
	vm0 =	vne.s32 v12, $0x0;
	[tilespmem:v9+s9+$0x0] =	vst.idx.add.f32.msk vm1, v1  }
0xcc: {  	vm1 =	vne.s32 v6, $0x0;
	v9 =	vand.u32 $0xFFFF, v11;
	[tilespmem:v19+s9+$0x0] =	vst.idx.add.f32.msk vm4, v1  }
0xcd: {  	v11 =	vshrl.u32 v11, $0x10;
	vm4 =	vne.s32 v9, $0x0;
	[tilespmem:v15+s9+$0x0] =	vst.idx.add.f32.msk vm5, v1  }
0xce: {  	vm5 =	vne.s32 v11, $0x0;
	v15 =	vand.u32 $0xFFFF, v5;
	[tilespmem:v17+s9+$0x0] =	vst.idx.add.f32.msk vm3, v1  }
0xcf: {  	v5 =	vshrl.u32 v5, $0x10;
	vm3 =	vne.s32 v15, $0x0;
	[tilespmem:v16+s9+$0x0] =	vst.idx.add.f32.msk vm6, v1  }
0xd0: {  	vm6 =	vne.s32 v5, $0x0;
	v16 =	vand.u32 $0xFFFF, v10;
	[tilespmem:v14+s9+$0x0] =	vst.idx.add.f32.msk vm7, v1  }
0xd1: {  	v10 =	vshrl.u32 v10, $0x10;
	vm7 =	vne.s32 v16, $0x0;
	[tilespmem:v13+s9+$0x0] =	vst.idx.add.f32.msk vm2, v1  }
0xd2: {  	vm2 =	vne.s32 v10, $0x0;
	v13 =	vand.u32 $0xFFFF, v8;
	[tilespmem:v12+s9+$0x0] =	vst.idx.add.f32.msk vm0, v1  }
0xd3: {  	v8 =	vshrl.u32 v8, $0x10;
	vm0 =	vne.s32 v13, $0x0;
	[tilespmem:v6+s9+$0x0] =	vst.idx.add.f32.msk vm1, v1  }
0xd4: {  	vm1 =	vne.s32 v8, $0x0;
	v6 =	vand.u32 $0xFFFF, v4;
	[tilespmem:v9+s9+$0x0] =	vst.idx.add.f32.msk vm4, v1  }
0xd5: {  	v4 =	vshrl.u32 v4, $0x10;
	vm4 =	vne.s32 v6, $0x0;
	[tilespmem:v11+s9+$0x0] =	vst.idx.add.f32.msk vm5, v1  }
0xd6: {  	v9 =	vand.u32 $0xFFFF, v3;
	vm5 =	vne.s32 v4, $0x0;
	[tilespmem:v15+s9+$0x0] =	vst.idx.add.f32.msk vm3, v1  }
0xd7: {  	v11 =	vshrl.u32 v3, $0x10;
	vm3 =	vne.s32 v9, $0x0;
	[tilespmem:v5+s9+$0x0] =	vst.idx.add.f32.msk vm6, v1  }
0xd8: {  	vm6 =	vne.s32 v11, $0x0;
	v5 =	vand.u32 $0xFFFF, v2;
	[tilespmem:v16+s9+$0x0] =	vst.idx.add.f32.msk vm7, v1  }
0xd9: {  	v12 =	vshrl.u32 v2, $0x10;
	vm7 =	vne.s32 v5, $0x0;
	[tilespmem:v10+s9+$0x0] =	vst.idx.add.f32.msk vm2, v1  }
0xda: {  	v2 =	vand.u32 $0xFFFF, v7;
	vm2 =	vne.s32 v12, $0x0;
	[tilespmem:v13+s9+$0x0] =	vst.idx.add.f32.msk vm0, v1  }
0xdb: {  	v3 =	vshrl.u32 v7, $0x10;
	vm0 =	vne.s32 v2, $0x0;
	[tilespmem:v8+s9+$0x0] =	vst.idx.add.f32.msk vm1, v1  }
0xdc: {  	vm1 =	vne.s32 v3, $0x0;
	[tilespmem:v6+s9+$0x0] =	vst.idx.add.f32.msk vm4, v1  }
.Ltmp1:
0xdd: {  	[tilespmem:v4+s9+$0x0] =	vst.idx.add.f32.msk vm5, v1;
	(pc) =	sbr.rel @p0 .LBB2_4-.Ltmp1, $4  }
0xde: {  	[tilespmem:v9+s9+$0x0] =	vst.idx.add.f32.msk vm3, v1  }
0xdf: {  	[tilespmem:v11+s9+$0x0] =	vst.idx.add.f32.msk vm6, v1  }
0xe0: {  	[tilespmem:v5+s9+$0x0] =	vst.idx.add.f32.msk vm7, v1  }
0xe1: {  	[tilespmem:v12+s9+$0x0] =	vst.idx.add.f32.msk vm2, v1  }
0xe2: {  	_ =	sdelay $0x4  }
0xe3: {  	[tilespmem:v2+s9+$0x0] =	vst.idx.add.f32.msk vm0, v1  }
0xe4: {  	[tilespmem:v3+s9+$0x0] =	vst.idx.add.f32.msk vm1, v1  }
0xe5: {  	_ =	swait.ge [sflag:s10], $0x4000  }
0xe6: {  	[sflag:s10] =	ssyncset.done $0x0  }
0xe7: {  	s15 =	simm.s32 $0x0;
	[sflag:s10] =	ssyncadd.s32 $0xFFFFC000  }
0xe8: {  	v2 =	vld [tilespmem:s15+$0x41E0]  }
0xe9: {  	v3 =	vld [tilespmem:s15+$0x41D0]  }
0xea: {  	v14 =	vld [tilespmem:s15+$0x4080]  }
0xeb: {  	v4 =	vld [tilespmem:s15+$0x41C0]  }
0xec: {  	v5 =	vld [tilespmem:s15+$0x4190]  }
0xed: {  	v7 =	vld [tilespmem:s15+$0x4170]  }
0xee: {  	v15 =	vld [tilespmem:s15+$0x4040]  }
0xef: {  	v16 =	vld [tilespmem:s15+$0x4060]  }
0xf0: {  	v12 =	vld [tilespmem:s15+$0x4130]  }
0xf1: {  	v17 =	vld [tilespmem:s15+$0x4120]  }
0xf2: {  	v18 =	vld [tilespmem:s15+$0x4100]  }
0xf3: {  	v19 =	vld [tilespmem:s15+$0x4110]  }
0xf4: {  	v20 =	vld [tilespmem:s15+$0x40A0]  }
0xf5: {  	v21 =	vld [tilespmem:s15+$0x4090]  }
0xf6: {  	v22 =	vld [tilespmem:s15+$0x4050]  }
0xf7: {  	v23 =	vld [tilespmem:s15+$0x4030]  }
0xf8: {  	v6 =	vld [tilespmem:s15+$0x4020]  }
0xf9: {  	v24 =	vld [tilespmem:s15+$0x4010]  }
0xfa: {  	v8 =	vld [tilespmem:s15+$0x4000]  }
0xfb: {  	v25 =	vld [tilespmem:s15+$0x40D0]  }
0xfc: {  	v26 =	vld [tilespmem:s15+$0x4070]  }
0xfd: {  	v27 =	vld [tilespmem:s15+$0x4140]  }
0xfe: {  	v11 =	vld [tilespmem:s15+$0x4160]  }
0xff: {  	v13 =	vld [tilespmem:s15+$0x4150]  }
0x100: {  	v10 =	vld [tilespmem:s15+$0x4180]  }
0x101: {  	v29 =	vld [tilespmem:s15+$0x40C0];
	v28 =	vand.u32 $0xFFFF, v8  }
0x102: {  	v9 =	vld [tilespmem:s15+$0x41A0];
	v30 =	vshrl.u32 v8, $0x10;
	vm0 =	vne.s32 v28, $0x0  }
0x103: {  	v32 =	vld [tilespmem:s15+$0x40B0];
	v31 =	vand.u32 $0xFFFF, v24;
	vm1 =	vne.s32 v30, $0x0  }
0x104: {  	v34 =	vld [tilespmem:s15+$0x40F0];
	v24 =	vshrl.u32 v24, $0x10;
	vm2 =	vne.s32 v31, $0x0  }
0x105: {  	v36 =	vld [tilespmem:s15+$0x40E0];
	v33 =	vand.u32 $0xFFFF, v6;
	vm3 =	vne.s32 v24, $0x0  }
0x106: {  	v8 =	vld [tilespmem:s15+$0x41B0];
	v35 =	vshrl.u32 v6, $0x10;
	vm4 =	vne.s32 v33, $0x0  }
0x107: {  	v37 =	vand.u32 $0xFFFF, v23;
	v6 =	vld [tilespmem:s15+$0x41F0];
	vm5 =	vne.s32 v35, $0x0  }
0x108: {  	v23 =	vshrl.u32 v23, $0x10;
	vm6 =	vne.s32 v37, $0x0;
	[tilespmem:v28+s9+$0x0] =	vst.idx.add.f32.msk vm0, v1  }
0x109: {  	v57 =	vand.u32 $0xFFFF, v15;
	vm0 =	vne.s32 v23, $0x0;
	[tilespmem:v30+s9+$0x0] =	vst.idx.add.f32.msk vm1, v1  }
0x10a: {  	v15 =	vshrl.u32 v15, $0x10;
	vm1 =	vne.s32 v57, $0x0;
	[tilespmem:v31+s9+$0x0] =	vst.idx.add.f32.msk vm2, v1  }
0x10b: {  	v58 =	vand.u32 $0xFFFF, v22;
	vm2 =	vne.s32 v15, $0x0;
	[tilespmem:v24+s9+$0x0] =	vst.idx.add.f32.msk vm3, v1  }
0x10c: {  	v22 =	vshrl.u32 v22, $0x10;
	vm3 =	vne.s32 v58, $0x0;
	[tilespmem:v33+s9+$0x0] =	vst.idx.add.f32.msk vm4, v1  }
0x10d: {  	v59 =	vand.u32 $0xFFFF, v16;
	vm14 =	vne.s32 v22, $0x0;
	[tilespmem:v35+s9+$0x0] =	vst.idx.add.f32.msk vm5, v1  }
0x10e: {  	v16 =	vshrl.u32 v16, $0x10;
	vm15 =	vne.s32 v59, $0x0;
	[tilespmem:v37+s9+$0x0] =	vst.idx.add.f32.msk vm6, v1  }
0x10f: {  	v60 =	vand.u32 $0xFFFF, v26;
	vm9 =	vne.s32 v16, $0x0;
	[tilespmem:v23+s9+$0x0] =	vst.idx.add.f32.msk vm0, v1  }
0x110: {  	v61 =	vshrl.u32 v26, $0x10;
	vm0 =	vne.s32 v60, $0x0;
	[tilespmem:v57+s9+$0x0] =	vst.idx.add.f32.msk vm1, v1  }
0x111: {  	v62 =	vand.u32 $0xFFFF, v14;
	vm1 =	vne.s32 v61, $0x0;
	[tilespmem:v15+s9+$0x0] =	vst.idx.add.f32.msk vm2, v1  }
0x112: {  	v14 =	vshrl.u32 v14, $0x10;
	vm2 =	vne.s32 v62, $0x0;
	[tilespmem:v58+s9+$0x0] =	vst.idx.add.f32.msk vm3, v1  }
0x113: {  	v63 =	vand.u32 $0xFFFF, v21;
	vm3 =	vne.s32 v14, $0x0;
	[tilespmem:v22+s9+$0x0] =	vst.idx.add.f32.msk vm14, v1  }
0x114: {  	v21 =	vshrl.u32 v21, $0x10;
	vm10 =	vne.s32 v63, $0x0;
	[tilespmem:v59+s9+$0x0] =	vst.idx.add.f32.msk vm15, v1  }
0x115: {  	vm11 =	vne.s32 v21, $0x0;
	v28 =	vand.u32 $0xFFFF, v20;
	[tilespmem:v16+s9+$0x0] =	vst.idx.add.f32.msk vm9, v1  }
0x116: {  	v30 =	vshrl.u32 v20, $0x10;
	vm12 =	vne.s32 v28, $0x0;
	[tilespmem:v60+s9+$0x0] =	vst.idx.add.f32.msk vm0, v1  }
0x117: {  	v31 =	vand.u32 $0xFFFF, v32;
	vm0 =	vne.s32 v30, $0x0;
	[tilespmem:v61+s9+$0x0] =	vst.idx.add.f32.msk vm1, v1  }
0x118: {  	v33 =	vshrl.u32 v32, $0x10;
	vm1 =	vne.s32 v31, $0x0;
	[tilespmem:v62+s9+$0x0] =	vst.idx.add.f32.msk vm2, v1  }
0x119: {  	v35 =	vand.u32 $0xFFFF, v29;
	vm2 =	vne.s32 v33, $0x0;
	[tilespmem:v14+s9+$0x0] =	vst.idx.add.f32.msk vm3, v1  }
0x11a: {  	v37 =	vshrl.u32 v29, $0x10;
	vm3 =	vne.s32 v35, $0x0;
	[tilespmem:v63+s9+$0x0] =	vst.idx.add.f32.msk vm10, v1  }
0x11b: {  	v38 =	vand.u32 $0xFFFF, v25;
	vm13 =	vne.s32 v37, $0x0;
	[tilespmem:v21+s9+$0x0] =	vst.idx.add.f32.msk vm11, v1  }
0x11c: {  	v39 =	vshrl.u32 v25, $0x10;
	vm14 =	vne.s32 v38, $0x0;
	[tilespmem:v28+s9+$0x0] =	vst.idx.add.f32.msk vm12, v1  }
0x11d: {  	v40 =	vand.u32 $0xFFFF, v36;
	vm15 =	vne.s32 v39, $0x0;
	[tilespmem:v30+s9+$0x0] =	vst.idx.add.f32.msk vm0, v1  }
0x11e: {  	v41 =	vshrl.u32 v36, $0x10;
	vm0 =	vne.s32 v40, $0x0;
	[tilespmem:v31+s9+$0x0] =	vst.idx.add.f32.msk vm1, v1  }
0x11f: {  	v42 =	vand.u32 $0xFFFF, v34;
	vm1 =	vne.s32 v41, $0x0;
	[tilespmem:v33+s9+$0x0] =	vst.idx.add.f32.msk vm2, v1  }
0x120: {  	v43 =	vshrl.u32 v34, $0x10;
	vm2 =	vne.s32 v42, $0x0;
	[tilespmem:v35+s9+$0x0] =	vst.idx.add.f32.msk vm3, v1  }
0x121: {  	v44 =	vand.u32 $0xFFFF, v18;
	vm3 =	vne.s32 v43, $0x0;
	[tilespmem:v37+s9+$0x0] =	vst.idx.add.f32.msk vm13, v1  }
0x122: {  	v45 =	vshrl.u32 v18, $0x10;
	vm9 =	vne.s32 v44, $0x0;
	[tilespmem:v38+s9+$0x0] =	vst.idx.add.f32.msk vm14, v1  }
0x123: {  	v46 =	vand.u32 $0xFFFF, v19;
	vm10 =	vne.s32 v45, $0x0;
	[tilespmem:v39+s9+$0x0] =	vst.idx.add.f32.msk vm15, v1  }
0x124: {  	v47 =	vshrl.u32 v19, $0x10;
	vm11 =	vne.s32 v46, $0x0;
	[tilespmem:v40+s9+$0x0] =	vst.idx.add.f32.msk vm0, v1  }
0x125: {  	v48 =	vand.u32 $0xFFFF, v17;
	vm0 =	vne.s32 v47, $0x0;
	[tilespmem:v41+s9+$0x0] =	vst.idx.add.f32.msk vm1, v1  }
0x126: {  	v49 =	vshrl.u32 v17, $0x10;
	vm1 =	vne.s32 v48, $0x0;
	[tilespmem:v42+s9+$0x0] =	vst.idx.add.f32.msk vm2, v1  }
0x127: {  	v50 =	vand.u32 $0xFFFF, v12;
	vm2 =	vne.s32 v49, $0x0;
	[tilespmem:v43+s9+$0x0] =	vst.idx.add.f32.msk vm3, v1  }
0x128: {  	v12 =	vshrl.u32 v12, $0x10;
	vm3 =	vne.s32 v50, $0x0;
	[tilespmem:v44+s9+$0x0] =	vst.idx.add.f32.msk vm9, v1  }
0x129: {  	v51 =	vand.u32 $0xFFFF, v27;
	vm12 =	vne.s32 v12, $0x0;
	[tilespmem:v45+s9+$0x0] =	vst.idx.add.f32.msk vm10, v1  }
0x12a: {  	v52 =	vshrl.u32 v27, $0x10;
	vm13 =	vne.s32 v51, $0x0;
	[tilespmem:v46+s9+$0x0] =	vst.idx.add.f32.msk vm11, v1  }
0x12b: {  	v53 =	vand.u32 $0xFFFF, v13;
	vm14 =	vne.s32 v52, $0x0;
	[tilespmem:v47+s9+$0x0] =	vst.idx.add.f32.msk vm0, v1  }
0x12c: {  	v13 =	vshrl.u32 v13, $0x10;
	vm0 =	vne.s32 v53, $0x0;
	[tilespmem:v48+s9+$0x0] =	vst.idx.add.f32.msk vm1, v1  }
0x12d: {  	v54 =	vand.u32 $0xFFFF, v11;
	vm1 =	vne.s32 v13, $0x0;
	[tilespmem:v49+s9+$0x0] =	vst.idx.add.f32.msk vm2, v1  }
0x12e: {  	v11 =	vshrl.u32 v11, $0x10;
	vm2 =	vne.s32 v54, $0x0;
	[tilespmem:v50+s9+$0x0] =	vst.idx.add.f32.msk vm3, v1  }
0x12f: {  	v55 =	vand.u32 $0xFFFF, v7;
	vm3 =	vne.s32 v11, $0x0;
	[tilespmem:v12+s9+$0x0] =	vst.idx.add.f32.msk vm12, v1  }
0x130: {  	v7 =	vshrl.u32 v7, $0x10;
	vm15 =	vne.s32 v55, $0x0;
	[tilespmem:v51+s9+$0x0] =	vst.idx.add.f32.msk vm13, v1  }
0x131: {  	v56 =	vand.u32 $0xFFFF, v10;
	vm9 =	vne.s32 v7, $0x0;
	[tilespmem:v52+s9+$0x0] =	vst.idx.add.f32.msk vm14, v1  }
0x132: {  	v10 =	vshrl.u32 v10, $0x10;
	vm10 =	vne.s32 v56, $0x0;
	[tilespmem:v53+s9+$0x0] =	vst.idx.add.f32.msk vm0, v1  }
0x133: {  	v57 =	vand.u32 $0xFFFF, v5;
	vm0 =	vne.s32 v10, $0x0;
	[tilespmem:v13+s9+$0x0] =	vst.idx.add.f32.msk vm1, v1  }
0x134: {  	v5 =	vshrl.u32 v5, $0x10;
	vm1 =	vne.s32 v57, $0x0;
	[tilespmem:v54+s9+$0x0] =	vst.idx.add.f32.msk vm2, v1  }
0x135: {  	v58 =	vand.u32 $0xFFFF, v9;
	vm2 =	vne.s32 v5, $0x0;
	[tilespmem:v11+s9+$0x0] =	vst.idx.add.f32.msk vm3, v1  }
0x136: {  	v9 =	vshrl.u32 v9, $0x10;
	vm3 =	vne.s32 v58, $0x0;
	[tilespmem:v55+s9+$0x0] =	vst.idx.add.f32.msk vm15, v1  }
0x137: {  	v59 =	vand.u32 $0xFFFF, v8;
	vm11 =	vne.s32 v9, $0x0;
	[tilespmem:v7+s9+$0x0] =	vst.idx.add.f32.msk vm9, v1  }
0x138: {  	v60 =	vshrl.u32 v8, $0x10;
	vm12 =	vne.s32 v59, $0x0;
	[tilespmem:v56+s9+$0x0] =	vst.idx.add.f32.msk vm10, v1  }
0x139: {  	v61 =	vand.u32 $0xFFFF, v4;
	vm13 =	vne.s32 v60, $0x0;
	[tilespmem:v10+s9+$0x0] =	vst.idx.add.f32.msk vm0, v1  }
0x13a: {  	v4 =	vshrl.u32 v4, $0x10;
	vm0 =	vne.s32 v61, $0x0;
	[tilespmem:v57+s9+$0x0] =	vst.idx.add.f32.msk vm1, v1  }
0x13b: {  	v62 =	vand.u32 $0xFFFF, v3;
	vm1 =	vne.s32 v4, $0x0;
	[tilespmem:v5+s9+$0x0] =	vst.idx.add.f32.msk vm2, v1  }
0x13c: {  	v3 =	vshrl.u32 v3, $0x10;
	vm2 =	vne.s32 v62, $0x0;
	[tilespmem:v58+s9+$0x0] =	vst.idx.add.f32.msk vm3, v1  }
0x13d: {  	vm3 =	vne.s32 v3, $0x0;
	[tilespmem:v9+s9+$0x0] =	vst.idx.add.f32.msk vm11, v1  }
0x13e: {  	[tilespmem:v59+s9+$0x0] =	vst.idx.add.f32.msk vm12, v1  }
0x13f: {  	[tilespmem:v60+s9+$0x0] =	vst.idx.add.f32.msk vm13, v1  }
0x140: {  	v5 =	vand.u32 $0xFFFF, v2;
	[tilespmem:v61+s9+$0x0] =	vst.idx.add.f32.msk vm0, v1  }
0x141: {  	v63 =	vshrl.u32 v2, $0x10;
	vm14 =	vne.s32 v5, $0x0;
	[tilespmem:v4+s9+$0x0] =	vst.idx.add.f32.msk vm1, v1  }
0x142: {  	vm15 =	vne.s32 v63, $0x0;
	v2 =	vand.u32 $0xFFFF, v6;
	[tilespmem:v62+s9+$0x0] =	vst.idx.add.f32.msk vm2, v1  }
0x143: {  	vm0 =	vne.s32 v2, $0x0;
	[tilespmem:v3+s9+$0x0] =	vst.idx.add.f32.msk vm3, v1;
	v3 =	vshrl.u32 v6, $0x10  }
0x144: {  	vm1 =	vne.s32 v3, $0x0;
	_ =	sdelay $0x2  }
0x145: {  	[tilespmem:v5+s9+$0x0] =	vst.idx.add.f32.msk vm14, v1  }
0x146: {  	s15 =	simm.s32 $0x800;
	[tilespmem:v63+s9+$0x0] =	vst.idx.add.f32.msk vm15, v1  }
.LBB2_6:
0x147: {  	s16 =	sshra.s32 s15, $0x2;
	p0 =	sne.s32 s15, $0xF800;
	s15 =	sadd.s32 $0x800, s15;
	[tilespmem:v2+s9+$0x0] =	vst.idx.add.f32.msk vm0, v1  }
0x148: {  	[tilespmem:v3+s9+$0x0] =	vst.idx.add.f32.msk vm1, v1  }
0x149: {  	v2 =	vld [tilespmem:s16+$0x41E0]  }
0x14a: {  	v3 =	vld [tilespmem:s16+$0x41D0]  }
0x14b: {  	v7 =	vld [tilespmem:s16+$0x4080]  }
0x14c: {  	v4 =	vld [tilespmem:s16+$0x41C0]  }
0x14d: {  	v5 =	vld [tilespmem:s16+$0x4190]  }
0x14e: {  	v6 =	vld [tilespmem:s16+$0x4170]  }
0x14f: {  	v8 =	vld [tilespmem:s16+$0x4040]  }
0x150: {  	v10 =	vld [tilespmem:s16+$0x4060]  }
0x151: {  	v9 =	vld [tilespmem:s16+$0x4130]  }
0x152: {  	v12 =	vld [tilespmem:s16+$0x4120]  }
0x153: {  	v17 =	vld [tilespmem:s16+$0x4100]  }
0x154: {  	v14 =	vld [tilespmem:s16+$0x4110]  }
0x155: {  	v18 =	vld [tilespmem:s16+$0x40A0]  }
0x156: {  	v19 =	vld [tilespmem:s16+$0x4090]  }
0x157: {  	v20 =	vld [tilespmem:s16+$0x4050]  }
0x158: {  	v21 =	vld [tilespmem:s16+$0x4030]  }
0x159: {  	v23 =	vand.u32 $0xFFFF, v8;
	v22 =	vld [tilespmem:s16+$0x4020]  }
0x15a: {  	v24 =	vshrl.u32 v8, $0x10;
	vm0 =	vne.s32 v23, $0x0;
	v11 =	vld [tilespmem:s16+$0x4010]  }
0x15b: {  	vm3 =	vne.s32 v24, $0x0;
	v8 =	vld [tilespmem:s16+$0x4000]  }
0x15c: {  	v25 =	vld [tilespmem:s16+$0x40D0]  }
0x15d: {  	v26 =	vld [tilespmem:s16+$0x4070]  }
0x15e: {  	v28 =	vand.u32 $0xFFFF, v10;
	v27 =	vshrl.u32 v21, $0x10;
	v15 =	vld [tilespmem:s16+$0x4140]  }
0x15f: {  	v30 =	vshrl.u32 v10, $0x10;
	vm1 =	vne.s32 v28, $0x0;
	v29 =	vand.u32 $0xFFFF, v22;
	v13 =	vld [tilespmem:s16+$0x4160]  }
0x160: {  	vm2 =	vne.s32 v30, $0x0;
	v32 =	vand.u32 $0xFFFF, v11;
	v31 =	vand.u32 $0xFFFF, v8;
	v16 =	vld [tilespmem:s16+$0x4150]  }
0x161: {  	v34 =	vshrl.u32 v11, $0x10;
	v33 =	vshrl.u32 v8, $0x10;
	vm8 =	vne.s32 v32, $0x0;
	v11 =	vld [tilespmem:s16+$0x4180]  }
0x162: {  	v35 =	vand.u32 $0xFFFF, v7;
	vm9 =	vne.s32 v34, $0x0;
	vm10 =	vne.s32 v33, $0x0;
	v36 =	vld [tilespmem:s16+$0x40C0]  }
0x163: {  	v37 =	vshrl.u32 v7, $0x10;
	vm4 =	vne.s32 v35, $0x0;
	vm11 =	vne.s32 v31, $0x0;
	v8 =	vld [tilespmem:s16+$0x41B0]  }
0x164: {  	vm5 =	vne.s32 v37, $0x0;
	v22 =	vshrl.u32 v22, $0x10;
	vm12 =	vne.s32 v29, $0x0;
	v10 =	vld [tilespmem:s16+$0x41A0]  }
0x165: {  	v21 =	vand.u32 $0xFFFF, v21;
	vm13 =	vne.s32 v22, $0x0;
	v38 =	vand.u32 $0xFFFF, v26;
	v39 =	vld [tilespmem:s16+$0x40B0]  }
0x166: {  	vm14 =	vne.s32 v21, $0x0;
	v26 =	vshrl.u32 v26, $0x10;
	vm6 =	vne.s32 v38, $0x0;
	v40 =	vld [tilespmem:s16+$0x40F0]  }
0x167: {  	vm15 =	vne.s32 v27, $0x0;
	vm7 =	vne.s32 v26, $0x0;
	v41 =	vld [tilespmem:s16+$0x40E0]  }
0x168: {  	v7 =	vld [tilespmem:s16+$0x41F0]  }
0x169: {  	[tilespmem:v31+s9+$0x0] =	vst.idx.add.f32.msk vm11, v1  }
0x16a: {  	[tilespmem:v33+s9+$0x0] =	vst.idx.add.f32.msk vm10, v1  }
0x16b: {  	v31 =	vand.u32 $0xFFFF, v20;
	[tilespmem:v32+s9+$0x0] =	vst.idx.add.f32.msk vm8, v1  }
0x16c: {  	v20 =	vshrl.u32 v20, $0x10;
	vm8 =	vne.s32 v31, $0x0;
	[tilespmem:v34+s9+$0x0] =	vst.idx.add.f32.msk vm9, v1  }
0x16d: {  	vm9 =	vne.s32 v20, $0x0;
	[tilespmem:v29+s9+$0x0] =	vst.idx.add.f32.msk vm12, v1  }
0x16e: {  	[tilespmem:v22+s9+$0x0] =	vst.idx.add.f32.msk vm13, v1  }
0x16f: {  	[tilespmem:v21+s9+$0x0] =	vst.idx.add.f32.msk vm14, v1  }
0x170: {  	[tilespmem:v27+s9+$0x0] =	vst.idx.add.f32.msk vm15, v1  }
0x171: {  	[tilespmem:v23+s9+$0x0] =	vst.idx.add.f32.msk vm0, v1  }
0x172: {  	[tilespmem:v24+s9+$0x0] =	vst.idx.add.f32.msk vm3, v1  }
0x173: {  	v21 =	vand.u32 $0xFFFF, v19;
	[tilespmem:v31+s9+$0x0] =	vst.idx.add.f32.msk vm8, v1  }
0x174: {  	v22 =	vshrl.u32 v18, $0x10;
	v19 =	vshrl.u32 v19, $0x10;
	vm3 =	vne.s32 v21, $0x0;
	[tilespmem:v20+s9+$0x0] =	vst.idx.add.f32.msk vm9, v1  }
0x175: {  	v18 =	vand.u32 $0xFFFF, v18;
	vm8 =	vne.s32 v19, $0x0;
	v20 =	vand.u32 $0xFFFF, v39;
	[tilespmem:v28+s9+$0x0] =	vst.idx.add.f32.msk vm1, v1  }
0x176: {  	v23 =	vshrl.u32 v39, $0x10;
	vm9 =	vne.s32 v18, $0x0;
	vm0 =	vne.s32 v20, $0x0;
	[tilespmem:v30+s9+$0x0] =	vst.idx.add.f32.msk vm2, v1  }
0x177: {  	vm1 =	vne.s32 v23, $0x0;
	vm2 =	vne.s32 v22, $0x0;
	[tilespmem:v38+s9+$0x0] =	vst.idx.add.f32.msk vm6, v1  }
0x178: {  	[tilespmem:v26+s9+$0x0] =	vst.idx.add.f32.msk vm7, v1  }
0x179: {  	v24 =	vand.u32 $0xFFFF, v36;
	[tilespmem:v35+s9+$0x0] =	vst.idx.add.f32.msk vm4, v1  }
0x17a: {  	v26 =	vshrl.u32 v36, $0x10;
	vm4 =	vne.s32 v24, $0x0;
	[tilespmem:v37+s9+$0x0] =	vst.idx.add.f32.msk vm5, v1  }
0x17b: {  	v27 =	vand.u32 $0xFFFF, v25;
	vm5 =	vne.s32 v26, $0x0;
	[tilespmem:v21+s9+$0x0] =	vst.idx.add.f32.msk vm3, v1  }
0x17c: {  	v21 =	vshrl.u32 v25, $0x10;
	vm3 =	vne.s32 v27, $0x0;
	[tilespmem:v19+s9+$0x0] =	vst.idx.add.f32.msk vm8, v1  }
0x17d: {  	vm6 =	vne.s32 v21, $0x0;
	v19 =	vand.u32 $0xFFFF, v41;
	[tilespmem:v18+s9+$0x0] =	vst.idx.add.f32.msk vm9, v1  }
0x17e: {  	v18 =	vshrl.u32 v41, $0x10;
	vm7 =	vne.s32 v19, $0x0;
	[tilespmem:v22+s9+$0x0] =	vst.idx.add.f32.msk vm2, v1  }
0x17f: {  	vm2 =	vne.s32 v18, $0x0;
	v22 =	vand.u32 $0xFFFF, v40;
	[tilespmem:v20+s9+$0x0] =	vst.idx.add.f32.msk vm0, v1  }
0x180: {  	v20 =	vshrl.u32 v40, $0x10;
	vm0 =	vne.s32 v22, $0x0;
	[tilespmem:v23+s9+$0x0] =	vst.idx.add.f32.msk vm1, v1  }
0x181: {  	vm1 =	vne.s32 v20, $0x0;
	v23 =	vand.u32 $0xFFFF, v17;
	[tilespmem:v24+s9+$0x0] =	vst.idx.add.f32.msk vm4, v1  }
0x182: {  	v17 =	vshrl.u32 v17, $0x10;
	vm4 =	vne.s32 v23, $0x0;
	[tilespmem:v26+s9+$0x0] =	vst.idx.add.f32.msk vm5, v1  }
0x183: {  	v24 =	vand.u32 $0xFFFF, v14;
	vm5 =	vne.s32 v17, $0x0;
	[tilespmem:v27+s9+$0x0] =	vst.idx.add.f32.msk vm3, v1  }
0x184: {  	v14 =	vshrl.u32 v14, $0x10;
	vm3 =	vne.s32 v24, $0x0;
	[tilespmem:v21+s9+$0x0] =	vst.idx.add.f32.msk vm6, v1  }
0x185: {  	vm6 =	vne.s32 v14, $0x0;
	v21 =	vand.u32 $0xFFFF, v12;
	[tilespmem:v19+s9+$0x0] =	vst.idx.add.f32.msk vm7, v1  }
0x186: {  	v12 =	vshrl.u32 v12, $0x10;
	vm7 =	vne.s32 v21, $0x0;
	[tilespmem:v18+s9+$0x0] =	vst.idx.add.f32.msk vm2, v1  }
0x187: {  	vm2 =	vne.s32 v12, $0x0;
	v18 =	vand.u32 $0xFFFF, v9;
	[tilespmem:v22+s9+$0x0] =	vst.idx.add.f32.msk vm0, v1  }
0x188: {  	v9 =	vshrl.u32 v9, $0x10;
	vm0 =	vne.s32 v18, $0x0;
	[tilespmem:v20+s9+$0x0] =	vst.idx.add.f32.msk vm1, v1  }
0x189: {  	v19 =	vand.u32 $0xFFFF, v15;
	vm1 =	vne.s32 v9, $0x0;
	[tilespmem:v23+s9+$0x0] =	vst.idx.add.f32.msk vm4, v1  }
0x18a: {  	v15 =	vshrl.u32 v15, $0x10;
	vm4 =	vne.s32 v19, $0x0;
	[tilespmem:v17+s9+$0x0] =	vst.idx.add.f32.msk vm5, v1  }
0x18b: {  	vm5 =	vne.s32 v15, $0x0;
	v17 =	vand.u32 $0xFFFF, v16;
	[tilespmem:v24+s9+$0x0] =	vst.idx.add.f32.msk vm3, v1  }
0x18c: {  	v16 =	vshrl.u32 v16, $0x10;
	vm3 =	vne.s32 v17, $0x0;
	[tilespmem:v14+s9+$0x0] =	vst.idx.add.f32.msk vm6, v1  }
0x18d: {  	vm6 =	vne.s32 v16, $0x0;
	v14 =	vand.u32 $0xFFFF, v13;
	[tilespmem:v21+s9+$0x0] =	vst.idx.add.f32.msk vm7, v1  }
0x18e: {  	v13 =	vshrl.u32 v13, $0x10;
	vm7 =	vne.s32 v14, $0x0;
	[tilespmem:v12+s9+$0x0] =	vst.idx.add.f32.msk vm2, v1  }
0x18f: {  	vm2 =	vne.s32 v13, $0x0;
	v12 =	vand.u32 $0xFFFF, v6;
	[tilespmem:v18+s9+$0x0] =	vst.idx.add.f32.msk vm0, v1  }
0x190: {  	v6 =	vshrl.u32 v6, $0x10;
	vm0 =	vne.s32 v12, $0x0;
	[tilespmem:v9+s9+$0x0] =	vst.idx.add.f32.msk vm1, v1  }
0x191: {  	vm1 =	vne.s32 v6, $0x0;
	v9 =	vand.u32 $0xFFFF, v11;
	[tilespmem:v19+s9+$0x0] =	vst.idx.add.f32.msk vm4, v1  }
0x192: {  	v11 =	vshrl.u32 v11, $0x10;
	vm4 =	vne.s32 v9, $0x0;
	[tilespmem:v15+s9+$0x0] =	vst.idx.add.f32.msk vm5, v1  }
0x193: {  	vm5 =	vne.s32 v11, $0x0;
	v15 =	vand.u32 $0xFFFF, v5;
	[tilespmem:v17+s9+$0x0] =	vst.idx.add.f32.msk vm3, v1  }
0x194: {  	v5 =	vshrl.u32 v5, $0x10;
	vm3 =	vne.s32 v15, $0x0;
	[tilespmem:v16+s9+$0x0] =	vst.idx.add.f32.msk vm6, v1  }
0x195: {  	vm6 =	vne.s32 v5, $0x0;
	v16 =	vand.u32 $0xFFFF, v10;
	[tilespmem:v14+s9+$0x0] =	vst.idx.add.f32.msk vm7, v1  }
0x196: {  	v10 =	vshrl.u32 v10, $0x10;
	vm7 =	vne.s32 v16, $0x0;
	[tilespmem:v13+s9+$0x0] =	vst.idx.add.f32.msk vm2, v1  }
0x197: {  	vm2 =	vne.s32 v10, $0x0;
	v13 =	vand.u32 $0xFFFF, v8;
	[tilespmem:v12+s9+$0x0] =	vst.idx.add.f32.msk vm0, v1  }
0x198: {  	v8 =	vshrl.u32 v8, $0x10;
	vm0 =	vne.s32 v13, $0x0;
	[tilespmem:v6+s9+$0x0] =	vst.idx.add.f32.msk vm1, v1  }
0x199: {  	vm1 =	vne.s32 v8, $0x0;
	v6 =	vand.u32 $0xFFFF, v4;
	[tilespmem:v9+s9+$0x0] =	vst.idx.add.f32.msk vm4, v1  }
0x19a: {  	v4 =	vshrl.u32 v4, $0x10;
	vm4 =	vne.s32 v6, $0x0;
	[tilespmem:v11+s9+$0x0] =	vst.idx.add.f32.msk vm5, v1  }
0x19b: {  	v9 =	vand.u32 $0xFFFF, v3;
	vm5 =	vne.s32 v4, $0x0;
	[tilespmem:v15+s9+$0x0] =	vst.idx.add.f32.msk vm3, v1  }
0x19c: {  	v11 =	vshrl.u32 v3, $0x10;
	vm3 =	vne.s32 v9, $0x0;
	[tilespmem:v5+s9+$0x0] =	vst.idx.add.f32.msk vm6, v1  }
0x19d: {  	vm6 =	vne.s32 v11, $0x0;
	v5 =	vand.u32 $0xFFFF, v2;
	[tilespmem:v16+s9+$0x0] =	vst.idx.add.f32.msk vm7, v1  }
0x19e: {  	v12 =	vshrl.u32 v2, $0x10;
	vm7 =	vne.s32 v5, $0x0;
	[tilespmem:v10+s9+$0x0] =	vst.idx.add.f32.msk vm2, v1  }
0x19f: {  	v2 =	vand.u32 $0xFFFF, v7;
	vm2 =	vne.s32 v12, $0x0;
	[tilespmem:v13+s9+$0x0] =	vst.idx.add.f32.msk vm0, v1  }
0x1a0: {  	v3 =	vshrl.u32 v7, $0x10;
	vm0 =	vne.s32 v2, $0x0;
	[tilespmem:v8+s9+$0x0] =	vst.idx.add.f32.msk vm1, v1  }
0x1a1: {  	vm1 =	vne.s32 v3, $0x0;
	[tilespmem:v6+s9+$0x0] =	vst.idx.add.f32.msk vm4, v1  }
.Ltmp2:
0x1a2: {  	[tilespmem:v4+s9+$0x0] =	vst.idx.add.f32.msk vm5, v1;
	(pc) =	sbr.rel @p0 .LBB2_6-.Ltmp2, $4  }
0x1a3: {  	[tilespmem:v9+s9+$0x0] =	vst.idx.add.f32.msk vm3, v1  }
0x1a4: {  	[tilespmem:v11+s9+$0x0] =	vst.idx.add.f32.msk vm6, v1  }
0x1a5: {  	[tilespmem:v5+s9+$0x0] =	vst.idx.add.f32.msk vm7, v1  }
0x1a6: {  	[tilespmem:v12+s9+$0x0] =	vst.idx.add.f32.msk vm2, v1  }
0x1a7: {  	_ =	sdelay $0x3  }
0x1a8: {  	s14 =	sadd.s32 $0x1, s14  }
0x1a9: {  	[tilespmem:v2+s9+$0x0] =	vst.idx.add.f32.msk vm0, v1;
	p0 =	sne.s32 s14, s6  }
.Ltmp3:
0x1aa: {  	[tilespmem:v3+s9+$0x0] =	vst.idx.add.f32.msk vm1, v1;
	(pc) =	sbr.rel @p0 .LBB2_1-.Ltmp3, $4  }
0x1ab: {  	[hbm4b:s5+s11] =	stream.strided.scatter [tilespmem:s9], [sflag:$0x3], $0x1800, s12, s11, $0x38;
	[tilespmem:$0x9800] =	vst v63  }
0x1ac: {  	_ =	swait.ge [sflag:s13], $0x1800  }
0x1ad: {  	[sflag:s13] =	ssyncset.done $0x0  }
0x1ae: {  	[sflag:s13] =	ssyncadd.s32 $0xFFFFE800  }
0x1af: {  	_ =	sfence.sel $0x180000  }
0x1b0: {  	[bflag:$0x0] =	sbarrier.arrive $0xFFFF  }
0x1b1: {  	p0 =	sne.s32 s0, $0x0;
	_ =	strace $0x90000047  }
0x1b2: {  	s0 =	sadd.s32 @!p0 $0x100000, s1;
	[bflag:$0x2] =	sbarrier.arrive $0xFFFF  }
0x1b3: {  	[sflag:s0] =	ssyncadd.tile.s32 @!p0 $0x1;
	_ =	shalt  }
.Lfunc_end2:
_tile_overlayer_lowered:
.L_overlay_start_2:
0x1b4: {  	(tag) =	ssettag $0x2  }
0x1b5: {  	s0 =	rddreg [dreg:$0x0];
	s2 =	stileid.u32  }
0x1b6: {  	s1 =	rddreg [dreg:$0x1];
	p0 =	sne.s32 s2, $0x0  }
0x1b7: {  	s3 =	rddreg [dreg:$0x2];
	[bflag:$0x3] =	sbarrier.arrive $0xFFFF;
	s2 =	simm.s32 @!p0 $0x1C03  }
0x1b8: {  	[timem:s3], [sflag:s2] =	dma.local @!p0 [hbm:s0], s1  }
0x1b9: {  	s0 =	simm.s32 @!p0 $0x3  }
0x1ba: {  	_ =	swait.ge @!p0 [sflag:s0], s1  }
0x1bb: {  	s1 =	ssub.s32 @!p0 $0x0, s1;
	[sflag:s0] =	ssyncset.done @!p0 $0x0  }
0x1bc: {  	[sflag:s0] =	ssyncadd.s32 @!p0 s1  }
0x1bd: {  	[bflag:$0x3] =	sbarrier.arrive $0xFFFF  }
0x1be: {  	_ =	shalt  }

</sc_bundles>
